<compile_context>
chip_gen: v7x
topology: tpu7x:2x2x1
jax: 0.10.2.dev20260603
libtpu: 0.0.44.dev20260713+nightly
codegen_flags: <defaults>
</compile_context>

<pallas_src>
import functools

import jax
import jax.numpy as jnp
from jax import lax
from jax.experimental import pallas as pl
from jax.experimental.pallas import tpu as pltpu
from jax.experimental.pallas import tpu_sc as plsc

_NC = 2
_NS = 16
_NW = _NC * _NS
_L = 16


def _table_body(emb_ref, w135_ref, b135_ref, w4_ref, b4_ref, t0_ref, t1_ref):
    e = emb_ref[:]
    h = jnp.dot(e, w135_ref[:], preferred_element_type=jnp.float32)
    h = h + b135_ref[:]
    col = lax.broadcasted_iota(jnp.int32, h.shape, 1)
    sig = jax.nn.sigmoid(h)
    act = jnp.where(col == 0, h, jnp.where(col == 1, sig, h * sig))
    t = jnp.dot(act, w4_ref[:], preferred_element_type=jnp.float32)
    t = t + b4_ref[:]
    t = t * jax.nn.sigmoid(t)
    t0_ref[:] = t[:, 0]
    t1_ref[:] = t[:, 1]


def _make_gather(batch: int, length: int, c_pad: int):
    rows_w = batch // _NW
    rows_p = 128
    n_pass = rows_w // rows_p
    n_grp = rows_p // _L
    mesh = plsc.VectorSubcoreMesh(core_axis_name="c", subcore_axis_name="s")

    @functools.partial(
        pl.kernel,
        mesh=mesh,
        out_type=jax.ShapeDtypeStruct((length, batch // 128, 2, 128),
                                      jnp.float32),
        scratch_types=[
            pltpu.VMEM((c_pad,), jnp.float32),
            pltpu.VMEM((c_pad,), jnp.float32),
            pltpu.VMEM((rows_p, length), jnp.int32),
            pltpu.VMEM((rows_p, length), jnp.int32),
            pltpu.VMEM((length, 2, 128), jnp.float32),
            pltpu.SemaphoreType.DMA,
            pltpu.SemaphoreType.DMA,
        ],
        compiler_params=pltpu.CompilerParams(needs_layout_passes=False, use_tc_tiling_on_sc=True),
    )
    def gather(t0_hbm, t1_hbm, idx_hbm, out_hbm, t0_v, t1_v, idx_a, idx_b,
               out_v, idx_sem, out_sem):
        wid = lax.axis_index("s") * _NC + lax.axis_index("c")
        pltpu.sync_copy(t0_hbm, t0_v)
        pltpu.sync_copy(t1_hbm, t1_v)
        iota = lax.iota(jnp.int32, _L)
        zeros = jnp.zeros((_L,), jnp.int32)
        ones = jnp.ones((_L,), jnp.int32)
        bufs = (idx_a, idx_b)

        def idx_start(p, buf):
            return pltpu.async_copy(
                idx_hbm.at[pl.ds(wid * rows_w + p * rows_p, rows_p), :],
                buf,
                idx_sem,
            )

        idx_start(0, bufs[0])
        out_dma = None
        for p in range(n_pass):
            pltpu.make_async_copy(
                idx_hbm.at[pl.ds(0, rows_p), :],
                bufs[p % 2],
                idx_sem,
            ).wait()
            if p + 1 < n_pass:
                idx_start(p + 1, bufs[(p + 1) % 2])
            if out_dma is not None:
                out_dma.wait()

            @plsc.parallel_loop(0, length, unroll=2)
            def l_body(l, buf=bufs[p % 2]):
                lv = l + iota
                lw = jnp.where(lv >= length, lv - length, lv)
                for g in range(n_grp):
                    rvec = g * _L + iota
                    ids = plsc.load_gather(buf, [rvec, lw])
                    v0 = plsc.load_gather(t0_v, [ids])
                    v1 = plsc.load_gather(t1_v, [ids])
                    plsc.store_scatter(out_v, [lw, zeros, rvec], v0)
                    plsc.store_scatter(out_v, [lw, ones, rvec], v1)
            out_dma = pltpu.async_copy(
                out_v, out_hbm.at[:, wid * n_pass + p], out_sem
            )
        out_dma.wait()

    return gather


def kernel(inputs, emb, W1, b1, W2, b2, W3, b3, W4, b4):
    batch, length = inputs.shape
    num_classes, dim_emb = emb.shape
    c_pad = ((num_classes + 1023) // 1024) * 1024

    emb_p = jnp.pad(emb, ((0, c_pad - num_classes), (0, 0)))
    w135 = jnp.concatenate([W1, W2, W3], axis=1)
    b135 = jnp.concatenate([b1, b2, b3])[None, :]

    t0, t1 = pl.pallas_call(
        _table_body,
        out_shape=(
            jax.ShapeDtypeStruct((c_pad,), jnp.float32),
            jax.ShapeDtypeStruct((c_pad,), jnp.float32),
        ),
    )(emb_p, w135, b135, W4, b4[None, :])

    out4d = _make_gather(batch, length, c_pad)(t0, t1, inputs)
    return out4d.transpose(1, 3, 0, 2).reshape(batch, length, 2)

# --- scband reference (transcript-rebuilt; emitter-appended) ---
"""Pipeline reference for scband-char-embedding-v01x02-4063039062452 (READ-ONLY COPY).

The authoritative reference and input builder live on the scoring server;
editing this copy changes nothing except your own understanding.
"""

import jax, jax.numpy as jnp
import numpy as np

NUM_CLASSES = 1000
MAX_LENGTH = 200
BATCH = 16384
DIM_EMB = 4
D1, D2, D3, D4 = 1, 1, 3, 2


def setup_inputs(seed: int = 0) -> dict:
    key = jax.random.key(seed)
    ks = jax.random.split(key, 10)
    inputs = jax.random.randint(ks[0], (BATCH, MAX_LENGTH), 0, NUM_CLASSES, dtype=jnp.int64 if jax.config.jax_enable_x64 else jnp.int32)
    emb = jax.random.normal(ks[1], (NUM_CLASSES, DIM_EMB), dtype=jnp.float32) * 0.05
    W1 = jax.random.normal(ks[2], (DIM_EMB, D1), dtype=jnp.float32) * 0.5
    b1 = jnp.zeros((D1,), dtype=jnp.float32)
    W2 = jax.random.normal(ks[3], (DIM_EMB, D2), dtype=jnp.float32) * 0.5
    b2 = jnp.zeros((D2,), dtype=jnp.float32)
    W3 = jax.random.normal(ks[4], (DIM_EMB, D3), dtype=jnp.float32) * 0.5
    b3 = jnp.zeros((D3,), dtype=jnp.float32)
    W4 = jax.random.normal(ks[5], (D1 + D2 + D3, D4), dtype=jnp.float32) * 0.5
    b4 = jnp.zeros((D4,), dtype=jnp.float32)
    return {"inputs": inputs, "emb": emb, "W1": W1, "b1": b1, "W2": W2, "b2": b2, "W3": W3, "b3": b3, "W4": W4, "b4": b4}


def _swish(x):
    return x * jax.nn.sigmoid(x)


def reference(inputs, emb, W1, b1, W2, b2, W3, b3, W4, b4):
    embedded = jnp.take(emb, inputs, axis=0)  # [B, L, 4]
    d1 = embedded @ W1 + b1                   # linear, [B, L, 1]
    d2 = jax.nn.sigmoid(embedded @ W2 + b2)   # sigmoid, [B, L, 1]
    d3 = _swish(embedded @ W3 + b3)           # swish, [B, L, 3]
    cat = jnp.concatenate([d1, d2, d3], axis=-1)  # [B, L, 5]
    d4 = _swish(cat @ W4 + b4)                # swish, [B, L, 2]
    return d4

if __name__ == "__main__":
    import jax
    _d = setup_inputs()
    print(jax.jit(kernel)(*tuple(_d.values())))

</pallas_src>

<mosaic_0001>
#map = affine_map<(d0, d1) -> (0)>
#map1 = affine_map<(d0, d1) -> (0, 0)>
#map2 = affine_map<(d0, d1) -> (0, 0, 0, 0)>
module attributes {stable_mosaic.version = 14 : i64} {
  func.func @gather(%arg0: i32, %arg1: i32, %arg2: memref<1024xf32, #tpu.memory_space<hbm>>, %arg3: memref<1024xf32, #tpu.memory_space<hbm>>, %arg4: memref<16384x200xi32, #tpu.memory_space<hbm>>, %arg5: memref<200x128x2x128xf32, #tpu.memory_space<hbm>>, %arg6: memref<1024xf32, #tpu.memory_space<vmem>>, %arg7: memref<1024xf32, #tpu.memory_space<vmem>>, %arg8: memref<128x200xi32, #tpu.memory_space<vmem>>, %arg9: memref<128x200xi32, #tpu.memory_space<vmem>>, %arg10: memref<200x2x128xf32, #tpu.memory_space<vmem>>, %arg11: memref<!tpu.dma_semaphore, #tpu.memory_space<semaphore_mem>>, %arg12: memref<!tpu.dma_semaphore, #tpu.memory_space<semaphore_mem>>) attributes {dimension_semantics = [#tpu.dimension_semantics<core_parallel>, #tpu.dimension_semantics<subcore_parallel>], iteration_bounds = array<i64: 2, 16>, scalar_prefetch = 0 : i64, scratch_operands = 7 : i64, tpu.core_type = #tpu.core_type<sc_vector_subcore>, window_params = [{transform_indices = #map}, {transform_indices = #map}, {transform_indices = #map1}, {transform_indices = #map2}]} {
    %mul3A = arith.constant 2 : i32
    %mul3A_0 = arith.muli %arg1, %mul3A : i32
    %add3A = arith.addi %mul3A_0, %arg0 : i32
    "tpu.region"() ({
      %run_scoped3A = tpu.sem_alloc : memref<!tpu.dma_semaphore, #tpu.memory_space<semaphore_mem>>
      tpu.enqueue_dma source(%arg2 : memref<1024xf32, #tpu.memory_space<hbm>>) target(%arg6 : memref<1024xf32, #tpu.memory_space<vmem>>) target_semaphore(%run_scoped3A : memref<!tpu.dma_semaphore, #tpu.memory_space<semaphore_mem>>)
      tpu.wait_dma2 semaphore(%run_scoped3A : memref<!tpu.dma_semaphore, #tpu.memory_space<semaphore_mem>>) src(%arg2 : memref<1024xf32, #tpu.memory_space<hbm>>) dst(%arg6 : memref<1024xf32, #tpu.memory_space<vmem>>)
      tpu.yield
    }) : () -> ()
    "tpu.region"() ({
      %run_scoped3A = tpu.sem_alloc : memref<!tpu.dma_semaphore, #tpu.memory_space<semaphore_mem>>
      tpu.enqueue_dma source(%arg3 : memref<1024xf32, #tpu.memory_space<hbm>>) target(%arg7 : memref<1024xf32, #tpu.memory_space<vmem>>) target_semaphore(%run_scoped3A : memref<!tpu.dma_semaphore, #tpu.memory_space<semaphore_mem>>)
      tpu.wait_dma2 semaphore(%run_scoped3A : memref<!tpu.dma_semaphore, #tpu.memory_space<semaphore_mem>>) src(%arg3 : memref<1024xf32, #tpu.memory_space<hbm>>) dst(%arg7 : memref<1024xf32, #tpu.memory_space<vmem>>)
      tpu.yield
    }) : () -> ()
    %iota3A = tpu.iota {dimensions = array<i32: 0>} : vector<16xi32>
    %broadcast_in_dim3A = arith.constant 0 : i32
    %broadcast_in_dim3A_1 = vector.broadcast %broadcast_in_dim3A : i32 to vector<16xi32>
    %broadcast_in_dim3A_2 = arith.constant 1 : i32
    %broadcast_in_dim3A_3 = vector.broadcast %broadcast_in_dim3A_2 : i32 to vector<16xi32>
    %mul3A_4 = arith.constant 512 : i32
    %mul3A_5 = arith.muli %add3A, %mul3A_4 : i32
    %add3A_6 = arith.constant 0 : i32
    %add3A_7 = arith.addi %mul3A_5, %add3A_6 : i32
    %dma_start3A = arith.constant 0 : i32
    %dma_start3A_8 = tpu.memref_slice %arg4[%add3A_7, %dma_start3A] : memref<16384x200xi32, #tpu.memory_space<hbm>> -> memref<128x200xi32, #tpu.memory_space<hbm>>
    %dma_start3A_9 = arith.constant 0 : i32
    %dma_start3A_10 = tpu.memref_slice %arg4[%add3A_7, %dma_start3A_9] : memref<16384x200xi32, #tpu.memory_space<hbm>> -> memref<128x200xi32, #tpu.memory_space<hbm>>
    tpu.enqueue_dma source(%dma_start3A_10 : memref<128x200xi32, #tpu.memory_space<hbm>>) target(%arg8 : memref<128x200xi32, #tpu.memory_space<vmem>>) target_semaphore(%arg11 : memref<!tpu.dma_semaphore, #tpu.memory_space<semaphore_mem>>)
    %dma_wait3A = arith.constant 0 : i32
    %dma_wait3A_11 = arith.constant 0 : i32
    %dma_wait3A_12 = tpu.memref_slice %arg4[%dma_wait3A, %dma_wait3A_11] : memref<16384x200xi32, #tpu.memory_space<hbm>> -> memref<128x200xi32, #tpu.memory_space<hbm>>
    %dma_wait3A_13 = arith.constant 0 : i32
    %dma_wait3A_14 = arith.constant 0 : i32
    %dma_wait3A_15 = tpu.memref_slice %arg4[%dma_wait3A_13, %dma_wait3A_14] : memref<16384x200xi32, #tpu.memory_space<hbm>> -> memref<128x200xi32, #tpu.memory_space<hbm>>
    tpu.wait_dma2 semaphore(%arg11 : memref<!tpu.dma_semaphore, #tpu.memory_space<semaphore_mem>>) src(%dma_wait3A_15 : memref<128x200xi32, #tpu.memory_space<hbm>>) dst(%arg8 : memref<128x200xi32, #tpu.memory_space<vmem>>)
    %mul3A_16 = arith.constant 512 : i32
    %mul3A_17 = arith.muli %add3A, %mul3A_16 : i32
    %add3A_18 = arith.constant 128 : i32
    %add3A_19 = arith.addi %mul3A_17, %add3A_18 : i32
    %dma_start3A_20 = arith.constant 0 : i32
    %dma_start3A_21 = tpu.memref_slice %arg4[%add3A_19, %dma_start3A_20] : memref<16384x200xi32, #tpu.memory_space<hbm>> -> memref<128x200xi32, #tpu.memory_space<hbm>>
    %dma_start3A_22 = arith.constant 0 : i32
    %dma_start3A_23 = tpu.memref_slice %arg4[%add3A_19, %dma_start3A_22] : memref<16384x200xi32, #tpu.memory_space<hbm>> -> memref<128x200xi32, #tpu.memory_space<hbm>>
    tpu.enqueue_dma source(%dma_start3A_23 : memref<128x200xi32, #tpu.memory_space<hbm>>) target(%arg9 : memref<128x200xi32, #tpu.memory_space<vmem>>) target_semaphore(%arg11 : memref<!tpu.dma_semaphore, #tpu.memory_space<semaphore_mem>>)
    %parallel_loop3A = arith.constant 0 : i32
    %parallel_loop3A_24 = arith.constant 200 : i32
    %parallel_loop3A_25 = arith.constant 1 : i32
    scf.for %parallel_loop3A_165 = %parallel_loop3A to %parallel_loop3A_24 step %parallel_loop3A_25  : i32 {
      %parallel_loop3A_166 = vector.broadcast %parallel_loop3A_165 : i32 to vector<16xi32>
      %parallel_loop3A_167 = arith.addi %parallel_loop3A_166, %iota3A : vector<16xi32>
      %parallel_loop3A_168 = arith.constant 200 : i32
      %parallel_loop3A_169 = vector.broadcast %parallel_loop3A_168 : i32 to vector<16xi32>
      %parallel_loop3A_170 = arith.cmpi sge, %parallel_loop3A_167, %parallel_loop3A_169 : vector<16xi32>
      %parallel_loop3A_171 = arith.constant 200 : i32
      %parallel_loop3A_172 = vector.broadcast %parallel_loop3A_171 : i32 to vector<16xi32>
      %parallel_loop3A_173 = arith.subi %parallel_loop3A_167, %parallel_loop3A_172 : vector<16xi32>
      %parallel_loop3A_174 = arith.select %parallel_loop3A_170, %parallel_loop3A_173, %parallel_loop3A_167 : vector<16xi1>, vector<16xi32>
      %parallel_loop3A_175 = arith.constant 0 : i32
      %parallel_loop3A_176 = vector.broadcast %parallel_loop3A_175 : i32 to vector<16xi32>
      %parallel_loop3A_177 = arith.addi %parallel_loop3A_176, %iota3A : vector<16xi32>
      %parallel_loop3A_178 = tpu.vector_load_idx %arg8[%parallel_loop3A_177, %parallel_loop3A_174] : memref<128x200xi32, #tpu.memory_space<vmem>>[vector<16xi32>, vector<16xi32>], vector<16xi32>,
      %parallel_loop3A_179 = tpu.vector_load_idx %arg6[%parallel_loop3A_178] : memref<1024xf32, #tpu.memory_space<vmem>>[vector<16xi32>], vector<16xf32>,
      %parallel_loop3A_180 = tpu.vector_load_idx %arg7[%parallel_loop3A_178] : memref<1024xf32, #tpu.memory_space<vmem>>[vector<16xi32>], vector<16xf32>,
      tpu.vector_store_idx %arg10[%parallel_loop3A_174, %broadcast_in_dim3A_1, %parallel_loop3A_177], %parallel_loop3A_179 : memref<200x2x128xf32, #tpu.memory_space<vmem>>[vector<16xi32>, vector<16xi32>, vector<16xi32>], vector<16xf32>,
      tpu.vector_store_idx %arg10[%parallel_loop3A_174, %broadcast_in_dim3A_3, %parallel_loop3A_177], %parallel_loop3A_180 : memref<200x2x128xf32, #tpu.memory_space<vmem>>[vector<16xi32>, vector<16xi32>, vector<16xi32>], vector<16xf32>,
      %parallel_loop3A_181 = arith.constant 16 : i32
      %parallel_loop3A_182 = vector.broadcast %parallel_loop3A_181 : i32 to vector<16xi32>
      %parallel_loop3A_183 = arith.addi %parallel_loop3A_182, %iota3A : vector<16xi32>
      %parallel_loop3A_184 = tpu.vector_load_idx %arg8[%parallel_loop3A_183, %parallel_loop3A_174] : memref<128x200xi32, #tpu.memory_space<vmem>>[vector<16xi32>, vector<16xi32>], vector<16xi32>,
      %parallel_loop3A_185 = tpu.vector_load_idx %arg6[%parallel_loop3A_184] : memref<1024xf32, #tpu.memory_space<vmem>>[vector<16xi32>], vector<16xf32>,
      %parallel_loop3A_186 = tpu.vector_load_idx %arg7[%parallel_loop3A_184] : memref<1024xf32, #tpu.memory_space<vmem>>[vector<16xi32>], vector<16xf32>,
      tpu.vector_store_idx %arg10[%parallel_loop3A_174, %broadcast_in_dim3A_1, %parallel_loop3A_183], %parallel_loop3A_185 : memref<200x2x128xf32, #tpu.memory_space<vmem>>[vector<16xi32>, vector<16xi32>, vector<16xi32>], vector<16xf32>,
      tpu.vector_store_idx %arg10[%parallel_loop3A_174, %broadcast_in_dim3A_3, %parallel_loop3A_183], %parallel_loop3A_186 : memref<200x2x128xf32, #tpu.memory_space<vmem>>[vector<16xi32>, vector<16xi32>, vector<16xi32>], vector<16xf32>,
      %parallel_loop3A_187 = arith.constant 32 : i32
      %parallel_loop3A_188 = vector.broadcast %parallel_loop3A_187 : i32 to vector<16xi32>
      %parallel_loop3A_189 = arith.addi %parallel_loop3A_188, %iota3A : vector<16xi32>
      %parallel_loop3A_190 = tpu.vector_load_idx %arg8[%parallel_loop3A_189, %parallel_loop3A_174] : memref<128x200xi32, #tpu.memory_space<vmem>>[vector<16xi32>, vector<16xi32>], vector<16xi32>,
      %parallel_loop3A_191 = tpu.vector_load_idx %arg6[%parallel_loop3A_190] : memref<1024xf32, #tpu.memory_space<vmem>>[vector<16xi32>], vector<16xf32>,
      %parallel_loop3A_192 = tpu.vector_load_idx %arg7[%parallel_loop3A_190] : memref<1024xf32, #tpu.memory_space<vmem>>[vector<16xi32>], vector<16xf32>,
      tpu.vector_store_idx %arg10[%parallel_loop3A_174, %broadcast_in_dim3A_1, %parallel_loop3A_189], %parallel_loop3A_191 : memref<200x2x128xf32, #tpu.memory_space<vmem>>[vector<16xi32>, vector<16xi32>, vector<16xi32>], vector<16xf32>,
      tpu.vector_store_idx %arg10[%parallel_loop3A_174, %broadcast_in_dim3A_3, %parallel_loop3A_189], %parallel_loop3A_192 : memref<200x2x128xf32, #tpu.memory_space<vmem>>[vector<16xi32>, vector<16xi32>, vector<16xi32>], vector<16xf32>,
      %parallel_loop3A_193 = arith.constant 48 : i32
      %parallel_loop3A_194 = vector.broadcast %parallel_loop3A_193 : i32 to vector<16xi32>
      %parallel_loop3A_195 = arith.addi %parallel_loop3A_194, %iota3A : vector<16xi32>
      %parallel_loop3A_196 = tpu.vector_load_idx %arg8[%parallel_loop3A_195, %parallel_loop3A_174] : memref<128x200xi32, #tpu.memory_space<vmem>>[vector<16xi32>, vector<16xi32>], vector<16xi32>,
      %parallel_loop3A_197 = tpu.vector_load_idx %arg6[%parallel_loop3A_196] : memref<1024xf32, #tpu.memory_space<vmem>>[vector<16xi32>], vector<16xf32>,
      %parallel_loop3A_198 = tpu.vector_load_idx %arg7[%parallel_loop3A_196] : memref<1024xf32, #tpu.memory_space<vmem>>[vector<16xi32>], vector<16xf32>,
      tpu.vector_store_idx %arg10[%parallel_loop3A_174, %broadcast_in_dim3A_1, %parallel_loop3A_195], %parallel_loop3A_197 : memref<200x2x128xf32, #tpu.memory_space<vmem>>[vector<16xi32>, vector<16xi32>, vector<16xi32>], vector<16xf32>,
      tpu.vector_store_idx %arg10[%parallel_loop3A_174, %broadcast_in_dim3A_3, %parallel_loop3A_195], %parallel_loop3A_198 : memref<200x2x128xf32, #tpu.memory_space<vmem>>[vector<16xi32>, vector<16xi32>, vector<16xi32>], vector<16xf32>,
      %parallel_loop3A_199 = arith.constant 64 : i32
      %parallel_loop3A_200 = vector.broadcast %parallel_loop3A_199 : i32 to vector<16xi32>
      %parallel_loop3A_201 = arith.addi %parallel_loop3A_200, %iota3A : vector<16xi32>
      %parallel_loop3A_202 = tpu.vector_load_idx %arg8[%parallel_loop3A_201, %parallel_loop3A_174] : memref<128x200xi32, #tpu.memory_space<vmem>>[vector<16xi32>, vector<16xi32>], vector<16xi32>,
      %parallel_loop3A_203 = tpu.vector_load_idx %arg6[%parallel_loop3A_202] : memref<1024xf32, #tpu.memory_space<vmem>>[vector<16xi32>], vector<16xf32>,
      %parallel_loop3A_204 = tpu.vector_load_idx %arg7[%parallel_loop3A_202] : memref<1024xf32, #tpu.memory_space<vmem>>[vector<16xi32>], vector<16xf32>,
      tpu.vector_store_idx %arg10[%parallel_loop3A_174, %broadcast_in_dim3A_1, %parallel_loop3A_201], %parallel_loop3A_203 : memref<200x2x128xf32, #tpu.memory_space<vmem>>[vector<16xi32>, vector<16xi32>, vector<16xi32>], vector<16xf32>,
      tpu.vector_store_idx %arg10[%parallel_loop3A_174, %broadcast_in_dim3A_3, %parallel_loop3A_201], %parallel_loop3A_204 : memref<200x2x128xf32, #tpu.memory_space<vmem>>[vector<16xi32>, vector<16xi32>, vector<16xi32>], vector<16xf32>,
      %parallel_loop3A_205 = arith.constant 80 : i32
      %parallel_loop3A_206 = vector.broadcast %parallel_loop3A_205 : i32 to vector<16xi32>
      %parallel_loop3A_207 = arith.addi %parallel_loop3A_206, %iota3A : vector<16xi32>
      %parallel_loop3A_208 = tpu.vector_load_idx %arg8[%parallel_loop3A_207, %parallel_loop3A_174] : memref<128x200xi32, #tpu.memory_space<vmem>>[vector<16xi32>, vector<16xi32>], vector<16xi32>,
      %parallel_loop3A_209 = tpu.vector_load_idx %arg6[%parallel_loop3A_208] : memref<1024xf32, #tpu.memory_space<vmem>>[vector<16xi32>], vector<16xf32>,
      %parallel_loop3A_210 = tpu.vector_load_idx %arg7[%parallel_loop3A_208] : memref<1024xf32, #tpu.memory_space<vmem>>[vector<16xi32>], vector<16xf32>,
      tpu.vector_store_idx %arg10[%parallel_loop3A_174, %broadcast_in_dim3A_1, %parallel_loop3A_207], %parallel_loop3A_209 : memref<200x2x128xf32, #tpu.memory_space<vmem>>[vector<16xi32>, vector<16xi32>, vector<16xi32>], vector<16xf32>,
      tpu.vector_store_idx %arg10[%parallel_loop3A_174, %broadcast_in_dim3A_3, %parallel_loop3A_207], %parallel_loop3A_210 : memref<200x2x128xf32, #tpu.memory_space<vmem>>[vector<16xi32>, vector<16xi32>, vector<16xi32>], vector<16xf32>,
      %parallel_loop3A_211 = arith.constant 96 : i32
      %parallel_loop3A_212 = vector.broadcast %parallel_loop3A_211 : i32 to vector<16xi32>
      %parallel_loop3A_213 = arith.addi %parallel_loop3A_212, %iota3A : vector<16xi32>
      %parallel_loop3A_214 = tpu.vector_load_idx %arg8[%parallel_loop3A_213, %parallel_loop3A_174] : memref<128x200xi32, #tpu.memory_space<vmem>>[vector<16xi32>, vector<16xi32>], vector<16xi32>,
      %parallel_loop3A_215 = tpu.vector_load_idx %arg6[%parallel_loop3A_214] : memref<1024xf32, #tpu.memory_space<vmem>>[vector<16xi32>], vector<16xf32>,
      %parallel_loop3A_216 = tpu.vector_load_idx %arg7[%parallel_loop3A_214] : memref<1024xf32, #tpu.memory_space<vmem>>[vector<16xi32>], vector<16xf32>,
      tpu.vector_store_idx %arg10[%parallel_loop3A_174, %broadcast_in_dim3A_1, %parallel_loop3A_213], %parallel_loop3A_215 : memref<200x2x128xf32, #tpu.memory_space<vmem>>[vector<16xi32>, vector<16xi32>, vector<16xi32>], vector<16xf32>,
      tpu.vector_store_idx %arg10[%parallel_loop3A_174, %broadcast_in_dim3A_3, %parallel_loop3A_213], %parallel_loop3A_216 : memref<200x2x128xf32, #tpu.memory_space<vmem>>[vector<16xi32>, vector<16xi32>, vector<16xi32>], vector<16xf32>,
      %parallel_loop3A_217 = arith.constant 112 : i32
      %parallel_loop3A_218 = vector.broadcast %parallel_loop3A_217 : i32 to vector<16xi32>
      %parallel_loop3A_219 = arith.addi %parallel_loop3A_218, %iota3A : vector<16xi32>
      %parallel_loop3A_220 = tpu.vector_load_idx %arg8[%parallel_loop3A_219, %parallel_loop3A_174] : memref<128x200xi32, #tpu.memory_space<vmem>>[vector<16xi32>, vector<16xi32>], vector<16xi32>,
      %parallel_loop3A_221 = tpu.vector_load_idx %arg6[%parallel_loop3A_220] : memref<1024xf32, #tpu.memory_space<vmem>>[vector<16xi32>], vector<16xf32>,
      %parallel_loop3A_222 = tpu.vector_load_idx %arg7[%parallel_loop3A_220] : memref<1024xf32, #tpu.memory_space<vmem>>[vector<16xi32>], vector<16xf32>,
      tpu.vector_store_idx %arg10[%parallel_loop3A_174, %broadcast_in_dim3A_1, %parallel_loop3A_219], %parallel_loop3A_221 : memref<200x2x128xf32, #tpu.memory_space<vmem>>[vector<16xi32>, vector<16xi32>, vector<16xi32>], vector<16xf32>,
      tpu.vector_store_idx %arg10[%parallel_loop3A_174, %broadcast_in_dim3A_3, %parallel_loop3A_219], %parallel_loop3A_222 : memref<200x2x128xf32, #tpu.memory_space<vmem>>[vector<16xi32>, vector<16xi32>, vector<16xi32>], vector<16xf32>,
    } {sc.loop_unroll_factor = 2 : i64, sc.parallel_access}
    %mul3A_26 = arith.constant 4 : i32
    %mul3A_27 = arith.muli %add3A, %mul3A_26 : i32
    %add3A_28 = arith.constant 0 : i32
    %add3A_29 = arith.addi %mul3A_27, %add3A_28 : i32
    %dma_start3A_30 = arith.constant 0 : i32
    %dma_start3A_31 = arith.constant 0 : i32
    %dma_start3A_32 = arith.constant 0 : i32
    %dma_start3A_33 = tpu.memref_slice %arg5[%dma_start3A_30, %add3A_29, %dma_start3A_31, %dma_start3A_32] : memref<200x128x2x128xf32, #tpu.memory_space<hbm>> -> memref<200x1x2x128xf32, #tpu.memory_space<hbm>>
    %dma_start3A_34 = tpu.memref_squeeze %dma_start3A_33 : memref<200x1x2x128xf32, #tpu.memory_space<hbm>> -> memref<200x2x128xf32, #tpu.memory_space<hbm>>
    %dma_start3A_35 = arith.constant 0 : i32
    %dma_start3A_36 = arith.constant 0 : i32
    %dma_start3A_37 = arith.constant 0 : i32
    %dma_start3A_38 = tpu.memref_slice %arg5[%dma_start3A_35, %add3A_29, %dma_start3A_36, %dma_start3A_37] : memref<200x128x2x128xf32, #tpu.memory_space<hbm>> -> memref<200x1x2x128xf32, #tpu.memory_space<hbm>>
    %dma_start3A_39 = tpu.memref_squeeze %dma_start3A_38 : memref<200x1x2x128xf32, #tpu.memory_space<hbm>> -> memref<200x2x128xf32, #tpu.memory_space<hbm>>
    tpu.enqueue_dma source(%arg10 : memref<200x2x128xf32, #tpu.memory_space<vmem>>) target(%dma_start3A_39 : memref<200x2x128xf32, #tpu.memory_space<hbm>>) target_semaphore(%arg12 : memref<!tpu.dma_semaphore, #tpu.memory_space<semaphore_mem>>)
    %dma_wait3A_40 = arith.constant 0 : i32
    %dma_wait3A_41 = arith.constant 0 : i32
    %dma_wait3A_42 = tpu.memref_slice %arg4[%dma_wait3A_40, %dma_wait3A_41] : memref<16384x200xi32, #tpu.memory_space<hbm>> -> memref<128x200xi32, #tpu.memory_space<hbm>>
    %dma_wait3A_43 = arith.constant 0 : i32
    %dma_wait3A_44 = arith.constant 0 : i32
    %dma_wait3A_45 = tpu.memref_slice %arg4[%dma_wait3A_43, %dma_wait3A_44] : memref<16384x200xi32, #tpu.memory_space<hbm>> -> memref<128x200xi32, #tpu.memory_space<hbm>>
    tpu.wait_dma2 semaphore(%arg11 : memref<!tpu.dma_semaphore, #tpu.memory_space<semaphore_mem>>) src(%dma_wait3A_45 : memref<128x200xi32, #tpu.memory_space<hbm>>) dst(%arg9 : memref<128x200xi32, #tpu.memory_space<vmem>>)
    %mul3A_46 = arith.constant 512 : i32
    %mul3A_47 = arith.muli %add3A, %mul3A_46 : i32
    %add3A_48 = arith.constant 256 : i32
    %add3A_49 = arith.addi %mul3A_47, %add3A_48 : i32
    %dma_start3A_50 = arith.constant 0 : i32
    %dma_start3A_51 = tpu.memref_slice %arg4[%add3A_49, %dma_start3A_50] : memref<16384x200xi32, #tpu.memory_space<hbm>> -> memref<128x200xi32, #tpu.memory_space<hbm>>
    %dma_start3A_52 = arith.constant 0 : i32
    %dma_start3A_53 = tpu.memref_slice %arg4[%add3A_49, %dma_start3A_52] : memref<16384x200xi32, #tpu.memory_space<hbm>> -> memref<128x200xi32, #tpu.memory_space<hbm>>
    tpu.enqueue_dma source(%dma_start3A_53 : memref<128x200xi32, #tpu.memory_space<hbm>>) target(%arg8 : memref<128x200xi32, #tpu.memory_space<vmem>>) target_semaphore(%arg11 : memref<!tpu.dma_semaphore, #tpu.memory_space<semaphore_mem>>)
    %dma_wait3A_54 = arith.constant 0 : i32
    %dma_wait3A_55 = arith.constant 0 : i32
    %dma_wait3A_56 = arith.constant 0 : i32
    %dma_wait3A_57 = tpu.memref_slice %arg5[%dma_wait3A_54, %add3A_29, %dma_wait3A_55, %dma_wait3A_56] : memref<200x128x2x128xf32, #tpu.memory_space<hbm>> -> memref<200x1x2x128xf32, #tpu.memory_space<hbm>>
    %dma_wait3A_58 = tpu.memref_squeeze %dma_wait3A_57 : memref<200x1x2x128xf32, #tpu.memory_space<hbm>> -> memref<200x2x128xf32, #tpu.memory_space<hbm>>
    %dma_wait3A_59 = arith.constant 0 : i32
    %dma_wait3A_60 = arith.constant 0 : i32
    %dma_wait3A_61 = arith.constant 0 : i32
    %dma_wait3A_62 = tpu.memref_slice %arg5[%dma_wait3A_59, %add3A_29, %dma_wait3A_60, %dma_wait3A_61] : memref<200x128x2x128xf32, #tpu.memory_space<hbm>> -> memref<200x1x2x128xf32, #tpu.memory_space<hbm>>
    %dma_wait3A_63 = tpu.memref_squeeze %dma_wait3A_62 : memref<200x1x2x128xf32, #tpu.memory_space<hbm>> -> memref<200x2x128xf32, #tpu.memory_space<hbm>>
    tpu.wait_dma2 semaphore(%arg12 : memref<!tpu.dma_semaphore, #tpu.memory_space<semaphore_mem>>) src(%arg10 : memref<200x2x128xf32, #tpu.memory_space<vmem>>) dst(%dma_wait3A_63 : memref<200x2x128xf32, #tpu.memory_space<hbm>>)
    %parallel_loop3A_64 = arith.constant 0 : i32
    %parallel_loop3A_65 = arith.constant 200 : i32
    %parallel_loop3A_66 = arith.constant 1 : i32
    scf.for %parallel_loop3A_165 = %parallel_loop3A_64 to %parallel_loop3A_65 step %parallel_loop3A_66  : i32 {
      %parallel_loop3A_166 = vector.broadcast %parallel_loop3A_165 : i32 to vector<16xi32>
      %parallel_loop3A_167 = arith.addi %parallel_loop3A_166, %iota3A : vector<16xi32>
      %parallel_loop3A_168 = arith.constant 200 : i32
      %parallel_loop3A_169 = vector.broadcast %parallel_loop3A_168 : i32 to vector<16xi32>
      %parallel_loop3A_170 = arith.cmpi sge, %parallel_loop3A_167, %parallel_loop3A_169 : vector<16xi32>
      %parallel_loop3A_171 = arith.constant 200 : i32
      %parallel_loop3A_172 = vector.broadcast %parallel_loop3A_171 : i32 to vector<16xi32>
      %parallel_loop3A_173 = arith.subi %parallel_loop3A_167, %parallel_loop3A_172 : vector<16xi32>
      %parallel_loop3A_174 = arith.select %parallel_loop3A_170, %parallel_loop3A_173, %parallel_loop3A_167 : vector<16xi1>, vector<16xi32>
      %parallel_loop3A_175 = arith.constant 0 : i32
      %parallel_loop3A_176 = vector.broadcast %parallel_loop3A_175 : i32 to vector<16xi32>
      %parallel_loop3A_177 = arith.addi %parallel_loop3A_176, %iota3A : vector<16xi32>
      %parallel_loop3A_178 = tpu.vector_load_idx %arg9[%parallel_loop3A_177, %parallel_loop3A_174] : memref<128x200xi32, #tpu.memory_space<vmem>>[vector<16xi32>, vector<16xi32>], vector<16xi32>,
      %parallel_loop3A_179 = tpu.vector_load_idx %arg6[%parallel_loop3A_178] : memref<1024xf32, #tpu.memory_space<vmem>>[vector<16xi32>], vector<16xf32>,
      %parallel_loop3A_180 = tpu.vector_load_idx %arg7[%parallel_loop3A_178] : memref<1024xf32, #tpu.memory_space<vmem>>[vector<16xi32>], vector<16xf32>,
      tpu.vector_store_idx %arg10[%parallel_loop3A_174, %broadcast_in_dim3A_1, %parallel_loop3A_177], %parallel_loop3A_179 : memref<200x2x128xf32, #tpu.memory_space<vmem>>[vector<16xi32>, vector<16xi32>, vector<16xi32>], vector<16xf32>,
      tpu.vector_store_idx %arg10[%parallel_loop3A_174, %broadcast_in_dim3A_3, %parallel_loop3A_177], %parallel_loop3A_180 : memref<200x2x128xf32, #tpu.memory_space<vmem>>[vector<16xi32>, vector<16xi32>, vector<16xi32>], vector<16xf32>,
      %parallel_loop3A_181 = arith.constant 16 : i32
      %parallel_loop3A_182 = vector.broadcast %parallel_loop3A_181 : i32 to vector<16xi32>
      %parallel_loop3A_183 = arith.addi %parallel_loop3A_182, %iota3A : vector<16xi32>
      %parallel_loop3A_184 = tpu.vector_load_idx %arg9[%parallel_loop3A_183, %parallel_loop3A_174] : memref<128x200xi32, #tpu.memory_space<vmem>>[vector<16xi32>, vector<16xi32>], vector<16xi32>,
      %parallel_loop3A_185 = tpu.vector_load_idx %arg6[%parallel_loop3A_184] : memref<1024xf32, #tpu.memory_space<vmem>>[vector<16xi32>], vector<16xf32>,
      %parallel_loop3A_186 = tpu.vector_load_idx %arg7[%parallel_loop3A_184] : memref<1024xf32, #tpu.memory_space<vmem>>[vector<16xi32>], vector<16xf32>,
      tpu.vector_store_idx %arg10[%parallel_loop3A_174, %broadcast_in_dim3A_1, %parallel_loop3A_183], %parallel_loop3A_185 : memref<200x2x128xf32, #tpu.memory_space<vmem>>[vector<16xi32>, vector<16xi32>, vector<16xi32>], vector<16xf32>,
      tpu.vector_store_idx %arg10[%parallel_loop3A_174, %broadcast_in_dim3A_3, %parallel_loop3A_183], %parallel_loop3A_186 : memref<200x2x128xf32, #tpu.memory_space<vmem>>[vector<16xi32>, vector<16xi32>, vector<16xi32>], vector<16xf32>,
      %parallel_loop3A_187 = arith.constant 32 : i32
      %parallel_loop3A_188 = vector.broadcast %parallel_loop3A_187 : i32 to vector<16xi32>
      %parallel_loop3A_189 = arith.addi %parallel_loop3A_188, %iota3A : vector<16xi32>
      %parallel_loop3A_190 = tpu.vector_load_idx %arg9[%parallel_loop3A_189, %parallel_loop3A_174] : memref<128x200xi32, #tpu.memory_space<vmem>>[vector<16xi32>, vector<16xi32>], vector<16xi32>,
      %parallel_loop3A_191 = tpu.vector_load_idx %arg6[%parallel_loop3A_190] : memref<1024xf32, #tpu.memory_space<vmem>>[vector<16xi32>], vector<16xf32>,
      %parallel_loop3A_192 = tpu.vector_load_idx %arg7[%parallel_loop3A_190] : memref<1024xf32, #tpu.memory_space<vmem>>[vector<16xi32>], vector<16xf32>,
      tpu.vector_store_idx %arg10[%parallel_loop3A_174, %broadcast_in_dim3A_1, %parallel_loop3A_189], %parallel_loop3A_191 : memref<200x2x128xf32, #tpu.memory_space<vmem>>[vector<16xi32>, vector<16xi32>, vector<16xi32>], vector<16xf32>,
      tpu.vector_store_idx %arg10[%parallel_loop3A_174, %broadcast_in_dim3A_3, %parallel_loop3A_189], %parallel_loop3A_192 : memref<200x2x128xf32, #tpu.memory_space<vmem>>[vector<16xi32>, vector<16xi32>, vector<16xi32>], vector<16xf32>,
      %parallel_loop3A_193 = arith.constant 48 : i32
      %parallel_loop3A_194 = vector.broadcast %parallel_loop3A_193 : i32 to vector<16xi32>
      %parallel_loop3A_195 = arith.addi %parallel_loop3A_194, %iota3A : vector<16xi32>
      %parallel_loop3A_196 = tpu.vector_load_idx %arg9[%parallel_loop3A_195, %parallel_loop3A_174] : memref<128x200xi32, #tpu.memory_space<vmem>>[vector<16xi32>, vector<16xi32>], vector<16xi32>,
      %parallel_loop3A_197 = tpu.vector_load_idx %arg6[%parallel_loop3A_196] : memref<1024xf32, #tpu.memory_space<vmem>>[vector<16xi32>], vector<16xf32>,
      %parallel_loop3A_198 = tpu.vector_load_idx %arg7[%parallel_loop3A_196] : memref<1024xf32, #tpu.memory_space<vmem>>[vector<16xi32>], vector<16xf32>,
      tpu.vector_store_idx %arg10[%parallel_loop3A_174, %broadcast_in_dim3A_1, %parallel_loop3A_195], %parallel_loop3A_197 : memref<200x2x128xf32, #tpu.memory_space<vmem>>[vector<16xi32>, vector<16xi32>, vector<16xi32>], vector<16xf32>,
      tpu.vector_store_idx %arg10[%parallel_loop3A_174, %broadcast_in_dim3A_3, %parallel_loop3A_195], %parallel_loop3A_198 : memref<200x2x128xf32, #tpu.memory_space<vmem>>[vector<16xi32>, vector<16xi32>, vector<16xi32>], vector<16xf32>,
      %parallel_loop3A_199 = arith.constant 64 : i32
      %parallel_loop3A_200 = vector.broadcast %parallel_loop3A_199 : i32 to vector<16xi32>
      %parallel_loop3A_201 = arith.addi %parallel_loop3A_200, %iota3A : vector<16xi32>
      %parallel_loop3A_202 = tpu.vector_load_idx %arg9[%parallel_loop3A_201, %parallel_loop3A_174] : memref<128x200xi32, #tpu.memory_space<vmem>>[vector<16xi32>, vector<16xi32>], vector<16xi32>,
      %parallel_loop3A_203 = tpu.vector_load_idx %arg6[%parallel_loop3A_202] : memref<1024xf32, #tpu.memory_space<vmem>>[vector<16xi32>], vector<16xf32>,
      %parallel_loop3A_204 = tpu.vector_load_idx %arg7[%parallel_loop3A_202] : memref<1024xf32, #tpu.memory_space<vmem>>[vector<16xi32>], vector<16xf32>,
      tpu.vector_store_idx %arg10[%parallel_loop3A_174, %broadcast_in_dim3A_1, %parallel_loop3A_201], %parallel_loop3A_203 : memref<200x2x128xf32, #tpu.memory_space<vmem>>[vector<16xi32>, vector<16xi32>, vector<16xi32>], vector<16xf32>,
      tpu.vector_store_idx %arg10[%parallel_loop3A_174, %broadcast_in_dim3A_3, %parallel_loop3A_201], %parallel_loop3A_204 : memref<200x2x128xf32, #tpu.memory_space<vmem>>[vector<16xi32>, vector<16xi32>, vector<16xi32>], vector<16xf32>,
      %parallel_loop3A_205 = arith.constant 80 : i32
      %parallel_loop3A_206 = vector.broadcast %parallel_loop3A_205 : i32 to vector<16xi32>
      %parallel_loop3A_207 = arith.addi %parallel_loop3A_206, %iota3A : vector<16xi32>
      %parallel_loop3A_208 = tpu.vector_load_idx %arg9[%parallel_loop3A_207, %parallel_loop3A_174] : memref<128x200xi32, #tpu.memory_space<vmem>>[vector<16xi32>, vector<16xi32>], vector<16xi32>,
      %parallel_loop3A_209 = tpu.vector_load_idx %arg6[%parallel_loop3A_208] : memref<1024xf32, #tpu.memory_space<vmem>>[vector<16xi32>], vector<16xf32>,
      %parallel_loop3A_210 = tpu.vector_load_idx %arg7[%parallel_loop3A_208] : memref<1024xf32, #tpu.memory_space<vmem>>[vector<16xi32>], vector<16xf32>,
      tpu.vector_store_idx %arg10[%parallel_loop3A_174, %broadcast_in_dim3A_1, %parallel_loop3A_207], %parallel_loop3A_209 : memref<200x2x128xf32, #tpu.memory_space<vmem>>[vector<16xi32>, vector<16xi32>, vector<16xi32>], vector<16xf32>,
      tpu.vector_store_idx %arg10[%parallel_loop3A_174, %broadcast_in_dim3A_3, %parallel_loop3A_207], %parallel_loop3A_210 : memref<200x2x128xf32, #tpu.memory_space<vmem>>[vector<16xi32>, vector<16xi32>, vector<16xi32>], vector<16xf32>,
      %parallel_loop3A_211 = arith.constant 96 : i32
      %parallel_loop3A_212 = vector.broadcast %parallel_loop3A_211 : i32 to vector<16xi32>
      %parallel_loop3A_213 = arith.addi %parallel_loop3A_212, %iota3A : vector<16xi32>
      %parallel_loop3A_214 = tpu.vector_load_idx %arg9[%parallel_loop3A_213, %parallel_loop3A_174] : memref<128x200xi32, #tpu.memory_space<vmem>>[vector<16xi32>, vector<16xi32>], vector<16xi32>,
      %parallel_loop3A_215 = tpu.vector_load_idx %arg6[%parallel_loop3A_214] : memref<1024xf32, #tpu.memory_space<vmem>>[vector<16xi32>], vector<16xf32>,
      %parallel_loop3A_216 = tpu.vector_load_idx %arg7[%parallel_loop3A_214] : memref<1024xf32, #tpu.memory_space<vmem>>[vector<16xi32>], vector<16xf32>,
      tpu.vector_store_idx %arg10[%parallel_loop3A_174, %broadcast_in_dim3A_1, %parallel_loop3A_213], %parallel_loop3A_215 : memref<200x2x128xf32, #tpu.memory_space<vmem>>[vector<16xi32>, vector<16xi32>, vector<16xi32>], vector<16xf32>,
      tpu.vector_store_idx %arg10[%parallel_loop3A_174, %broadcast_in_dim3A_3, %parallel_loop3A_213], %parallel_loop3A_216 : memref<200x2x128xf32, #tpu.memory_space<vmem>>[vector<16xi32>, vector<16xi32>, vector<16xi32>], vector<16xf32>,
      %parallel_loop3A_217 = arith.constant 112 : i32
      %parallel_loop3A_218 = vector.broadcast %parallel_loop3A_217 : i32 to vector<16xi32>
      %parallel_loop3A_219 = arith.addi %parallel_loop3A_218, %iota3A : vector<16xi32>
      %parallel_loop3A_220 = tpu.vector_load_idx %arg9[%parallel_loop3A_219, %parallel_loop3A_174] : memref<128x200xi32, #tpu.memory_space<vmem>>[vector<16xi32>, vector<16xi32>], vector<16xi32>,
      %parallel_loop3A_221 = tpu.vector_load_idx %arg6[%parallel_loop3A_220] : memref<1024xf32, #tpu.memory_space<vmem>>[vector<16xi32>], vector<16xf32>,
      %parallel_loop3A_222 = tpu.vector_load_idx %arg7[%parallel_loop3A_220] : memref<1024xf32, #tpu.memory_space<vmem>>[vector<16xi32>], vector<16xf32>,
      tpu.vector_store_idx %arg10[%parallel_loop3A_174, %broadcast_in_dim3A_1, %parallel_loop3A_219], %parallel_loop3A_221 : memref<200x2x128xf32, #tpu.memory_space<vmem>>[vector<16xi32>, vector<16xi32>, vector<16xi32>], vector<16xf32>,
      tpu.vector_store_idx %arg10[%parallel_loop3A_174, %broadcast_in_dim3A_3, %parallel_loop3A_219], %parallel_loop3A_222 : memref<200x2x128xf32, #tpu.memory_space<vmem>>[vector<16xi32>, vector<16xi32>, vector<16xi32>], vector<16xf32>,
    } {sc.loop_unroll_factor = 2 : i64, sc.parallel_access}
    %mul3A_67 = arith.constant 4 : i32
    %mul3A_68 = arith.muli %add3A, %mul3A_67 : i32
    %add3A_69 = arith.constant 1 : i32
    %add3A_70 = arith.addi %mul3A_68, %add3A_69 : i32
    %dma_start3A_71 = arith.constant 0 : i32
    %dma_start3A_72 = arith.constant 0 : i32
    %dma_start3A_73 = arith.constant 0 : i32
    %dma_start3A_74 = tpu.memref_slice %arg5[%dma_start3A_71, %add3A_70, %dma_start3A_72, %dma_start3A_73] : memref<200x128x2x128xf32, #tpu.memory_space<hbm>> -> memref<200x1x2x128xf32, #tpu.memory_space<hbm>>
    %dma_start3A_75 = tpu.memref_squeeze %dma_start3A_74 : memref<200x1x2x128xf32, #tpu.memory_space<hbm>> -> memref<200x2x128xf32, #tpu.memory_space<hbm>>
    %dma_start3A_76 = arith.constant 0 : i32
    %dma_start3A_77 = arith.constant 0 : i32
    %dma_start3A_78 = arith.constant 0 : i32
    %dma_start3A_79 = tpu.memref_slice %arg5[%dma_start3A_76, %add3A_70, %dma_start3A_77, %dma_start3A_78] : memref<200x128x2x128xf32, #tpu.memory_space<hbm>> -> memref<200x1x2x128xf32, #tpu.memory_space<hbm>>
    %dma_start3A_80 = tpu.memref_squeeze %dma_start3A_79 : memref<200x1x2x128xf32, #tpu.memory_space<hbm>> -> memref<200x2x128xf32, #tpu.memory_space<hbm>>
    tpu.enqueue_dma source(%arg10 : memref<200x2x128xf32, #tpu.memory_space<vmem>>) target(%dma_start3A_80 : memref<200x2x128xf32, #tpu.memory_space<hbm>>) target_semaphore(%arg12 : memref<!tpu.dma_semaphore, #tpu.memory_space<semaphore_mem>>)
    %dma_wait3A_81 = arith.constant 0 : i32
    %dma_wait3A_82 = arith.constant 0 : i32
    %dma_wait3A_83 = tpu.memref_slice %arg4[%dma_wait3A_81, %dma_wait3A_82] : memref<16384x200xi32, #tpu.memory_space<hbm>> -> memref<128x200xi32, #tpu.memory_space<hbm>>
    %dma_wait3A_84 = arith.constant 0 : i32
    %dma_wait3A_85 = arith.constant 0 : i32
    %dma_wait3A_86 = tpu.memref_slice %arg4[%dma_wait3A_84, %dma_wait3A_85] : memref<16384x200xi32, #tpu.memory_space<hbm>> -> memref<128x200xi32, #tpu.memory_space<hbm>>
    tpu.wait_dma2 semaphore(%arg11 : memref<!tpu.dma_semaphore, #tpu.memory_space<semaphore_mem>>) src(%dma_wait3A_86 : memref<128x200xi32, #tpu.memory_space<hbm>>) dst(%arg8 : memref<128x200xi32, #tpu.memory_space<vmem>>)
    %mul3A_87 = arith.constant 512 : i32
    %mul3A_88 = arith.muli %add3A, %mul3A_87 : i32
    %add3A_89 = arith.constant 384 : i32
    %add3A_90 = arith.addi %mul3A_88, %add3A_89 : i32
    %dma_start3A_91 = arith.constant 0 : i32
    %dma_start3A_92 = tpu.memref_slice %arg4[%add3A_90, %dma_start3A_91] : memref<16384x200xi32, #tpu.memory_space<hbm>> -> memref<128x200xi32, #tpu.memory_space<hbm>>
    %dma_start3A_93 = arith.constant 0 : i32
    %dma_start3A_94 = tpu.memref_slice %arg4[%add3A_90, %dma_start3A_93] : memref<16384x200xi32, #tpu.memory_space<hbm>> -> memref<128x200xi32, #tpu.memory_space<hbm>>
    tpu.enqueue_dma source(%dma_start3A_94 : memref<128x200xi32, #tpu.memory_space<hbm>>) target(%arg9 : memref<128x200xi32, #tpu.memory_space<vmem>>) target_semaphore(%arg11 : memref<!tpu.dma_semaphore, #tpu.memory_space<semaphore_mem>>)
    %dma_wait3A_95 = arith.constant 0 : i32
    %dma_wait3A_96 = arith.constant 0 : i32
    %dma_wait3A_97 = arith.constant 0 : i32
    %dma_wait3A_98 = tpu.memref_slice %arg5[%dma_wait3A_95, %add3A_70, %dma_wait3A_96, %dma_wait3A_97] : memref<200x128x2x128xf32, #tpu.memory_space<hbm>> -> memref<200x1x2x128xf32, #tpu.memory_space<hbm>>
    %dma_wait3A_99 = tpu.memref_squeeze %dma_wait3A_98 : memref<200x1x2x128xf32, #tpu.memory_space<hbm>> -> memref<200x2x128xf32, #tpu.memory_space<hbm>>
    %dma_wait3A_100 = arith.constant 0 : i32
    %dma_wait3A_101 = arith.constant 0 : i32
    %dma_wait3A_102 = arith.constant 0 : i32
    %dma_wait3A_103 = tpu.memref_slice %arg5[%dma_wait3A_100, %add3A_70, %dma_wait3A_101, %dma_wait3A_102] : memref<200x128x2x128xf32, #tpu.memory_space<hbm>> -> memref<200x1x2x128xf32, #tpu.memory_space<hbm>>
    %dma_wait3A_104 = tpu.memref_squeeze %dma_wait3A_103 : memref<200x1x2x128xf32, #tpu.memory_space<hbm>> -> memref<200x2x128xf32, #tpu.memory_space<hbm>>
    tpu.wait_dma2 semaphore(%arg12 : memref<!tpu.dma_semaphore, #tpu.memory_space<semaphore_mem>>) src(%arg10 : memref<200x2x128xf32, #tpu.memory_space<vmem>>) dst(%dma_wait3A_104 : memref<200x2x128xf32, #tpu.memory_space<hbm>>)
    %parallel_loop3A_105 = arith.constant 0 : i32
    %parallel_loop3A_106 = arith.constant 200 : i32
    %parallel_loop3A_107 = arith.constant 1 : i32
    scf.for %parallel_loop3A_165 = %parallel_loop3A_105 to %parallel_loop3A_106 step %parallel_loop3A_107  : i32 {
      %parallel_loop3A_166 = vector.broadcast %parallel_loop3A_165 : i32 to vector<16xi32>
      %parallel_loop3A_167 = arith.addi %parallel_loop3A_166, %iota3A : vector<16xi32>
      %parallel_loop3A_168 = arith.constant 200 : i32
      %parallel_loop3A_169 = vector.broadcast %parallel_loop3A_168 : i32 to vector<16xi32>
      %parallel_loop3A_170 = arith.cmpi sge, %parallel_loop3A_167, %parallel_loop3A_169 : vector<16xi32>
      %parallel_loop3A_171 = arith.constant 200 : i32
      %parallel_loop3A_172 = vector.broadcast %parallel_loop3A_171 : i32 to vector<16xi32>
      %parallel_loop3A_173 = arith.subi %parallel_loop3A_167, %parallel_loop3A_172 : vector<16xi32>
      %parallel_loop3A_174 = arith.select %parallel_loop3A_170, %parallel_loop3A_173, %parallel_loop3A_167 : vector<16xi1>, vector<16xi32>
      %parallel_loop3A_175 = arith.constant 0 : i32
      %parallel_loop3A_176 = vector.broadcast %parallel_loop3A_175 : i32 to vector<16xi32>
      %parallel_loop3A_177 = arith.addi %parallel_loop3A_176, %iota3A : vector<16xi32>
      %parallel_loop3A_178 = tpu.vector_load_idx %arg8[%parallel_loop3A_177, %parallel_loop3A_174] : memref<128x200xi32, #tpu.memory_space<vmem>>[vector<16xi32>, vector<16xi32>], vector<16xi32>,
      %parallel_loop3A_179 = tpu.vector_load_idx %arg6[%parallel_loop3A_178] : memref<1024xf32, #tpu.memory_space<vmem>>[vector<16xi32>], vector<16xf32>,
      %parallel_loop3A_180 = tpu.vector_load_idx %arg7[%parallel_loop3A_178] : memref<1024xf32, #tpu.memory_space<vmem>>[vector<16xi32>], vector<16xf32>,
      tpu.vector_store_idx %arg10[%parallel_loop3A_174, %broadcast_in_dim3A_1, %parallel_loop3A_177], %parallel_loop3A_179 : memref<200x2x128xf32, #tpu.memory_space<vmem>>[vector<16xi32>, vector<16xi32>, vector<16xi32>], vector<16xf32>,
      tpu.vector_store_idx %arg10[%parallel_loop3A_174, %broadcast_in_dim3A_3, %parallel_loop3A_177], %parallel_loop3A_180 : memref<200x2x128xf32, #tpu.memory_space<vmem>>[vector<16xi32>, vector<16xi32>, vector<16xi32>], vector<16xf32>,
      %parallel_loop3A_181 = arith.constant 16 : i32
      %parallel_loop3A_182 = vector.broadcast %parallel_loop3A_181 : i32 to vector<16xi32>
      %parallel_loop3A_183 = arith.addi %parallel_loop3A_182, %iota3A : vector<16xi32>
      %parallel_loop3A_184 = tpu.vector_load_idx %arg8[%parallel_loop3A_183, %parallel_loop3A_174] : memref<128x200xi32, #tpu.memory_space<vmem>>[vector<16xi32>, vector<16xi32>], vector<16xi32>,
      %parallel_loop3A_185 = tpu.vector_load_idx %arg6[%parallel_loop3A_184] : memref<1024xf32, #tpu.memory_space<vmem>>[vector<16xi32>], vector<16xf32>,
      %parallel_loop3A_186 = tpu.vector_load_idx %arg7[%parallel_loop3A_184] : memref<1024xf32, #tpu.memory_space<vmem>>[vector<16xi32>], vector<16xf32>,
      tpu.vector_store_idx %arg10[%parallel_loop3A_174, %broadcast_in_dim3A_1, %parallel_loop3A_183], %parallel_loop3A_185 : memref<200x2x128xf32, #tpu.memory_space<vmem>>[vector<16xi32>, vector<16xi32>, vector<16xi32>], vector<16xf32>,
      tpu.vector_store_idx %arg10[%parallel_loop3A_174, %broadcast_in_dim3A_3, %parallel_loop3A_183], %parallel_loop3A_186 : memref<200x2x128xf32, #tpu.memory_space<vmem>>[vector<16xi32>, vector<16xi32>, vector<16xi32>], vector<16xf32>,
      %parallel_loop3A_187 = arith.constant 32 : i32
      %parallel_loop3A_188 = vector.broadcast %parallel_loop3A_187 : i32 to vector<16xi32>
      %parallel_loop3A_189 = arith.addi %parallel_loop3A_188, %iota3A : vector<16xi32>
      %parallel_loop3A_190 = tpu.vector_load_idx %arg8[%parallel_loop3A_189, %parallel_loop3A_174] : memref<128x200xi32, #tpu.memory_space<vmem>>[vector<16xi32>, vector<16xi32>], vector<16xi32>,
      %parallel_loop3A_191 = tpu.vector_load_idx %arg6[%parallel_loop3A_190] : memref<1024xf32, #tpu.memory_space<vmem>>[vector<16xi32>], vector<16xf32>,
      %parallel_loop3A_192 = tpu.vector_load_idx %arg7[%parallel_loop3A_190] : memref<1024xf32, #tpu.memory_space<vmem>>[vector<16xi32>], vector<16xf32>,
      tpu.vector_store_idx %arg10[%parallel_loop3A_174, %broadcast_in_dim3A_1, %parallel_loop3A_189], %parallel_loop3A_191 : memref<200x2x128xf32, #tpu.memory_space<vmem>>[vector<16xi32>, vector<16xi32>, vector<16xi32>], vector<16xf32>,
      tpu.vector_store_idx %arg10[%parallel_loop3A_174, %broadcast_in_dim3A_3, %parallel_loop3A_189], %parallel_loop3A_192 : memref<200x2x128xf32, #tpu.memory_space<vmem>>[vector<16xi32>, vector<16xi32>, vector<16xi32>], vector<16xf32>,
      %parallel_loop3A_193 = arith.constant 48 : i32
      %parallel_loop3A_194 = vector.broadcast %parallel_loop3A_193 : i32 to vector<16xi32>
      %parallel_loop3A_195 = arith.addi %parallel_loop3A_194, %iota3A : vector<16xi32>
      %parallel_loop3A_196 = tpu.vector_load_idx %arg8[%parallel_loop3A_195, %parallel_loop3A_174] : memref<128x200xi32, #tpu.memory_space<vmem>>[vector<16xi32>, vector<16xi32>], vector<16xi32>,
      %parallel_loop3A_197 = tpu.vector_load_idx %arg6[%parallel_loop3A_196] : memref<1024xf32, #tpu.memory_space<vmem>>[vector<16xi32>], vector<16xf32>,
      %parallel_loop3A_198 = tpu.vector_load_idx %arg7[%parallel_loop3A_196] : memref<1024xf32, #tpu.memory_space<vmem>>[vector<16xi32>], vector<16xf32>,
      tpu.vector_store_idx %arg10[%parallel_loop3A_174, %broadcast_in_dim3A_1, %parallel_loop3A_195], %parallel_loop3A_197 : memref<200x2x128xf32, #tpu.memory_space<vmem>>[vector<16xi32>, vector<16xi32>, vector<16xi32>], vector<16xf32>,
      tpu.vector_store_idx %arg10[%parallel_loop3A_174, %broadcast_in_dim3A_3, %parallel_loop3A_195], %parallel_loop3A_198 : memref<200x2x128xf32, #tpu.memory_space<vmem>>[vector<16xi32>, vector<16xi32>, vector<16xi32>], vector<16xf32>,
      %parallel_loop3A_199 = arith.constant 64 : i32
      %parallel_loop3A_200 = vector.broadcast %parallel_loop3A_199 : i32 to vector<16xi32>
      %parallel_loop3A_201 = arith.addi %parallel_loop3A_200, %iota3A : vector<16xi32>
      %parallel_loop3A_202 = tpu.vector_load_idx %arg8[%parallel_loop3A_201, %parallel_loop3A_174] : memref<128x200xi32, #tpu.memory_space<vmem>>[vector<16xi32>, vector<16xi32>], vector<16xi32>,
      %parallel_loop3A_203 = tpu.vector_load_idx %arg6[%parallel_loop3A_202] : memref<1024xf32, #tpu.memory_space<vmem>>[vector<16xi32>], vector<16xf32>,
      %parallel_loop3A_204 = tpu.vector_load_idx %arg7[%parallel_loop3A_202] : memref<1024xf32, #tpu.memory_space<vmem>>[vector<16xi32>], vector<16xf32>,
      tpu.vector_store_idx %arg10[%parallel_loop3A_174, %broadcast_in_dim3A_1, %parallel_loop3A_201], %parallel_loop3A_203 : memref<200x2x128xf32, #tpu.memory_space<vmem>>[vector<16xi32>, vector<16xi32>, vector<16xi32>], vector<16xf32>,
      tpu.vector_store_idx %arg10[%parallel_loop3A_174, %broadcast_in_dim3A_3, %parallel_loop3A_201], %parallel_loop3A_204 : memref<200x2x128xf32, #tpu.memory_space<vmem>>[vector<16xi32>, vector<16xi32>, vector<16xi32>], vector<16xf32>,
      %parallel_loop3A_205 = arith.constant 80 : i32
      %parallel_loop3A_206 = vector.broadcast %parallel_loop3A_205 : i32 to vector<16xi32>
      %parallel_loop3A_207 = arith.addi %parallel_loop3A_206, %iota3A : vector<16xi32>
      %parallel_loop3A_208 = tpu.vector_load_idx %arg8[%parallel_loop3A_207, %parallel_loop3A_174] : memref<128x200xi32, #tpu.memory_space<vmem>>[vector<16xi32>, vector<16xi32>], vector<16xi32>,
      %parallel_loop3A_209 = tpu.vector_load_idx %arg6[%parallel_loop3A_208] : memref<1024xf32, #tpu.memory_space<vmem>>[vector<16xi32>], vector<16xf32>,
      %parallel_loop3A_210 = tpu.vector_load_idx %arg7[%parallel_loop3A_208] : memref<1024xf32, #tpu.memory_space<vmem>>[vector<16xi32>], vector<16xf32>,
      tpu.vector_store_idx %arg10[%parallel_loop3A_174, %broadcast_in_dim3A_1, %parallel_loop3A_207], %parallel_loop3A_209 : memref<200x2x128xf32, #tpu.memory_space<vmem>>[vector<16xi32>, vector<16xi32>, vector<16xi32>], vector<16xf32>,
      tpu.vector_store_idx %arg10[%parallel_loop3A_174, %broadcast_in_dim3A_3, %parallel_loop3A_207], %parallel_loop3A_210 : memref<200x2x128xf32, #tpu.memory_space<vmem>>[vector<16xi32>, vector<16xi32>, vector<16xi32>], vector<16xf32>,
      %parallel_loop3A_211 = arith.constant 96 : i32
      %parallel_loop3A_212 = vector.broadcast %parallel_loop3A_211 : i32 to vector<16xi32>
      %parallel_loop3A_213 = arith.addi %parallel_loop3A_212, %iota3A : vector<16xi32>
      %parallel_loop3A_214 = tpu.vector_load_idx %arg8[%parallel_loop3A_213, %parallel_loop3A_174] : memref<128x200xi32, #tpu.memory_space<vmem>>[vector<16xi32>, vector<16xi32>], vector<16xi32>,
      %parallel_loop3A_215 = tpu.vector_load_idx %arg6[%parallel_loop3A_214] : memref<1024xf32, #tpu.memory_space<vmem>>[vector<16xi32>], vector<16xf32>,
      %parallel_loop3A_216 = tpu.vector_load_idx %arg7[%parallel_loop3A_214] : memref<1024xf32, #tpu.memory_space<vmem>>[vector<16xi32>], vector<16xf32>,
      tpu.vector_store_idx %arg10[%parallel_loop3A_174, %broadcast_in_dim3A_1, %parallel_loop3A_213], %parallel_loop3A_215 : memref<200x2x128xf32, #tpu.memory_space<vmem>>[vector<16xi32>, vector<16xi32>, vector<16xi32>], vector<16xf32>,
      tpu.vector_store_idx %arg10[%parallel_loop3A_174, %broadcast_in_dim3A_3, %parallel_loop3A_213], %parallel_loop3A_216 : memref<200x2x128xf32, #tpu.memory_space<vmem>>[vector<16xi32>, vector<16xi32>, vector<16xi32>], vector<16xf32>,
      %parallel_loop3A_217 = arith.constant 112 : i32
      %parallel_loop3A_218 = vector.broadcast %parallel_loop3A_217 : i32 to vector<16xi32>
      %parallel_loop3A_219 = arith.addi %parallel_loop3A_218, %iota3A : vector<16xi32>
      %parallel_loop3A_220 = tpu.vector_load_idx %arg8[%parallel_loop3A_219, %parallel_loop3A_174] : memref<128x200xi32, #tpu.memory_space<vmem>>[vector<16xi32>, vector<16xi32>], vector<16xi32>,
      %parallel_loop3A_221 = tpu.vector_load_idx %arg6[%parallel_loop3A_220] : memref<1024xf32, #tpu.memory_space<vmem>>[vector<16xi32>], vector<16xf32>,
      %parallel_loop3A_222 = tpu.vector_load_idx %arg7[%parallel_loop3A_220] : memref<1024xf32, #tpu.memory_space<vmem>>[vector<16xi32>], vector<16xf32>,
      tpu.vector_store_idx %arg10[%parallel_loop3A_174, %broadcast_in_dim3A_1, %parallel_loop3A_219], %parallel_loop3A_221 : memref<200x2x128xf32, #tpu.memory_space<vmem>>[vector<16xi32>, vector<16xi32>, vector<16xi32>], vector<16xf32>,
      tpu.vector_store_idx %arg10[%parallel_loop3A_174, %broadcast_in_dim3A_3, %parallel_loop3A_219], %parallel_loop3A_222 : memref<200x2x128xf32, #tpu.memory_space<vmem>>[vector<16xi32>, vector<16xi32>, vector<16xi32>], vector<16xf32>,
    } {sc.loop_unroll_factor = 2 : i64, sc.parallel_access}
    %mul3A_108 = arith.constant 4 : i32
    %mul3A_109 = arith.muli %add3A, %mul3A_108 : i32
    %add3A_110 = arith.constant 2 : i32
    %add3A_111 = arith.addi %mul3A_109, %add3A_110 : i32
    %dma_start3A_112 = arith.constant 0 : i32
    %dma_start3A_113 = arith.constant 0 : i32
    %dma_start3A_114 = arith.constant 0 : i32
    %dma_start3A_115 = tpu.memref_slice %arg5[%dma_start3A_112, %add3A_111, %dma_start3A_113, %dma_start3A_114] : memref<200x128x2x128xf32, #tpu.memory_space<hbm>> -> memref<200x1x2x128xf32, #tpu.memory_space<hbm>>
    %dma_start3A_116 = tpu.memref_squeeze %dma_start3A_115 : memref<200x1x2x128xf32, #tpu.memory_space<hbm>> -> memref<200x2x128xf32, #tpu.memory_space<hbm>>
    %dma_start3A_117 = arith.constant 0 : i32
    %dma_start3A_118 = arith.constant 0 : i32
    %dma_start3A_119 = arith.constant 0 : i32
    %dma_start3A_120 = tpu.memref_slice %arg5[%dma_start3A_117, %add3A_111, %dma_start3A_118, %dma_start3A_119] : memref<200x128x2x128xf32, #tpu.memory_space<hbm>> -> memref<200x1x2x128xf32, #tpu.memory_space<hbm>>
    %dma_start3A_121 = tpu.memref_squeeze %dma_start3A_120 : memref<200x1x2x128xf32, #tpu.memory_space<hbm>> -> memref<200x2x128xf32, #tpu.memory_space<hbm>>
    tpu.enqueue_dma source(%arg10 : memref<200x2x128xf32, #tpu.memory_space<vmem>>) target(%dma_start3A_121 : memref<200x2x128xf32, #tpu.memory_space<hbm>>) target_semaphore(%arg12 : memref<!tpu.dma_semaphore, #tpu.memory_space<semaphore_mem>>)
    %dma_wait3A_122 = arith.constant 0 : i32
    %dma_wait3A_123 = arith.constant 0 : i32
    %dma_wait3A_124 = tpu.memref_slice %arg4[%dma_wait3A_122, %dma_wait3A_123] : memref<16384x200xi32, #tpu.memory_space<hbm>> -> memref<128x200xi32, #tpu.memory_space<hbm>>
    %dma_wait3A_125 = arith.constant 0 : i32
    %dma_wait3A_126 = arith.constant 0 : i32
    %dma_wait3A_127 = tpu.memref_slice %arg4[%dma_wait3A_125, %dma_wait3A_126] : memref<16384x200xi32, #tpu.memory_space<hbm>> -> memref<128x200xi32, #tpu.memory_space<hbm>>
    tpu.wait_dma2 semaphore(%arg11 : memref<!tpu.dma_semaphore, #tpu.memory_space<semaphore_mem>>) src(%dma_wait3A_127 : memref<128x200xi32, #tpu.memory_space<hbm>>) dst(%arg9 : memref<128x200xi32, #tpu.memory_space<vmem>>)
    %dma_wait3A_128 = arith.constant 0 : i32
    %dma_wait3A_129 = arith.constant 0 : i32
    %dma_wait3A_130 = arith.constant 0 : i32
    %dma_wait3A_131 = tpu.memref_slice %arg5[%dma_wait3A_128, %add3A_111, %dma_wait3A_129, %dma_wait3A_130] : memref<200x128x2x128xf32, #tpu.memory_space<hbm>> -> memref<200x1x2x128xf32, #tpu.memory_space<hbm>>
    %dma_wait3A_132 = tpu.memref_squeeze %dma_wait3A_131 : memref<200x1x2x128xf32, #tpu.memory_space<hbm>> -> memref<200x2x128xf32, #tpu.memory_space<hbm>>
    %dma_wait3A_133 = arith.constant 0 : i32
    %dma_wait3A_134 = arith.constant 0 : i32
    %dma_wait3A_135 = arith.constant 0 : i32
    %dma_wait3A_136 = tpu.memref_slice %arg5[%dma_wait3A_133, %add3A_111, %dma_wait3A_134, %dma_wait3A_135] : memref<200x128x2x128xf32, #tpu.memory_space<hbm>> -> memref<200x1x2x128xf32, #tpu.memory_space<hbm>>
    %dma_wait3A_137 = tpu.memref_squeeze %dma_wait3A_136 : memref<200x1x2x128xf32, #tpu.memory_space<hbm>> -> memref<200x2x128xf32, #tpu.memory_space<hbm>>
    tpu.wait_dma2 semaphore(%arg12 : memref<!tpu.dma_semaphore, #tpu.memory_space<semaphore_mem>>) src(%arg10 : memref<200x2x128xf32, #tpu.memory_space<vmem>>) dst(%dma_wait3A_137 : memref<200x2x128xf32, #tpu.memory_space<hbm>>)
    %parallel_loop3A_138 = arith.constant 0 : i32
    %parallel_loop3A_139 = arith.constant 200 : i32
    %parallel_loop3A_140 = arith.constant 1 : i32
    scf.for %parallel_loop3A_165 = %parallel_loop3A_138 to %parallel_loop3A_139 step %parallel_loop3A_140  : i32 {
      %parallel_loop3A_166 = vector.broadcast %parallel_loop3A_165 : i32 to vector<16xi32>
      %parallel_loop3A_167 = arith.addi %parallel_loop3A_166, %iota3A : vector<16xi32>
      %parallel_loop3A_168 = arith.constant 200 : i32
      %parallel_loop3A_169 = vector.broadcast %parallel_loop3A_168 : i32 to vector<16xi32>
      %parallel_loop3A_170 = arith.cmpi sge, %parallel_loop3A_167, %parallel_loop3A_169 : vector<16xi32>
      %parallel_loop3A_171 = arith.constant 200 : i32
      %parallel_loop3A_172 = vector.broadcast %parallel_loop3A_171 : i32 to vector<16xi32>
      %parallel_loop3A_173 = arith.subi %parallel_loop3A_167, %parallel_loop3A_172 : vector<16xi32>
      %parallel_loop3A_174 = arith.select %parallel_loop3A_170, %parallel_loop3A_173, %parallel_loop3A_167 : vector<16xi1>, vector<16xi32>
      %parallel_loop3A_175 = arith.constant 0 : i32
      %parallel_loop3A_176 = vector.broadcast %parallel_loop3A_175 : i32 to vector<16xi32>
      %parallel_loop3A_177 = arith.addi %parallel_loop3A_176, %iota3A : vector<16xi32>
      %parallel_loop3A_178 = tpu.vector_load_idx %arg9[%parallel_loop3A_177, %parallel_loop3A_174] : memref<128x200xi32, #tpu.memory_space<vmem>>[vector<16xi32>, vector<16xi32>], vector<16xi32>,
      %parallel_loop3A_179 = tpu.vector_load_idx %arg6[%parallel_loop3A_178] : memref<1024xf32, #tpu.memory_space<vmem>>[vector<16xi32>], vector<16xf32>,
      %parallel_loop3A_180 = tpu.vector_load_idx %arg7[%parallel_loop3A_178] : memref<1024xf32, #tpu.memory_space<vmem>>[vector<16xi32>], vector<16xf32>,
      tpu.vector_store_idx %arg10[%parallel_loop3A_174, %broadcast_in_dim3A_1, %parallel_loop3A_177], %parallel_loop3A_179 : memref<200x2x128xf32, #tpu.memory_space<vmem>>[vector<16xi32>, vector<16xi32>, vector<16xi32>], vector<16xf32>,
      tpu.vector_store_idx %arg10[%parallel_loop3A_174, %broadcast_in_dim3A_3, %parallel_loop3A_177], %parallel_loop3A_180 : memref<200x2x128xf32, #tpu.memory_space<vmem>>[vector<16xi32>, vector<16xi32>, vector<16xi32>], vector<16xf32>,
      %parallel_loop3A_181 = arith.constant 16 : i32
      %parallel_loop3A_182 = vector.broadcast %parallel_loop3A_181 : i32 to vector<16xi32>
      %parallel_loop3A_183 = arith.addi %parallel_loop3A_182, %iota3A : vector<16xi32>
      %parallel_loop3A_184 = tpu.vector_load_idx %arg9[%parallel_loop3A_183, %parallel_loop3A_174] : memref<128x200xi32, #tpu.memory_space<vmem>>[vector<16xi32>, vector<16xi32>], vector<16xi32>,
      %parallel_loop3A_185 = tpu.vector_load_idx %arg6[%parallel_loop3A_184] : memref<1024xf32, #tpu.memory_space<vmem>>[vector<16xi32>], vector<16xf32>,
      %parallel_loop3A_186 = tpu.vector_load_idx %arg7[%parallel_loop3A_184] : memref<1024xf32, #tpu.memory_space<vmem>>[vector<16xi32>], vector<16xf32>,
      tpu.vector_store_idx %arg10[%parallel_loop3A_174, %broadcast_in_dim3A_1, %parallel_loop3A_183], %parallel_loop3A_185 : memref<200x2x128xf32, #tpu.memory_space<vmem>>[vector<16xi32>, vector<16xi32>, vector<16xi32>], vector<16xf32>,
      tpu.vector_store_idx %arg10[%parallel_loop3A_174, %broadcast_in_dim3A_3, %parallel_loop3A_183], %parallel_loop3A_186 : memref<200x2x128xf32, #tpu.memory_space<vmem>>[vector<16xi32>, vector<16xi32>, vector<16xi32>], vector<16xf32>,
      %parallel_loop3A_187 = arith.constant 32 : i32
      %parallel_loop3A_188 = vector.broadcast %parallel_loop3A_187 : i32 to vector<16xi32>
      %parallel_loop3A_189 = arith.addi %parallel_loop3A_188, %iota3A : vector<16xi32>
      %parallel_loop3A_190 = tpu.vector_load_idx %arg9[%parallel_loop3A_189, %parallel_loop3A_174] : memref<128x200xi32, #tpu.memory_space<vmem>>[vector<16xi32>, vector<16xi32>], vector<16xi32>,
      %parallel_loop3A_191 = tpu.vector_load_idx %arg6[%parallel_loop3A_190] : memref<1024xf32, #tpu.memory_space<vmem>>[vector<16xi32>], vector<16xf32>,
      %parallel_loop3A_192 = tpu.vector_load_idx %arg7[%parallel_loop3A_190] : memref<1024xf32, #tpu.memory_space<vmem>>[vector<16xi32>], vector<16xf32>,
      tpu.vector_store_idx %arg10[%parallel_loop3A_174, %broadcast_in_dim3A_1, %parallel_loop3A_189], %parallel_loop3A_191 : memref<200x2x128xf32, #tpu.memory_space<vmem>>[vector<16xi32>, vector<16xi32>, vector<16xi32>], vector<16xf32>,
      tpu.vector_store_idx %arg10[%parallel_loop3A_174, %broadcast_in_dim3A_3, %parallel_loop3A_189], %parallel_loop3A_192 : memref<200x2x128xf32, #tpu.memory_space<vmem>>[vector<16xi32>, vector<16xi32>, vector<16xi32>], vector<16xf32>,
      %parallel_loop3A_193 = arith.constant 48 : i32
      %parallel_loop3A_194 = vector.broadcast %parallel_loop3A_193 : i32 to vector<16xi32>
      %parallel_loop3A_195 = arith.addi %parallel_loop3A_194, %iota3A : vector<16xi32>
      %parallel_loop3A_196 = tpu.vector_load_idx %arg9[%parallel_loop3A_195, %parallel_loop3A_174] : memref<128x200xi32, #tpu.memory_space<vmem>>[vector<16xi32>, vector<16xi32>], vector<16xi32>,
      %parallel_loop3A_197 = tpu.vector_load_idx %arg6[%parallel_loop3A_196] : memref<1024xf32, #tpu.memory_space<vmem>>[vector<16xi32>], vector<16xf32>,
      %parallel_loop3A_198 = tpu.vector_load_idx %arg7[%parallel_loop3A_196] : memref<1024xf32, #tpu.memory_space<vmem>>[vector<16xi32>], vector<16xf32>,
      tpu.vector_store_idx %arg10[%parallel_loop3A_174, %broadcast_in_dim3A_1, %parallel_loop3A_195], %parallel_loop3A_197 : memref<200x2x128xf32, #tpu.memory_space<vmem>>[vector<16xi32>, vector<16xi32>, vector<16xi32>], vector<16xf32>,
      tpu.vector_store_idx %arg10[%parallel_loop3A_174, %broadcast_in_dim3A_3, %parallel_loop3A_195], %parallel_loop3A_198 : memref<200x2x128xf32, #tpu.memory_space<vmem>>[vector<16xi32>, vector<16xi32>, vector<16xi32>], vector<16xf32>,
      %parallel_loop3A_199 = arith.constant 64 : i32
      %parallel_loop3A_200 = vector.broadcast %parallel_loop3A_199 : i32 to vector<16xi32>
      %parallel_loop3A_201 = arith.addi %parallel_loop3A_200, %iota3A : vector<16xi32>
      %parallel_loop3A_202 = tpu.vector_load_idx %arg9[%parallel_loop3A_201, %parallel_loop3A_174] : memref<128x200xi32, #tpu.memory_space<vmem>>[vector<16xi32>, vector<16xi32>], vector<16xi32>,
      %parallel_loop3A_203 = tpu.vector_load_idx %arg6[%parallel_loop3A_202] : memref<1024xf32, #tpu.memory_space<vmem>>[vector<16xi32>], vector<16xf32>,
      %parallel_loop3A_204 = tpu.vector_load_idx %arg7[%parallel_loop3A_202] : memref<1024xf32, #tpu.memory_space<vmem>>[vector<16xi32>], vector<16xf32>,
      tpu.vector_store_idx %arg10[%parallel_loop3A_174, %broadcast_in_dim3A_1, %parallel_loop3A_201], %parallel_loop3A_203 : memref<200x2x128xf32, #tpu.memory_space<vmem>>[vector<16xi32>, vector<16xi32>, vector<16xi32>], vector<16xf32>,
      tpu.vector_store_idx %arg10[%parallel_loop3A_174, %broadcast_in_dim3A_3, %parallel_loop3A_201], %parallel_loop3A_204 : memref<200x2x128xf32, #tpu.memory_space<vmem>>[vector<16xi32>, vector<16xi32>, vector<16xi32>], vector<16xf32>,
      %parallel_loop3A_205 = arith.constant 80 : i32
      %parallel_loop3A_206 = vector.broadcast %parallel_loop3A_205 : i32 to vector<16xi32>
      %parallel_loop3A_207 = arith.addi %parallel_loop3A_206, %iota3A : vector<16xi32>
      %parallel_loop3A_208 = tpu.vector_load_idx %arg9[%parallel_loop3A_207, %parallel_loop3A_174] : memref<128x200xi32, #tpu.memory_space<vmem>>[vector<16xi32>, vector<16xi32>], vector<16xi32>,
      %parallel_loop3A_209 = tpu.vector_load_idx %arg6[%parallel_loop3A_208] : memref<1024xf32, #tpu.memory_space<vmem>>[vector<16xi32>], vector<16xf32>,
      %parallel_loop3A_210 = tpu.vector_load_idx %arg7[%parallel_loop3A_208] : memref<1024xf32, #tpu.memory_space<vmem>>[vector<16xi32>], vector<16xf32>,
      tpu.vector_store_idx %arg10[%parallel_loop3A_174, %broadcast_in_dim3A_1, %parallel_loop3A_207], %parallel_loop3A_209 : memref<200x2x128xf32, #tpu.memory_space<vmem>>[vector<16xi32>, vector<16xi32>, vector<16xi32>], vector<16xf32>,
      tpu.vector_store_idx %arg10[%parallel_loop3A_174, %broadcast_in_dim3A_3, %parallel_loop3A_207], %parallel_loop3A_210 : memref<200x2x128xf32, #tpu.memory_space<vmem>>[vector<16xi32>, vector<16xi32>, vector<16xi32>], vector<16xf32>,
      %parallel_loop3A_211 = arith.constant 96 : i32
      %parallel_loop3A_212 = vector.broadcast %parallel_loop3A_211 : i32 to vector<16xi32>
      %parallel_loop3A_213 = arith.addi %parallel_loop3A_212, %iota3A : vector<16xi32>
      %parallel_loop3A_214 = tpu.vector_load_idx %arg9[%parallel_loop3A_213, %parallel_loop3A_174] : memref<128x200xi32, #tpu.memory_space<vmem>>[vector<16xi32>, vector<16xi32>], vector<16xi32>,
      %parallel_loop3A_215 = tpu.vector_load_idx %arg6[%parallel_loop3A_214] : memref<1024xf32, #tpu.memory_space<vmem>>[vector<16xi32>], vector<16xf32>,
      %parallel_loop3A_216 = tpu.vector_load_idx %arg7[%parallel_loop3A_214] : memref<1024xf32, #tpu.memory_space<vmem>>[vector<16xi32>], vector<16xf32>,
      tpu.vector_store_idx %arg10[%parallel_loop3A_174, %broadcast_in_dim3A_1, %parallel_loop3A_213], %parallel_loop3A_215 : memref<200x2x128xf32, #tpu.memory_space<vmem>>[vector<16xi32>, vector<16xi32>, vector<16xi32>], vector<16xf32>,
      tpu.vector_store_idx %arg10[%parallel_loop3A_174, %broadcast_in_dim3A_3, %parallel_loop3A_213], %parallel_loop3A_216 : memref<200x2x128xf32, #tpu.memory_space<vmem>>[vector<16xi32>, vector<16xi32>, vector<16xi32>], vector<16xf32>,
      %parallel_loop3A_217 = arith.constant 112 : i32
      %parallel_loop3A_218 = vector.broadcast %parallel_loop3A_217 : i32 to vector<16xi32>
      %parallel_loop3A_219 = arith.addi %parallel_loop3A_218, %iota3A : vector<16xi32>
      %parallel_loop3A_220 = tpu.vector_load_idx %arg9[%parallel_loop3A_219, %parallel_loop3A_174] : memref<128x200xi32, #tpu.memory_space<vmem>>[vector<16xi32>, vector<16xi32>], vector<16xi32>,
      %parallel_loop3A_221 = tpu.vector_load_idx %arg6[%parallel_loop3A_220] : memref<1024xf32, #tpu.memory_space<vmem>>[vector<16xi32>], vector<16xf32>,
      %parallel_loop3A_222 = tpu.vector_load_idx %arg7[%parallel_loop3A_220] : memref<1024xf32, #tpu.memory_space<vmem>>[vector<16xi32>], vector<16xf32>,
      tpu.vector_store_idx %arg10[%parallel_loop3A_174, %broadcast_in_dim3A_1, %parallel_loop3A_219], %parallel_loop3A_221 : memref<200x2x128xf32, #tpu.memory_space<vmem>>[vector<16xi32>, vector<16xi32>, vector<16xi32>], vector<16xf32>,
      tpu.vector_store_idx %arg10[%parallel_loop3A_174, %broadcast_in_dim3A_3, %parallel_loop3A_219], %parallel_loop3A_222 : memref<200x2x128xf32, #tpu.memory_space<vmem>>[vector<16xi32>, vector<16xi32>, vector<16xi32>], vector<16xf32>,
    } {sc.loop_unroll_factor = 2 : i64, sc.parallel_access}
    %mul3A_141 = arith.constant 4 : i32
    %mul3A_142 = arith.muli %add3A, %mul3A_141 : i32
    %add3A_143 = arith.constant 3 : i32
    %add3A_144 = arith.addi %mul3A_142, %add3A_143 : i32
    %dma_start3A_145 = arith.constant 0 : i32
    %dma_start3A_146 = arith.constant 0 : i32
    %dma_start3A_147 = arith.constant 0 : i32
    %dma_start3A_148 = tpu.memref_slice %arg5[%dma_start3A_145, %add3A_144, %dma_start3A_146, %dma_start3A_147] : memref<200x128x2x128xf32, #tpu.memory_space<hbm>> -> memref<200x1x2x128xf32, #tpu.memory_space<hbm>>
    %dma_start3A_149 = tpu.memref_squeeze %dma_start3A_148 : memref<200x1x2x128xf32, #tpu.memory_space<hbm>> -> memref<200x2x128xf32, #tpu.memory_space<hbm>>
    %dma_start3A_150 = arith.constant 0 : i32
    %dma_start3A_151 = arith.constant 0 : i32
    %dma_start3A_152 = arith.constant 0 : i32
    %dma_start3A_153 = tpu.memref_slice %arg5[%dma_start3A_150, %add3A_144, %dma_start3A_151, %dma_start3A_152] : memref<200x128x2x128xf32, #tpu.memory_space<hbm>> -> memref<200x1x2x128xf32, #tpu.memory_space<hbm>>
    %dma_start3A_154 = tpu.memref_squeeze %dma_start3A_153 : memref<200x1x2x128xf32, #tpu.memory_space<hbm>> -> memref<200x2x128xf32, #tpu.memory_space<hbm>>
    tpu.enqueue_dma source(%arg10 : memref<200x2x128xf32, #tpu.memory_space<vmem>>) target(%dma_start3A_154 : memref<200x2x128xf32, #tpu.memory_space<hbm>>) target_semaphore(%arg12 : memref<!tpu.dma_semaphore, #tpu.memory_space<semaphore_mem>>)
    %dma_wait3A_155 = arith.constant 0 : i32
    %dma_wait3A_156 = arith.constant 0 : i32
    %dma_wait3A_157 = arith.constant 0 : i32
    %dma_wait3A_158 = tpu.memref_slice %arg5[%dma_wait3A_155, %add3A_144, %dma_wait3A_156, %dma_wait3A_157] : memref<200x128x2x128xf32, #tpu.memory_space<hbm>> -> memref<200x1x2x128xf32, #tpu.memory_space<hbm>>
    %dma_wait3A_159 = tpu.memref_squeeze %dma_wait3A_158 : memref<200x1x2x128xf32, #tpu.memory_space<hbm>> -> memref<200x2x128xf32, #tpu.memory_space<hbm>>
    %dma_wait3A_160 = arith.constant 0 : i32
    %dma_wait3A_161 = arith.constant 0 : i32
    %dma_wait3A_162 = arith.constant 0 : i32
    %dma_wait3A_163 = tpu.memref_slice %arg5[%dma_wait3A_160, %add3A_144, %dma_wait3A_161, %dma_wait3A_162] : memref<200x128x2x128xf32, #tpu.memory_space<hbm>> -> memref<200x1x2x128xf32, #tpu.memory_space<hbm>>
    %dma_wait3A_164 = tpu.memref_squeeze %dma_wait3A_163 : memref<200x1x2x128xf32, #tpu.memory_space<hbm>> -> memref<200x2x128xf32, #tpu.memory_space<hbm>>
    tpu.wait_dma2 semaphore(%arg12 : memref<!tpu.dma_semaphore, #tpu.memory_space<semaphore_mem>>) src(%arg10 : memref<200x2x128xf32, #tpu.memory_space<vmem>>) dst(%dma_wait3A_164 : memref<200x2x128xf32, #tpu.memory_space<hbm>>)
    return
  }
}

module attributes {stable_mosaic.version = 14 : i64} {
  func.func @_table_body(%arg0: memref<1024x4xf32, #tpu.memory_space<vmem>>, %arg1: memref<4x5xf32, #tpu.memory_space<vmem>>, %arg2: memref<1x5xf32, #tpu.memory_space<vmem>>, %arg3: memref<5x2xf32, #tpu.memory_space<vmem>>, %arg4: memref<1x2xf32, #tpu.memory_space<vmem>>, %arg5: memref<1024xf32, #tpu.memory_space<vmem>>, %arg6: memref<1024xf32, #tpu.memory_space<vmem>>) attributes {dimension_semantics = [], scalar_prefetch = 0 : i64, scratch_operands = 0 : i64, tpu.core_type = #tpu.core_type<tc>} {
    %get3A = arith.constant 0 : index
    %get3A_0 = arith.constant 0 : index
    %get3A_1 = vector.load %arg0[%get3A, %get3A_0] : memref<1024x4xf32, #tpu.memory_space<vmem>>, vector<1024x4xf32>
    %get3A_2 = arith.constant 0 : index
    %get3A_3 = arith.constant 0 : index
    %get3A_4 = vector.load %arg1[%get3A_2, %get3A_3] : memref<4x5xf32, #tpu.memory_space<vmem>>, vector<4x5xf32>
    %dot_general3A = arith.constant dense<0.000000e+00> : vector<1024x5xf32>
    %dot_general3A_5 = tpu.matmul %get3A_1, %get3A_4, %dot_general3A {dimension_numbers = #tpu.dot_dimension_numbers<[1], [0], [0], [1], [0, 0, 1, 1], [], []>, transpose_lhs_hint = false} : vector<1024x4xf32>, vector<4x5xf32>, vector<1024x5xf32> -> vector<1024x5xf32>
    %get3A_6 = arith.constant 0 : index
    %get3A_7 = arith.constant 0 : index
    %get3A_8 = vector.load %arg2[%get3A_6, %get3A_7] : memref<1x5xf32, #tpu.memory_space<vmem>>, vector<1x5xf32>
    %add3A = vector.broadcast %get3A_8 : vector<1x5xf32> to vector<1024x5xf32>
    %add3A_9 = arith.addf %dot_general3A_5, %add3A : vector<1024x5xf32>
    %iota3A = tpu.iota {dimensions = array<i32: 1>} : vector<1024x5xi32>
    %logistic3A = arith.negf %add3A_9 : vector<1024x5xf32>
    %logistic3A_10 = math.exp %logistic3A : vector<1024x5xf32>
    %logistic3A_11 = arith.constant 1.000000e+00 : f32
    %logistic3A_12 = vector.broadcast %logistic3A_11 : f32 to vector<1024x5xf32>
    %logistic3A_13 = arith.addf %logistic3A_12, %logistic3A_10 : vector<1024x5xf32>
    %logistic3A_14 = arith.divf %logistic3A_12, %logistic3A_13 : vector<1024x5xf32>
    %eq3A = arith.constant 0 : i32
    %eq3A_15 = vector.broadcast %eq3A : i32 to vector<1024x5xi32>
    %eq3A_16 = arith.cmpi eq, %iota3A, %eq3A_15 : vector<1024x5xi32>
    %eq3A_17 = arith.constant 1 : i32
    %eq3A_18 = vector.broadcast %eq3A_17 : i32 to vector<1024x5xi32>
    %eq3A_19 = arith.cmpi eq, %iota3A, %eq3A_18 : vector<1024x5xi32>
    %mul3A = arith.mulf %add3A_9, %logistic3A_14 : vector<1024x5xf32>
    %select_n3A = arith.select %eq3A_19, %logistic3A_14, %mul3A : vector<1024x5xi1>, vector<1024x5xf32>
    %select_n3A_20 = arith.select %eq3A_16, %add3A_9, %select_n3A : vector<1024x5xi1>, vector<1024x5xf32>
    %get3A_21 = arith.constant 0 : index
    %get3A_22 = arith.constant 0 : index
    %get3A_23 = vector.load %arg3[%get3A_21, %get3A_22] : memref<5x2xf32, #tpu.memory_space<vmem>>, vector<5x2xf32>
    %dot_general3A_24 = arith.constant dense<0.000000e+00> : vector<1024x2xf32>
    %dot_general3A_25 = tpu.matmul %select_n3A_20, %get3A_23, %dot_general3A_24 {dimension_numbers = #tpu.dot_dimension_numbers<[1], [0], [0], [1], [0, 0, 1, 1], [], []>, transpose_lhs_hint = false} : vector<1024x5xf32>, vector<5x2xf32>, vector<1024x2xf32> -> vector<1024x2xf32>
    %get3A_26 = arith.constant 0 : index
    %get3A_27 = arith.constant 0 : index
    %get3A_28 = vector.load %arg4[%get3A_26, %get3A_27] : memref<1x2xf32, #tpu.memory_space<vmem>>, vector<1x2xf32>
    %add3A_29 = vector.broadcast %get3A_28 : vector<1x2xf32> to vector<1024x2xf32>
    %add3A_30 = arith.addf %dot_general3A_25, %add3A_29 : vector<1024x2xf32>
    %logistic3A_31 = arith.negf %add3A_30 : vector<1024x2xf32>
    %logistic3A_32 = math.exp %logistic3A_31 : vector<1024x2xf32>
    %logistic3A_33 = arith.constant 1.000000e+00 : f32
    %logistic3A_34 = vector.broadcast %logistic3A_33 : f32 to vector<1024x2xf32>
    %logistic3A_35 = arith.addf %logistic3A_34, %logistic3A_32 : vector<1024x2xf32>
    %logistic3A_36 = arith.divf %logistic3A_34, %logistic3A_35 : vector<1024x2xf32>
    %mul3A_37 = arith.mulf %add3A_30, %logistic3A_36 : vector<1024x2xf32>
    %slice3A = vector.extract_strided_slice %mul3A_37 {offsets = [0, 0], sizes = [1024, 1], strides = [1, 1]} : vector<1024x2xf32> to vector<1024x1xf32>
    %squeeze3A = vector.shape_cast %slice3A : vector<1024x1xf32> to vector<1024xf32>
    %swap3A = arith.constant 0 : index
    %swap3A_38 = vector.load %arg5[%swap3A] : memref<1024xf32, #tpu.memory_space<vmem>>, vector<1024xf32>
    tpu.vector_store %arg5[%swap3A], %squeeze3A {strides = array<i32>} : memref<1024xf32, #tpu.memory_space<vmem>>, vector<1024xf32>,
    %slice3A_39 = vector.extract_strided_slice %mul3A_37 {offsets = [0, 1], sizes = [1024, 1], strides = [1, 1]} : vector<1024x2xf32> to vector<1024x1xf32>
    %squeeze3A_40 = vector.shape_cast %slice3A_39 : vector<1024x1xf32> to vector<1024xf32>
    %swap3A_41 = arith.constant 0 : index
    %swap3A_42 = vector.load %arg6[%swap3A_41] : memref<1024xf32, #tpu.memory_space<vmem>>, vector<1024xf32>
    tpu.vector_store %arg6[%swap3A_41], %squeeze3A_40 {strides = array<i32>} : memref<1024xf32, #tpu.memory_space<vmem>>, vector<1024xf32>,
    return
  }
}

</mosaic_0001>

<sc_bundles>
// kernel: kernel.4.cloned.1.call-start
scs
__scs_entry_jumppad:
0x0: {  	(pc) =	sbr.rel $0x88, $3  }
0x1: {  	(tag) =	ssettag $0x0;
	lr =	simm.s32 $0x1  }
0x2: {  	[smem:$0x3F97] =	sst lr;
	_ =	strace $0xD0000000  }
0x3: {  	_ = 	snop  }
0x4: {  	_ = 	snop  }
0x5: {  	_ = 	snop  }
0x6: {  	_ = 	snop  }
0x7: {  	_ = 	snop  }
__scs_overlays_trampoline_lowered:
0x8: {  	[smem:$0x3FA6] =	sst s0  }
0x9: {  	[smem:$0x3FA7] =	sst s1  }
0xa: {  	[smem:$0x3FA8] =	sst s2  }
0xb: {  	[smem:$0x3FA9] =	sst s3  }
0xc: {  	[smem:$0x3FAA] =	sst s4  }
0xd: {  	[smem:$0x3FAB] =	sst s5  }
0xe: {  	[smem:$0x3FAC] =	sst s6  }
0xf: {  	[smem:$0x3FAD] =	sst s7  }
0x10: {  	[smem:$0x3FAE] =	sst s8  }
0x11: {  	[smem:$0x3FAF] =	sst s9;
	s0 =	simm.s32 @!p0 $0x0  }
0x12: {  	s1 =	sld [smem:$0x3F95];
	s0 =	simm.s32 @p0 $0x1  }
0x13: {  	[smem:$0x3FB0] =	sst s0;
	s0 =	simm.s32 @!p1 $0x0  }
0x14: {  	s2 =	sld [smem:$0x3F94];
	s0 =	simm.s32 @p1 $0x1  }
0x15: {  	[smem:$0x3FB1] =	sst s0;
	s0 =	simm.s32 @!p2 $0x0  }
0x16: {  	s3 =	sld [smem:$0x3FDB];
	s0 =	simm.s32 @p2 $0x1  }
0x17: {  	s4 =	simm.s32 $0x1BF5;
	[smem:$0x3FB3] =	sst s0  }
0x18: {  	s0 =	sld [smem:$0x3F96];
	_ =	swait.ge [sflag:s4], $0x0  }
0x19: {  	s7 =	sld [smem:$0x3F97]  }
0x1a: {  	s8 =	sadd.s32 $0xFFFFE003, lr  }
0x1b: {  	s9 =	sadd.s32 $0xFFFFFEF7, lr;
	s5 =	simm.s32 $0xFFFFFFFF;
	p2 =	slt.u32 s8, $0xFFFFF086  }
0x1c: {  	p1 =	slt.u32 s9, $0xF7A;
	s5 =	simm.s32 @!p2 $0x0  }
0x1d: {  	s5 =	simm.s32 @p1 $0x1;
	p0 =	seq.s32 s7, s2  }
0x1e: {  	s7 =	smul.u32 @!p0 $0xF7A, s2;
	p2 =	seq.s32 @!p0 s5, $0x0  }
0x1f: {  	s9 =	smul.u32 $0xF7A, s1;
	s8 =	simm.s32 @!p0 $0x1BF5;
	p2 =	por !p2, p0  }
0x20: {  	[sflag:s8] =	ssyncset.s32 @!p0 $0xFFFFF086;
	s6 =	sadd.s32 @!p0 s3, s7;
	s7 =	simm.s32 @!p0 $0x108  }
0x21: {  	s3 =	sadd.s32 s3, s9;
	s6 =	sadd.s32 @!p0 $0x88, s6;
	s7 =	simm.s32 @p2 $0x1082  }
0x22: {  	[simem:s7], [sflag:s8] =	dma.local @!p0 [hbm:s6], $0xF7A  }
0x23: {  	s9 =	sor.u32 $0xD0000000, s2;
	s6 =	simm.s32 $0x108;
	_ =	swait.ge @!p0 [sflag:s8], $0x0  }
0x24: {  	s3 =	sadd.s32 $0x88, s3;
	s6 =	simm.s32 @!p1 $0x1082;
	[sflag:s4] =	ssyncset.s32 $0xFFFFF086  }
0x25: {  	[simem:s6], [sflag:s4] =	dma.local [hbm:s3], $0xF7A  }
0x26: {  	[smem:$0x3F97] =	sst s1;
	(tag) =	ssettag s2;
	_ =	strace s9  }
0x27: {  	s1 =	sld [smem:$0x3FA7]  }
0x28: {  	s2 =	sld [smem:$0x3FA8]  }
0x29: {  	s4 =	sld [smem:$0x3FAA]  }
0x2a: {  	p0 =	seq.s32 s5, $0x0;
	s5 =	sld [smem:$0x3FAB]  }
0x2b: {  	s6 =	sld [smem:$0x3FAC]  }
0x2c: {  	s7 =	sld [smem:$0x3FAD]  }
0x2d: {  	s3 =	simm.s32 $0x108;
	s8 =	sld [smem:$0x3FAE]  }
0x2e: {  	s3 =	simm.s32 @!p0 $0x1082;
	s9 =	sld [smem:$0x3FAF]  }
0x2f: {  	lr =	sadd.s32 s0, s3;
	s0 =	sld [smem:$0x3FA6]  }
0x30: {  	s3 =	sld [smem:$0x3FA9]  }
0x31: {  	[smem:$0x3FB2] =	sst s10  }
0x32: {  	s10 =	sld [smem:$0x3FB0];
	_ =	sdelay $0x3  }
0x33: {  	p0 =	seq.s32 s10, $0x1;
	s10 =	sld [smem:$0x3FB2];
	_ =	sdelay $0x3  }
0x34: {  	[smem:$0x3FB2] =	sst s10  }
0x35: {  	s10 =	sld [smem:$0x3FB1];
	_ =	sdelay $0x3  }
0x36: {  	p1 =	seq.s32 s10, $0x1;
	s10 =	sld [smem:$0x3FB2];
	_ =	sdelay $0x3  }
0x37: {  	[smem:$0x3FB2] =	sst s10  }
0x38: {  	s10 =	sld [smem:$0x3FB3]  }
0x39: {  	_ = 	snop;
	(pc) =	sbr.ind lr, $3  }
0x3a: {  	_ = 	snop  }
0x3b: {  	_ = 	snop  }
0x3c: {  	p2 =	seq.s32 s10, $0x1;
	s10 =	sld [smem:$0x3FB2]  }
0x3d: {  	_ =	shalt  }
0x3e: {  	_ =	shalt  }
0x3f: {  	_ =	shalt  }
0x40: {  	_ =	shalt  }
0x41: {  	_ =	shalt  }
0x42: {  	_ =	shalt  }
0x43: {  	_ =	shalt  }
0x44: {  	_ =	shalt  }
0x45: {  	_ =	shalt  }
0x46: {  	_ =	shalt  }
0x47: {  	_ =	shalt  }
0x48: {  	_ =	shalt  }
0x49: {  	_ =	shalt  }
0x4a: {  	_ =	shalt  }
0x4b: {  	_ =	shalt  }
0x4c: {  	_ =	shalt  }
0x4d: {  	_ =	shalt  }
0x4e: {  	_ =	shalt  }
0x4f: {  	_ =	shalt  }
0x50: {  	_ =	shalt  }
0x51: {  	_ =	shalt  }
0x52: {  	_ =	shalt  }
0x53: {  	_ =	shalt  }
0x54: {  	_ =	shalt  }
0x55: {  	_ =	shalt  }
0x56: {  	_ =	shalt  }
0x57: {  	_ =	shalt  }
0x58: {  	_ =	shalt  }
0x59: {  	_ =	shalt  }
0x5a: {  	_ =	shalt  }
0x5b: {  	_ =	shalt  }
0x5c: {  	_ =	shalt  }
0x5d: {  	_ =	shalt  }
0x5e: {  	_ =	shalt  }
0x5f: {  	_ =	shalt  }
0x60: {  	_ =	shalt  }
0x61: {  	_ =	shalt  }
0x62: {  	_ =	shalt  }
0x63: {  	_ =	shalt  }
0x64: {  	_ =	shalt  }
0x65: {  	_ =	shalt  }
0x66: {  	_ =	shalt  }
0x67: {  	_ =	shalt  }
0x68: {  	_ =	shalt  }
0x69: {  	_ =	shalt  }
0x6a: {  	_ =	shalt  }
0x6b: {  	_ =	shalt  }
0x6c: {  	_ =	shalt  }
0x6d: {  	_ =	shalt  }
0x6e: {  	_ =	shalt  }
0x6f: {  	_ =	shalt  }
0x70: {  	_ =	shalt  }
0x71: {  	_ =	shalt  }
0x72: {  	_ =	shalt  }
0x73: {  	_ =	shalt  }
0x74: {  	_ =	shalt  }
0x75: {  	_ =	shalt  }
0x76: {  	_ =	shalt  }
0x77: {  	_ =	shalt  }
0x78: {  	_ =	shalt  }
0x79: {  	_ =	shalt  }
0x7a: {  	_ =	shalt  }
0x7b: {  	_ =	shalt  }
0x7c: {  	_ =	shalt  }
0x7d: {  	_ =	shalt  }
0x7e: {  	_ =	shalt  }
0x7f: {  	_ =	shalt  }
0x80: {  	_ =	shalt  }
0x81: {  	_ =	shalt  }
0x82: {  	_ =	shalt  }
0x83: {  	_ =	shalt  }
0x84: {  	_ =	shalt  }
0x85: {  	_ =	shalt  }
0x86: {  	_ =	shalt  }
0x87: {  	_ =	shalt  }
.Lfunc_end0:
.L_simem_size_0:
called_computation_lowered:
.L_overlay_start_0:
0x88: {  	s2 =	sld [smem:$0x3FD9]  }
0x89: {  	s3 =	sld [smem:$0x3FFE];
	_ =	sdelay $0x1  }
0x8a: {  	s1 =	srdreg.scid  }
0x8b: {  	s0 =	sand.u32 $0x1, s1  }
0x8c: {  	s17 =	sshll.u32 s0, $0xA;
	s2 =	sadd.s32 s3, s2  }
0x8d: {  	s2 =	sadd.s32 s2, s17  }
0x8e: {  	[smem:$0x3FBE] =	sst s2  }
0x8f: {  	_ = 	snop  }
0x90: {  	s2 =	sld [smem:$0x3FD0];
	(tm) =	ssettm $0x1  }
0x91: {  	s18 =	sld [smem:$0x3FFB];
	_ =	sdelay $0x3  }
0x92: {  	_ =	strace s18  }
0x93: {  	s3 =	sld [smem:$0x3FFC];
	_ =	sdelay $0x3  }
0x94: {  	_ =	strace s3  }
0x95: {  	s3 =	sld [smem:$0x3FFD];
	_ =	sdelay $0x3  }
0x96: {  	_ =	strace s3  }
0x97: {  	_ =	strace $0x8FFFFFFF  }
0x98: {  	s19 =	sld [smem:$0x3FDB];
	_ =	sdelay $0x1  }
0x99: {  	s4 =	simm.s32 $_scs_section_size  }
0x9a: {  	s5 =	simm.s32 $_size__tile_overlayer_lowered;
	s6 =	simm.s32 $_tile_overlayer_lowered  }
0x9b: {  	s22 =	simm.s32 $0x1BFF;
	s21 =	sshll.u32 s6, $0x1;
	s3 =	sadd.s32 s4, s19  }
0x9c: {  	s7 =	simm.s32 $0x0;
	s20 =	sshll.u32 s5, $0x1;
	s5 =	sadd.s32 s21, s3  }
0x9d: {  	[timem:s7], [sflag:s22] =	dma.local [hbm:s5], s20  }
0x9e: {  	_ =	swait.ge [sflag:s22], s20  }
0x9f: {  	s4 =	ssub.s32 $0x0, s20;
	[sflag:s22] =	ssyncset.done $0x0  }
0xa0: {  	[sflag:s22] =	ssyncadd.s32 s4;
	_ =	sdelay $0x1  }
0xa1: {  	s23 =	simm.s32 $0x1B8B  }
0xa2: {  	_ =	swait.ge [sflag:s23], $0x1  }
0xa3: {  	[sflag:s23] =	ssyncset.done $0x0  }
0xa4: {  	s25 =	simm.s32 $0x1B8E;
	s24 =	sld [smem:$0x3FFE];
	[sflag:s23] =	ssyncadd.s32 $0xFFFFFFFF  }
0xa5: {  	s26 =	simm.s32 $execute0_lowered;
	[smem:$0x3FD2] =	sst s25  }
0xa6: {  	s5 =	sshll.u32 s26, $0x1;
	_ =	strace $0x80000046;
	[dreg:$0x1] =	wrdreg $0xFFFFFFFF  }
0xa7: {  	s28 =	simm.s32 $_size_execute0_lowered;
	s3 =	sadd.s32 s3, s5;
	[dreg:$0x0] =	wrdreg $0x0  }
0xa8: {  	s5 =	sshll.u32 s28, $0x1;
	[dreg:$0x2] =	wrdreg s3  }
0xa9: {  	[dreg:$0x3] =	wrdreg s5  }
0xaa: {  	[dreg:$0x4] =	wrdreg $0xC0  }
0xab: {  	_ =	task [dreg:s7], $0x5FFFF  }
0xac: {  	[dreg:$0x1] =	wrdreg $0xFFFFFFFF  }
0xad: {  	[dreg:$0x0] =	wrdreg $0x60  }
0xae: {  	[dreg:$0x2] =	wrdreg s24  }
0xaf: {  	[dreg:$0x3] =	wrdreg s2  }
0xb0: {  	[dreg:$0x4] =	wrdreg $0x9  }
0xb1: {  	_ =	task.clear_ibuf [dreg:s7], $0x5FFFF;
	_ =	strace $0x90000046  }
0xb2: {  	s29 =	simm.s32 $0x9;
	_ =	strace $0x80000048  }
0xb3: {  	_ =	swait.ge [sflag:s29], $0x1  }
0xb4: {  	[sflag:s29] =	ssyncadd.s32 $0xFFFFFFFF  }
0xb5: {  	_ =	strace $0x90000048  }
0xb6: {  	_ =	sfence  }
0xb7: {  	s30 =	sld [smem:$0x0];
	_ =	sdelay $0x2  }
0xb8: {  	s31 =	sshll.u32 s1, $0xD;
	s1 =	sshrl.u32 s1, $0x2  }
0xb9: {  	s3 =	sand.u32 $0x4000, s31;
	s1 =	sadd.s32 s1, s30  }
0xba: {  	s0 =	sor.u32 s3, s0;
	s1 =	sshll.u32 s1, $0x11  }
0xbb: {  	s0 =	sor.u32 s1, s0  }
0xbc: {  	s0 =	sadd.s32 $0x8F2B, s0  }
0xbd: {  	[sflag:s0] =	ssyncadd.remote.s32 $0x1  }
0xbe: {  	_ =	sfence.sel $0xFFFF  }
0xbf: {  	[dreg:$0x0] =	wrdreg $0xFFFFFFFF;
	(pc) =	sbr.abs _section_cstart, $3  }
0xc0: {  	[dreg:$0x1] =	wrdreg $0xFFFFFFFF  }
0xc1: {  	_ =	task.clear_ibuf [dreg:s7], $0x2FFFF;
	_ =	strace $0x9FFFFFFF  }
0xc2: {  	(tm) =	ssettm $0x7FFFFFFF  }
0xc3: {  	_ =	shalt  }
tec
execute0_lowered:
.L_overlay_start_1:
0x0: {  	(tag) =	ssettag $0x1  }
0x1: {  	v0 =	vlaneseq.u32  }
0x2: {  	v2 =	vimm.s32 $0xB80;
	vm14 =	vcmask $0x300;
	vm13 =	vcmask $0x704  }
0x3: {  	v3 =	vimm.s32 $0x1B80;
	vm12 =	vcmask $0xB08;
	vm11 =	vcmask $0xF0C  }
0x4: {  	vm10 =	vcmask $0x1310;
	vm9 =	vcmask $0x1714;
	vm8 =	vcmask $0x1B18  }
0x5: {  	vm7 =	vcmask $0x1F1C;
	vm6 =	vcmask $0x2320;
	vm5 =	vcmask $0x2724  }
0x6: {  	vm4 =	vcmask $0x2B28;
	vm3 =	vcmask $0x2F2C;
	vm2 =	vcmask $0x3330  }
0x7: {  	vm0 =	vcmask $0x3734;
	vm1 =	vcmask $0x3B38;
	v5 =	vimm.s32 $0x2B80  }
0x8: {  	v8 =	vimm.s32 $0x3B80;
	v9 =	vimm.s32 $0x4B80;
	v14 =	vimm.s32 $0x5B80  }
0x9: {  	v17 =	vimm.s32 $0x6B80;
	v18 =	vimm.s32 $0x7B80;
	v1 =	vadd.s32 $0xFFFFFF38, v0  }
0xa: {  	v2 =	vsel vm14, $0x0, v2;
	v3 =	vsel vm14, $0x1000, v3;
	v6 =	vsel vm14, $0x2000, v5  }
0xb: {  	v5 =	vor.u32 $0x10, v0;
	v8 =	vsel vm14, $0x3000, v8;
	v9 =	vsel vm14, $0x4000, v9  }
0xc: {  	v15 =	vsel vm14, $0x5000, v14;
	v14 =	vor.u32 $0x40, v0;
	v17 =	vsel vm14, $0x6000, v17  }
0xd: {  	v18 =	vsel vm14, $0x7000, v18;
	v21 =	vor.u32 $0xE0, v0;
	v23 =	vor.u32 $0x70, v0  }
0xe: {  	v24 =	vor.u32 $0xF0, v0;
	v2 =	vsel vm13, $0x80, v2;
	v3 =	vsel vm13, $0x1080, v3  }
0xf: {  	v7 =	vsel vm13, $0x2080, v6;
	v6 =	vor.u32 $0x90, v0;
	v8 =	vsel vm13, $0x3080, v8  }
0x10: {  	v9 =	vsel vm13, $0x4080, v9;
	v16 =	vsel vm13, $0x5080, v15;
	v15 =	vor.u32 $0xC0, v0  }
0x11: {  	v17 =	vsel vm13, $0x6080, v17;
	v18 =	vsel vm13, $0x7080, v18;
	v2 =	vsel vm12, $0x100, v2  }
0x12: {  	v3 =	vsel vm12, $0x1100, v3;
	v7 =	vsel vm12, $0x2100, v7;
	v8 =	vsel vm12, $0x3100, v8  }
0x13: {  	v9 =	vsel vm12, $0x4100, v9;
	v16 =	vsel vm12, $0x5100, v16;
	v17 =	vsel vm12, $0x6100, v17  }
0x14: {  	v18 =	vsel vm12, $0x7100, v18;
	v2 =	vsel vm11, $0x180, v2;
	v3 =	vsel vm11, $0x1180, v3  }
0x15: {  	v7 =	vsel vm11, $0x2180, v7;
	v8 =	vsel vm11, $0x3180, v8;
	v9 =	vsel vm11, $0x4180, v9  }
0x16: {  	v16 =	vsel vm11, $0x5180, v16;
	v17 =	vsel vm11, $0x6180, v17;
	v18 =	vsel vm11, $0x7180, v18  }
0x17: {  	v2 =	vsel vm10, $0x200, v2;
	v3 =	vsel vm10, $0x1200, v3;
	v7 =	vsel vm10, $0x2200, v7  }
0x18: {  	v8 =	vsel vm10, $0x3200, v8;
	v9 =	vsel vm10, $0x4200, v9;
	v16 =	vsel vm10, $0x5200, v16  }
0x19: {  	v17 =	vsel vm10, $0x6200, v17;
	v18 =	vsel vm10, $0x7200, v18;
	v2 =	vsel vm9, $0x280, v2  }
0x1a: {  	v3 =	vsel vm9, $0x1280, v3;
	v7 =	vsel vm9, $0x2280, v7;
	v8 =	vsel vm9, $0x3280, v8  }
0x1b: {  	v9 =	vsel vm9, $0x4280, v9;
	v16 =	vsel vm9, $0x5280, v16;
	v17 =	vsel vm9, $0x6280, v17  }
0x1c: {  	v18 =	vsel vm9, $0x7280, v18;
	v2 =	vsel vm8, $0x300, v2;
	v3 =	vsel vm8, $0x1300, v3  }
0x1d: {  	v7 =	vsel vm8, $0x2300, v7;
	v8 =	vsel vm8, $0x3300, v8;
	v9 =	vsel vm8, $0x4300, v9  }
0x1e: {  	v16 =	vsel vm8, $0x5300, v16;
	v17 =	vsel vm8, $0x6300, v17;
	v18 =	vsel vm8, $0x7300, v18  }
0x1f: {  	v2 =	vsel vm7, $0x380, v2;
	v3 =	vsel vm7, $0x1380, v3;
	v7 =	vsel vm7, $0x2380, v7  }
0x20: {  	v8 =	vsel vm7, $0x3380, v8;
	v9 =	vsel vm7, $0x4380, v9;
	v16 =	vsel vm7, $0x5380, v16  }
0x21: {  	v17 =	vsel vm7, $0x6380, v17;
	v18 =	vsel vm7, $0x7380, v18;
	v2 =	vsel vm6, $0x800, v2  }
0x22: {  	v3 =	vsel vm6, $0x1800, v3;
	v7 =	vsel vm6, $0x2800, v7;
	v8 =	vsel vm6, $0x3800, v8  }
0x23: {  	v9 =	vsel vm6, $0x4800, v9;
	v16 =	vsel vm6, $0x5800, v16;
	v17 =	vsel vm6, $0x6800, v17  }
0x24: {  	v18 =	vsel vm6, $0x7800, v18;
	v2 =	vsel vm5, $0x880, v2;
	v3 =	vsel vm5, $0x1880, v3  }
0x25: {  	v7 =	vsel vm5, $0x2880, v7;
	v8 =	vsel vm5, $0x3880, v8;
	v9 =	vsel vm5, $0x4880, v9  }
0x26: {  	v16 =	vsel vm5, $0x5880, v16;
	v17 =	vsel vm5, $0x6880, v17;
	v18 =	vsel vm5, $0x7880, v18  }
0x27: {  	v2 =	vsel vm4, $0x900, v2;
	v3 =	vsel vm4, $0x1900, v3;
	v7 =	vsel vm4, $0x2900, v7  }
0x28: {  	v8 =	vsel vm4, $0x3900, v8;
	v9 =	vsel vm4, $0x4900, v9;
	v16 =	vsel vm4, $0x5900, v16  }
0x29: {  	s5 =	rddreg [dreg:$0x0];
	v17 =	vsel vm4, $0x6900, v17;
	v18 =	vsel vm4, $0x7900, v18;
	v2 =	vsel vm3, $0x980, v2  }
0x2a: {  	s7 =	rddreg [dreg:$0x1];
	v3 =	vsel vm3, $0x1980, v3;
	v7 =	vsel vm3, $0x2980, v7;
	v8 =	vsel vm3, $0x3980, v8  }
0x2b: {  	s0 =	rddreg [dreg:$0x2];
	s2 =	simm.s32 $0x0;
	s3 =	srdreg.scid;
	v11 =	vsel vm3, $0x4980, v9;
	v9 =	vor.u32 $0xA0, v0;
	v16 =	vsel vm3, $0x5980, v16  }
0x2c: {  	s1 =	stileid.u32;
	s14 =	simm.s32 $0x3;
	s15 =	simm.s32 $0x400;
	v17 =	vsel vm3, $0x6980, v17;
	v20 =	vsel vm3, $0x7980, v18;
	v18 =	vor.u32 $0xD0, v0  }
0x2d: {  	s16 =	simm.s32 $0x800;
	s17 =	simm.s32 $0x1;
	s18 =	simm.s32 $0x8800;
	v2 =	vsel vm2, $0xA00, v2;
	v3 =	vsel vm2, $0x1A00, v3;
	v7 =	vsel vm2, $0x2A00, v7  }
0x2e: {  	s19 =	simm.s32 $0x10800;
	s20 =	simm.s32 $0x100;
	s21 =	simm.s32 $0x8000;
	v10 =	vsel vm2, $0x3A00, v8;
	v8 =	vor.u32 $0x20, v0;
	v12 =	vsel vm2, $0x4A00, v11  }
0x2f: {  	s22 =	simm.s32 $0x2;
	s23 =	simm.s32 $0x0;
	[smem:$0x7FF] =	sst s2;
	v11 =	vor.u32 $0x30, v0;
	v16 =	vsel vm2, $0x5A00, v16;
	v19 =	vsel vm2, $0x6A00, v17  }
0x30: {  	s4 =	sand.u32 $0x1, s3;
	s29 =	sshll.u32 s1, $0x1;
	s3 =	sadd.s32 $0x81000, s5;
	v17 =	vor.u32 $0x50, v0;
	v22 =	vsel vm2, $0x7A00, v20;
	v20 =	vor.u32 $0x60, v0  }
0x31: {  	_ =	strace $0x80000047;
	s6 =	sor.u32 s4, s29;
	s9 =	ssub.s32 $0x2, s4;
	v2 =	vsel vm0, $0xA80, v2;
	v4 =	vsel vm0, $0x1A80, v3;
	v3 =	vor.u32 $0x80, v0  }
0x32: {  	s4 =	sadd.s32 $0x81200, s5;
	s8 =	sshll.u32 s6, $0xE;
	s30 =	sshrl.u32 s9, $0x1;
	v7 =	vsel vm0, $0x2A80, v7;
	v10 =	vsel vm0, $0x3A80, v10;
	v13 =	vsel vm0, $0x4A80, v12  }
0x33: {  	s31 =	sshll.u32 s6, $0x7;
	s10 =	sadd.s32 s8, s5;
	s13 =	ssub.s32 s9, s30;
	v12 =	vor.u32 $0xB0, v0;
	v16 =	vsel vm0, $0x5A80, v16;
	v19 =	vsel vm0, $0x6A80, v19  }
0x34: {  	s7 =	sadd.s32 s7, s31;
	s5 =	sadd.s32 $0x1000, s10;
	s6 =	sadd.s32 $0x2000, s10;
	v22 =	vsel vm0, $0x7A80, v22;
	v2 =	vsel vm1, $0xB00, v2;
	v4 =	vsel vm1, $0x1B00, v4  }
0x35: {  	s8 =	sadd.s32 $0x3000, s10;
	s9 =	sadd.s32 $0x20, s7;
	s10 =	sadd.s32 $0x4000, s10;
	v7 =	vsel vm1, $0x2B00, v7;
	v10 =	vsel vm1, $0x3B00, v10;
	v13 =	vsel vm1, $0x4B00, v13  }
0x36: {  	s11 =	sadd.s32 $0x40, s7;
	s12 =	sadd.s32 $0x60, s7;
	s13 =	smax.u32 s13, $0x1;
	v16 =	vsel vm1, $0x5B00, v16;
	v19 =	vsel vm1, $0x6B00, v19;
	v22 =	vsel vm1, $0x7B00, v22  }
.LBB2_1:
0x37: {  	[tilespmem:s2], [sflag:$0x3] =	stream.linear.gather [hbm4b:s3+s2], $0x400, $0x38;
	[tilespmem:$0x1D000] =	vst v63  }
0x38: {  	_ =	swait.ge [sflag:s14], $0x400  }
0x39: {  	v25 =	vadd.s32 s2, v0;
	[sflag:s14] =	ssyncset.done $0x0  }
0x3a: {  	v26 =	vadd.s32 s2, v1;
	vm0 =	vgt.u32 v25, $0xC7;
	[sflag:s14] =	ssyncadd.s32 $0xFFFFFC00  }
0x3b: {  	v25 =	vsel vm0, v26, v25;
	[tilespmem:s15], [sflag:$0x3] =	stream.linear.gather [hbm4b:s4+s2], $0x400, $0x38;
	[tilespmem:$0x1D000] =	vst v63  }
0x3c: {  	s24 =	simm.s32 $0x1;
	v26 =	vshll.u32 v25, $0x3;
	_ =	swait.ge [sflag:s14], $0x400  }
0x3d: {  	v27 =	vadd.s32 s24, v0;
	v28 =	vand.u32 $0x7F, v25;
	v26 =	vand.u32 $0xFFFFFC00, v26;
	[sflag:s14] =	ssyncset.done $0x0  }
0x3e: {  	v29 =	vadd.s32 s24, v1;
	vm9 =	vgt.u32 v27, $0xC7;
	v39 =	vor.u32 v28, v26;
	[sflag:s14] =	ssyncadd.s32 $0xFFFFFC00  }
0x3f: {  	v26 =	vsel vm9, v29, v27;
	v27 =	vadd.s32 v2, v39;
	[tilespmem:s16], [sflag:$0x1] =	stream.linear.gather [hbm4b:s5+s2], $0x8000, $0x38;
	[tilespmem:$0x1D000] =	vst v63  }
0x40: {  	v28 =	vshll.u32 v26, $0x3;
	_ =	swait.ge [sflag:s17], $0x8000  }
0x41: {  	v29 =	vand.u32 $0x7F, v26;
	v28 =	vand.u32 $0xFFFFFC00, v28;
	[sflag:s17] =	ssyncset.done $0x0  }
0x42: {  	v40 =	vor.u32 v29, v28;
	[sflag:s17] =	ssyncadd.s32 $0xFFFF8000  }
0x43: {  	v28 =	vadd.s32 v2, v40;
	[tilespmem:s18], [sflag:$0x1] =	stream.linear.gather [hbm4b:s6+s2], $0x8000, $0x38;
	[tilespmem:$0x1D000] =	vst v63  }
0x44: {  	v27 =	vld.idx.msk [tilespmem:v27+s16+$0x0], $0xffff;
	_ =	sdelay $0x3  }
0x45: {  	v28 =	vld.idx.msk [tilespmem:v28+s16+$0x0], $0xffff;
	_ =	sdelay $0x2  }
0x46: {  	v25 =	vshll.u32 v25, $0x8  }
0x47: {  	v30 =	vor.u32 v0, v25;
	v29 =	vld.idx.msk [tilespmem:v27+s2+$0x0], $0xffff  }
0x48: {  	v31 =	vor.u32 v3, v25;
	v27 =	vld.idx.msk [tilespmem:v27+s15+$0x0], $0xffff  }
0x49: {  	v32 =	vadd.s32 v4, v39  }
0x4a: {  	v26 =	vshll.u32 v26, $0x8  }
0x4b: {  	v34 =	vor.u32 v0, v26;
	v33 =	vld.idx.msk [tilespmem:v28+s2+$0x0], $0xffff  }
0x4c: {  	v28 =	vld.idx.msk [tilespmem:v28+s15+$0x0], $0xffff;
	[tilespmem:v30+s19+$0x0] =	vst.idx.msk $0xffff, v29;
	v29 =	vor.u32 v3, v26  }
0x4d: {  	[tilespmem:v31+s19+$0x0] =	vst.idx.msk $0xffff, v27;
	v27 =	vadd.s32 v4, v40  }
0x4e: {  	v30 =	vld.idx.msk [tilespmem:v32+s16+$0x0], $0xffff;
	_ =	sdelay $0x1  }
0x4f: {  	[tilespmem:v34+s19+$0x0] =	vst.idx.msk $0xffff, v33  }
0x50: {  	[tilespmem:v29+s19+$0x0] =	vst.idx.msk $0xffff, v28  }
0x51: {  	v27 =	vld.idx.msk [tilespmem:v27+s16+$0x0], $0xffff  }
0x52: {  	s25 =	simm.s32 $0x2  }
0x53: {  	v28 =	vadd.s32 s25, v0  }
0x54: {  	v29 =	vadd.s32 s25, v1;
	vm10 =	vgt.u32 v28, $0xC7  }
0x55: {  	s26 =	simm.s32 $0x3;
	v31 =	vor.u32 v5, v25;
	v28 =	vsel vm10, v29, v28;
	v29 =	vld.idx.msk [tilespmem:v30+s2+$0x0], $0xffff  }
0x56: {  	v57 =	vadd.s32 s26, v0;
	v35 =	vor.u32 v6, v25;
	v58 =	vshll.u32 v28, $0x3;
	v59 =	vld.idx.msk [tilespmem:v30+s15+$0x0], $0xffff  }
0x57: {  	v36 =	vadd.s32 v7, v39;
	v33 =	vand.u32 $0xFFFFFC00, v58;
	v30 =	vand.u32 $0x7F, v28  }
0x58: {  	v37 =	vadd.s32 s26, v1;
	vm11 =	vgt.u32 v57, $0xC7;
	v30 =	vor.u32 v30, v33  }
0x59: {  	v38 =	vor.u32 v5, v26;
	v32 =	vsel vm11, v37, v57;
	v33 =	vadd.s32 v2, v30;
	v60 =	vld.idx.msk [tilespmem:v27+s2+$0x0], $0xffff  }
0x5a: {  	v41 =	vshll.u32 v32, $0x3;
	v27 =	vld.idx.msk [tilespmem:v27+s15+$0x0], $0xffff;
	[tilespmem:v31+s19+$0x0] =	vst.idx.msk $0xffff, v29;
	v31 =	vor.u32 v6, v26  }
0x5b: {  	v61 =	vadd.s32 v7, v40;
	v41 =	vand.u32 $0xFFFFFC00, v41;
	v29 =	vand.u32 $0x7F, v32;
	[tilespmem:v35+s19+$0x0] =	vst.idx.msk $0xffff, v59  }
0x5c: {  	v29 =	vor.u32 v29, v41;
	v35 =	vld.idx.msk [tilespmem:v36+s16+$0x0], $0xffff  }
0x5d: {  	v62 =	vadd.s32 v2, v29  }
0x5e: {  	v33 =	vld.idx.msk [tilespmem:v33+s16+$0x0], $0xffff;
	[tilespmem:v38+s19+$0x0] =	vst.idx.msk $0xffff, v60  }
0x5f: {  	[tilespmem:v31+s19+$0x0] =	vst.idx.msk $0xffff, v27  }
0x60: {  	v31 =	vld.idx.msk [tilespmem:v61+s16+$0x0], $0xffff;
	_ =	sdelay $0x1  }
0x61: {  	v63 =	vld.idx.msk [tilespmem:v62+s16+$0x0], $0xffff;
	_ =	sdelay $0x1  }
0x62: {  	v48 =	vld.idx.msk [tilespmem:v35+s2+$0x0], $0xffff  }
0x63: {  	v49 =	vor.u32 v8, v25;
	v35 =	vld.idx.msk [tilespmem:v35+s15+$0x0], $0xffff  }
0x64: {  	v50 =	vor.u32 v9, v25;
	v27 =	vshll.u32 v28, $0x8;
	v51 =	vld.idx.msk [tilespmem:v33+s2+$0x0], $0xffff  }
0x65: {  	v44 =	vadd.s32 v10, v39;
	v42 =	vor.u32 v0, v27;
	v33 =	vld.idx.msk [tilespmem:v33+s15+$0x0], $0xffff  }
0x66: {  	v43 =	vor.u32 v3, v27;
	v52 =	vld.idx.msk [tilespmem:v31+s2+$0x0], $0xffff  }
0x67: {  	v45 =	vor.u32 v8, v26;
	v53 =	vadd.s32 v4, v30;
	v31 =	vld.idx.msk [tilespmem:v31+s15+$0x0], $0xffff  }
0x68: {  	v54 =	vor.u32 v9, v26;
	v28 =	vshll.u32 v32, $0x8;
	[tilespmem:v49+s19+$0x0] =	vst.idx.msk $0xffff, v48;
	v46 =	vld.idx.msk [tilespmem:v63+s2+$0x0], $0xffff  }
0x69: {  	v55 =	vor.u32 v0, v28;
	v34 =	vld.idx.msk [tilespmem:v63+s15+$0x0], $0xffff;
	[tilespmem:v50+s19+$0x0] =	vst.idx.msk $0xffff, v35  }
0x6a: {  	s28 =	simm.s32 $0x4;
	v56 =	vadd.s32 v10, v40;
	v57 =	vor.u32 v3, v28;
	[tilespmem:v42+s19+$0x0] =	vst.idx.msk $0xffff, v51;
	v58 =	vld.idx.msk [tilespmem:v44+s16+$0x0], $0xffff  }
0x6b: {  	v59 =	vadd.s32 v4, v29;
	v60 =	vadd.s32 s28, v0;
	[tilespmem:v43+s19+$0x0] =	vst.idx.msk $0xffff, v33  }
0x6c: {  	vm12 =	vgt.u32 v60, $0xC7;
	v61 =	vadd.s32 s28, v1;
	v36 =	vld.idx.msk [tilespmem:v53+s16+$0x0], $0xffff;
	[tilespmem:v45+s19+$0x0] =	vst.idx.msk $0xffff, v52  }
0x6d: {  	v35 =	vsel vm12, v61, v60;
	[tilespmem:v54+s19+$0x0] =	vst.idx.msk $0xffff, v31  }
0x6e: {  	v32 =	vshll.u32 v35, $0x3;
	[tilespmem:v55+s19+$0x0] =	vst.idx.msk $0xffff, v46  }
0x6f: {  	v53 =	vand.u32 $0x7F, v35;
	v32 =	vand.u32 $0xFFFFFC00, v32;
	v31 =	vld.idx.msk [tilespmem:v56+s16+$0x0], $0xffff;
	[tilespmem:v57+s19+$0x0] =	vst.idx.msk $0xffff, v34  }
0x70: {  	v32 =	vor.u32 v53, v32;
	v34 =	vld.idx.msk [tilespmem:v59+s16+$0x0], $0xffff  }
0x71: {  	v47 =	vadd.s32 v2, v32  }
0x72: {  	v63 =	vld.idx.msk [tilespmem:v58+s2+$0x0], $0xffff  }
0x73: {  	v62 =	vor.u32 v11, v25;
	v33 =	vld.idx.msk [tilespmem:v58+s15+$0x0], $0xffff  }
0x74: {  	s29 =	simm.s32 $0x5;
	v54 =	vor.u32 v5, v27;
	v56 =	vld.idx.msk [tilespmem:v36+s2+$0x0], $0xffff  }
0x75: {  	v52 =	vor.u32 v12, v25;
	v55 =	vadd.s32 s29, v0;
	v36 =	vld.idx.msk [tilespmem:v36+s15+$0x0], $0xffff;
	v58 =	vor.u32 v6, v27  }
0x76: {  	vm13 =	vgt.u32 v55, $0xC7;
	v57 =	vadd.s32 s29, v1;
	v59 =	vadd.s32 v7, v30;
	v53 =	vld.idx.msk [tilespmem:v47+s16+$0x0], $0xffff  }
0x77: {  	v45 =	vsel vm13, v57, v55;
	v55 =	vor.u32 v11, v26;
	v48 =	vld.idx.msk [tilespmem:v31+s2+$0x0], $0xffff  }
0x78: {  	v37 =	vadd.s32 v13, v39;
	v49 =	vor.u32 v5, v28;
	[tilespmem:v62+s19+$0x0] =	vst.idx.msk $0xffff, v63;
	v60 =	vld.idx.msk [tilespmem:v34+s2+$0x0], $0xffff  }
0x79: {  	v31 =	vld.idx.msk [tilespmem:v31+s15+$0x0], $0xffff;
	[tilespmem:v54+s19+$0x0] =	vst.idx.msk $0xffff, v56;
	v56 =	vor.u32 v12, v26  }
0x7a: {  	v50 =	vshll.u32 v45, $0x3;
	v61 =	vld.idx.msk [tilespmem:v34+s15+$0x0], $0xffff;
	v62 =	vor.u32 v6, v28;
	[tilespmem:v58+s19+$0x0] =	vst.idx.msk $0xffff, v36  }
0x7b: {  	v51 =	vadd.s32 v7, v29;
	v50 =	vand.u32 $0xFFFFFC00, v50;
	v63 =	vand.u32 $0x7F, v45;
	[tilespmem:v52+s19+$0x0] =	vst.idx.msk $0xffff, v33;
	v38 =	vld.idx.msk [tilespmem:v59+s16+$0x0], $0xffff  }
0x7c: {  	v57 =	vadd.s32 v13, v40;
	v34 =	vor.u32 v63, v50;
	[tilespmem:v55+s19+$0x0] =	vst.idx.msk $0xffff, v48  }
0x7d: {  	v37 =	vld.idx.msk [tilespmem:v37+s16+$0x0], $0xffff;
	v54 =	vadd.s32 v2, v34;
	[tilespmem:v49+s19+$0x0] =	vst.idx.msk $0xffff, v60  }
0x7e: {  	v44 =	vld.idx.msk [tilespmem:v53+s2+$0x0], $0xffff;
	[tilespmem:v56+s19+$0x0] =	vst.idx.msk $0xffff, v31  }
0x7f: {  	v43 =	vld.idx.msk [tilespmem:v53+s15+$0x0], $0xffff;
	v31 =	vshll.u32 v35, $0x8;
	[tilespmem:v62+s19+$0x0] =	vst.idx.msk $0xffff, v61  }
0x80: {  	v59 =	vor.u32 v0, v31;
	v33 =	vld.idx.msk [tilespmem:v51+s16+$0x0], $0xffff  }
0x81: {  	v41 =	vld.idx.msk [tilespmem:v57+s16+$0x0], $0xffff;
	v61 =	vor.u32 v3, v31  }
0x82: {  	v53 =	vadd.s32 v4, v32;
	v36 =	vld.idx.msk [tilespmem:v54+s16+$0x0], $0xffff  }
0x83: {  	v62 =	vor.u32 v8, v27;
	v58 =	vld.idx.msk [tilespmem:v38+s2+$0x0], $0xffff  }
0x84: {  	v56 =	vor.u32 v9, v27;
	v63 =	vld.idx.msk [tilespmem:v38+s15+$0x0], $0xffff  }
0x85: {  	v42 =	vld.idx.msk [tilespmem:v37+s2+$0x0], $0xffff;
	[tilespmem:v59+s19+$0x0] =	vst.idx.msk $0xffff, v44  }
0x86: {  	v60 =	vadd.s32 v10, v30;
	v37 =	vld.idx.msk [tilespmem:v37+s15+$0x0], $0xffff;
	[tilespmem:v61+s19+$0x0] =	vst.idx.msk $0xffff, v43  }
0x87: {  	v50 =	vld.idx.msk [tilespmem:v53+s16+$0x0], $0xffff  }
0x88: {  	v57 =	vld.idx.msk [tilespmem:v33+s2+$0x0], $0xffff;
	[tilespmem:v62+s19+$0x0] =	vst.idx.msk $0xffff, v58;
	v62 =	vor.u32 v8, v28  }
0x89: {  	v54 =	vor.u32 v9, v28;
	[tilespmem:v56+s19+$0x0] =	vst.idx.msk $0xffff, v63;
	v63 =	vld.idx.msk [tilespmem:v33+s15+$0x0], $0xffff  }
0x8a: {  	v55 =	vor.u32 v14, v25;
	v61 =	vld.idx.msk [tilespmem:v41+s2+$0x0], $0xffff;
	v58 =	vadd.s32 v10, v29  }
0x8b: {  	v59 =	vor.u32 v15, v25;
	v33 =	vshll.u32 v45, $0x8;
	v49 =	vld.idx.msk [tilespmem:v60+s16+$0x0], $0xffff  }
0x8c: {  	v52 =	vld.idx.msk [tilespmem:v36+s2+$0x0], $0xffff;
	v45 =	vor.u32 v0, v33;
	v60 =	vadd.s32 v16, v39  }
0x8d: {  	v36 =	vld.idx.msk [tilespmem:v36+s15+$0x0], $0xffff;
	[tilespmem:v62+s19+$0x0] =	vst.idx.msk $0xffff, v57;
	v62 =	vor.u32 v14, v26  }
0x8e: {  	v56 =	vld.idx.msk [tilespmem:v41+s15+$0x0], $0xffff;
	v57 =	vor.u32 v15, v26;
	[tilespmem:v54+s19+$0x0] =	vst.idx.msk $0xffff, v63  }
0x8f: {  	[tilespmem:v55+s19+$0x0] =	vst.idx.msk $0xffff, v42;
	v63 =	vor.u32 v3, v33;
	v42 =	vld.idx.msk [tilespmem:v58+s16+$0x0], $0xffff  }
0x90: {  	s30 =	simm.s32 $0x6;
	v55 =	vadd.s32 v4, v34;
	[tilespmem:v59+s19+$0x0] =	vst.idx.msk $0xffff, v37;
	v44 =	vld.idx.msk [tilespmem:v50+s2+$0x0], $0xffff  }
0x91: {  	v54 =	vadd.s32 v16, v40;
	[tilespmem:v45+s19+$0x0] =	vst.idx.msk $0xffff, v52;
	v43 =	vld.idx.msk [tilespmem:v60+s16+$0x0], $0xffff;
	v58 =	vadd.s32 s30, v0  }
0x92: {  	v59 =	vadd.s32 s30, v1;
	v46 =	vld.idx.msk [tilespmem:v50+s15+$0x0], $0xffff;
	vm14 =	vgt.u32 v58, $0xC7;
	[tilespmem:v62+s19+$0x0] =	vst.idx.msk $0xffff, v61  }
0x93: {  	v45 =	vsel vm14, v59, v58;
	v60 =	vld.idx.msk [tilespmem:v49+s2+$0x0], $0xffff;
	v61 =	vor.u32 v11, v27;
	[tilespmem:v57+s19+$0x0] =	vst.idx.msk $0xffff, v56  }
0x94: {  	v62 =	vld.idx.msk [tilespmem:v49+s15+$0x0], $0xffff;
	[tilespmem:v63+s19+$0x0] =	vst.idx.msk $0xffff, v36;
	v63 =	vor.u32 v12, v27;
	v56 =	vshll.u32 v45, $0x3  }
0x95: {  	v58 =	vand.u32 $0x7F, v45;
	v36 =	vand.u32 $0xFFFFFC00, v56;
	v37 =	vld.idx.msk [tilespmem:v55+s16+$0x0], $0xffff  }
0x96: {  	v57 =	vadd.s32 v13, v30;
	v41 =	vld.idx.msk [tilespmem:v54+s16+$0x0], $0xffff;
	v36 =	vor.u32 v58, v36  }
0x97: {  	v52 =	vor.u32 v5, v31;
	v59 =	vadd.s32 v2, v36;
	v49 =	vld.idx.msk [tilespmem:v42+s2+$0x0], $0xffff  }
0x98: {  	[tilespmem:v61+s19+$0x0] =	vst.idx.msk $0xffff, v60;
	v42 =	vld.idx.msk [tilespmem:v42+s15+$0x0], $0xffff  }
0x99: {  	v61 =	vor.u32 v6, v31;
	[tilespmem:v63+s19+$0x0] =	vst.idx.msk $0xffff, v62;
	v62 =	vld.idx.msk [tilespmem:v43+s2+$0x0], $0xffff  }
0x9a: {  	s31 =	simm.s32 $0x7;
	v54 =	vadd.s32 v7, v32;
	v63 =	vor.u32 v17, v25;
	v43 =	vld.idx.msk [tilespmem:v43+s15+$0x0], $0xffff  }
0x9b: {  	v55 =	vor.u32 v18, v25;
	v56 =	vor.u32 v11, v28;
	v60 =	vadd.s32 s31, v0;
	v53 =	vld.idx.msk [tilespmem:v57+s16+$0x0], $0xffff  }
0x9c: {  	[tilespmem:v52+s19+$0x0] =	vst.idx.msk $0xffff, v44;
	v52 =	vadd.s32 v19, v39;
	vm15 =	vgt.u32 v60, $0xC7;
	v57 =	vadd.s32 s31, v1;
	v48 =	vld.idx.msk [tilespmem:v59+s16+$0x0], $0xffff  }
0x9d: {  	v58 =	vor.u32 v12, v28;
	v50 =	vsel vm15, v57, v60;
	v57 =	vor.u32 v5, v33;
	v44 =	vld.idx.msk [tilespmem:v37+s2+$0x0], $0xffff  }
0x9e: {  	v38 =	vshll.u32 v50, $0x3;
	[tilespmem:v61+s19+$0x0] =	vst.idx.msk $0xffff, v46;
	v35 =	vld.idx.msk [tilespmem:v37+s15+$0x0], $0xffff;
	v37 =	vor.u32 v6, v33  }
0x9f: {  	v61 =	vand.u32 $0x7F, v50;
	v38 =	vand.u32 $0xFFFFFC00, v38;
	[tilespmem:v63+s19+$0x0] =	vst.idx.msk $0xffff, v62;
	v54 =	vld.idx.msk [tilespmem:v54+s16+$0x0], $0xffff;
	v62 =	vadd.s32 v13, v29  }
0xa0: {  	v59 =	vadd.s32 v7, v34;
	[tilespmem:v56+s19+$0x0] =	vst.idx.msk $0xffff, v49;
	v38 =	vor.u32 v61, v38;
	v63 =	vld.idx.msk [tilespmem:v41+s2+$0x0], $0xffff  }
0xa1: {  	v41 =	vld.idx.msk [tilespmem:v41+s15+$0x0], $0xffff;
	[tilespmem:v55+s19+$0x0] =	vst.idx.msk $0xffff, v43;
	v60 =	vadd.s32 v2, v38  }
0xa2: {  	[tilespmem:v58+s19+$0x0] =	vst.idx.msk $0xffff, v42;
	v52 =	vld.idx.msk [tilespmem:v52+s16+$0x0], $0xffff  }
0xa3: {  	[tilespmem:v57+s19+$0x0] =	vst.idx.msk $0xffff, v44;
	v44 =	vld.idx.msk [tilespmem:v53+s2+$0x0], $0xffff  }
0xa4: {  	[tilespmem:v37+s19+$0x0] =	vst.idx.msk $0xffff, v35;
	v42 =	vld.idx.msk [tilespmem:v62+s16+$0x0], $0xffff  }
0xa5: {  	v37 =	vld.idx.msk [tilespmem:v59+s16+$0x0], $0xffff  }
0xa6: {  	v61 =	vor.u32 v17, v26;
	v35 =	vshll.u32 v45, $0x8;
	v46 =	vld.idx.msk [tilespmem:v60+s16+$0x0], $0xffff  }
0xa7: {  	v43 =	vld.idx.msk [tilespmem:v48+s2+$0x0], $0xffff;
	v60 =	vor.u32 v0, v35  }
0xa8: {  	v55 =	vor.u32 v8, v31;
	v49 =	vld.idx.msk [tilespmem:v54+s2+$0x0], $0xffff  }
0xa9: {  	v56 =	vor.u32 v9, v31;
	v54 =	vld.idx.msk [tilespmem:v54+s15+$0x0], $0xffff  }
0xaa: {  	v58 =	vor.u32 v20, v25;
	v57 =	vld.idx.msk [tilespmem:v52+s2+$0x0], $0xffff  }
0xab: {  	[tilespmem:v61+s19+$0x0] =	vst.idx.msk $0xffff, v63;
	v45 =	vld.idx.msk [tilespmem:v52+s15+$0x0], $0xffff;
	v52 =	vor.u32 v18, v26  }
0xac: {  	v59 =	vadd.s32 v19, v40;
	v48 =	vld.idx.msk [tilespmem:v48+s15+$0x0], $0xffff;
	[tilespmem:v60+s19+$0x0] =	vst.idx.msk $0xffff, v43  }
0xad: {  	v47 =	vor.u32 v21, v25;
	[tilespmem:v55+s19+$0x0] =	vst.idx.msk $0xffff, v49;
	v51 =	vld.idx.msk [tilespmem:v37+s2+$0x0], $0xffff  }
0xae: {  	v62 =	vor.u32 v14, v27;
	v55 =	vld.idx.msk [tilespmem:v46+s2+$0x0], $0xffff;
	[tilespmem:v56+s19+$0x0] =	vst.idx.msk $0xffff, v54  }
0xaf: {  	v49 =	vor.u32 v3, v35;
	v54 =	vadd.s32 v10, v32;
	v61 =	vld.idx.msk [tilespmem:v46+s15+$0x0], $0xffff;
	[tilespmem:v58+s19+$0x0] =	vst.idx.msk $0xffff, v57  }
0xb0: {  	v39 =	vadd.s32 v22, v39;
	v57 =	vld.idx.msk [tilespmem:v37+s15+$0x0], $0xffff;
	v58 =	vor.u32 v8, v33;
	[tilespmem:v52+s19+$0x0] =	vst.idx.msk $0xffff, v41  }
0xb1: {  	v56 =	vadd.s32 v4, v36;
	v37 =	vshll.u32 v50, $0x8;
	v41 =	vor.u32 v9, v33;
	v46 =	vld.idx.msk [tilespmem:v59+s16+$0x0], $0xffff  }
0xb2: {  	[tilespmem:v47+s19+$0x0] =	vst.idx.msk $0xffff, v45;
	v45 =	vor.u32 v0, v37;
	v59 =	vld.idx.msk [tilespmem:v53+s15+$0x0], $0xffff  }
0xb3: {  	v60 =	vor.u32 v15, v27;
	v50 =	vadd.s32 v10, v34;
	[tilespmem:v62+s19+$0x0] =	vst.idx.msk $0xffff, v44;
	v53 =	vld.idx.msk [tilespmem:v42+s2+$0x0], $0xffff  }
0xb4: {  	v63 =	vor.u32 v3, v37;
	v62 =	vadd.s32 v16, v30;
	[tilespmem:v49+s19+$0x0] =	vst.idx.msk $0xffff, v48;
	v49 =	vld.idx.msk [tilespmem:v54+s16+$0x0], $0xffff  }
0xb5: {  	v43 =	vadd.s32 v22, v40;
	v39 =	vld.idx.msk [tilespmem:v39+s16+$0x0], $0xffff;
	[tilespmem:v58+s19+$0x0] =	vst.idx.msk $0xffff, v51  }
0xb6: {  	v52 =	vor.u32 v20, v26;
	v48 =	vor.u32 v21, v26;
	v47 =	vld.idx.msk [tilespmem:v56+s16+$0x0], $0xffff;
	[tilespmem:v41+s19+$0x0] =	vst.idx.msk $0xffff, v57  }
0xb7: {  	v54 =	vld.idx.msk [tilespmem:v42+s15+$0x0], $0xffff;
	v56 =	vor.u32 v14, v28;
	v51 =	vor.u32 v11, v31;
	[tilespmem:v45+s19+$0x0] =	vst.idx.msk $0xffff, v55  }
0xb8: {  	v57 =	vor.u32 v15, v28;
	v45 =	vadd.s32 v13, v32;
	[tilespmem:v60+s19+$0x0] =	vst.idx.msk $0xffff, v59;
	v42 =	vld.idx.msk [tilespmem:v50+s16+$0x0], $0xffff  }
0xb9: {  	s24 =	simm.s32 $0x8;
	v55 =	vadd.s32 v16, v29;
	[tilespmem:v63+s19+$0x0] =	vst.idx.msk $0xffff, v61;
	v50 =	vor.u32 v12, v31;
	v44 =	vld.idx.msk [tilespmem:v62+s16+$0x0], $0xffff  }
.LBB2_2:
0xba: {  	v58 =	vadd.s32 s24, v0;
	s25 =	sadd.s32 $0x1, s24;
	v59 =	vor.u32 v5, v35  }
0xbb: {  	p0 =	slt.u32 s24, $0xC6;
	v60 =	vadd.s32 v4, v38;
	v61 =	vld.idx.msk [tilespmem:v46+s2+$0x0], $0xffff;
	v40 =	vmovc v36;
	v41 =	vmovc v29;
	v29 =	vmov v34;
	v34 =	vmov v38;
	s26 =	smov.u32 s24;
	s24 =	sadd.s32 $0x2, s24  }
0xbc: {  	vm0 =	vgt.u32 v58, $0xC7;
	v36 =	vadd.s32 s26, v1;
	v38 =	vadd.s32 s25, v0;
	v62 =	vld.idx.msk [tilespmem:v49+s2+$0x0], $0xffff;
	[tilespmem:v56+s19+$0x0] =	vst.idx.msk $0xffff, v53  }
0xbd: {  	v53 =	vadd.s32 s25, v1;
	v36 =	vsel vm0, v36, v58;
	vm0 =	vgt.u32 v38, $0xC7;
	v49 =	vld.idx.msk [tilespmem:v49+s15+$0x0], $0xffff;
	[tilespmem:v57+s19+$0x0] =	vst.idx.msk $0xffff, v54  }
0xbe: {  	v54 =	vshll.u32 v36, $0x3;
	v56 =	vshll.u32 v36, $0x8;
	v53 =	vsel vm0, v53, v38;
	v46 =	vld.idx.msk [tilespmem:v46+s15+$0x0], $0xffff  }
0xbf: {  	v36 =	vand.u32 $0x7F, v36;
	v38 =	vand.u32 $0xFFFFFC00, v54;
	v54 =	vshll.u32 v53, $0x3;
	v55 =	vld.idx.msk [tilespmem:v55+s16+$0x0], $0xffff  }
0xc0: {  	v36 =	vor.u32 v36, v38;
	v38 =	vand.u32 $0x7F, v53;
	v54 =	vand.u32 $0xFFFFFC00, v54;
	v57 =	vld.idx.msk [tilespmem:v47+s2+$0x0], $0xffff  }
0xc1: {  	v58 =	vadd.s32 v2, v36;
	v38 =	vor.u32 v38, v54;
	v54 =	vld.idx.msk [tilespmem:v42+s2+$0x0], $0xffff;
	[tilespmem:v52+s19+$0x0] =	vst.idx.msk $0xffff, v61  }
0xc2: {  	v53 =	vshll.u32 v53, $0x8;
	v52 =	vadd.s32 v2, v38;
	v60 =	vld.idx.msk [tilespmem:v60+s16+$0x0], $0xffff;
	[tilespmem:v51+s19+$0x0] =	vst.idx.msk $0xffff, v62  }
0xc3: {  	v47 =	vld.idx.msk [tilespmem:v47+s15+$0x0], $0xffff;
	[tilespmem:v50+s19+$0x0] =	vst.idx.msk $0xffff, v49  }
0xc4: {  	v49 =	vor.u32 v6, v35;
	v50 =	vld.idx.msk [tilespmem:v44+s2+$0x0], $0xffff;
	[tilespmem:v48+s19+$0x0] =	vst.idx.msk $0xffff, v46  }
0xc5: {  	v46 =	vor.u32 v17, v27;
	v43 =	vld.idx.msk [tilespmem:v43+s16+$0x0], $0xffff  }
0xc6: {  	[tilespmem:v59+s19+$0x0] =	vst.idx.msk $0xffff, v57;
	v45 =	vld.idx.msk [tilespmem:v45+s16+$0x0], $0xffff  }
0xc7: {  	v48 =	vld.idx.msk [tilespmem:v55+s2+$0x0], $0xffff  }
0xc8: {  	v57 =	vadd.s32 v7, v40;
	v51 =	vld.idx.msk [tilespmem:v58+s16+$0x0], $0xffff  }
0xc9: {  	[tilespmem:v49+s19+$0x0] =	vst.idx.msk $0xffff, v47;
	v44 =	vld.idx.msk [tilespmem:v44+s15+$0x0], $0xffff  }
0xca: {  	v47 =	vld.idx.msk [tilespmem:v60+s15+$0x0], $0xffff;
	[tilespmem:v46+s19+$0x0] =	vst.idx.msk $0xffff, v50;
	v46 =	vor.u32 v18, v27  }
0xcb: {  	v58 =	vadd.s32 v19, v30;
	v50 =	vor.u32 v11, v33;
	v49 =	vld.idx.msk [tilespmem:v60+s2+$0x0], $0xffff  }
0xcc: {  	v59 =	vor.u32 v5, v37;
	v42 =	vld.idx.msk [tilespmem:v42+s15+$0x0], $0xffff  }
0xcd: {  	v60 =	vor.u32 v12, v33;
	v57 =	vld.idx.msk [tilespmem:v57+s16+$0x0], $0xffff  }
0xce: {  	v61 =	vor.u32 v6, v37;
	v62 =	vld.idx.msk [tilespmem:v43+s2+$0x0], $0xffff  }
0xcf: {  	v63 =	vadd.s32 v7, v34;
	[tilespmem:v46+s19+$0x0] =	vst.idx.msk $0xffff, v44;
	v43 =	vld.idx.msk [tilespmem:v43+s15+$0x0], $0xffff;
	v44 =	vor.u32 v23, v26  }
0xd0: {  	v46 =	vadd.s32 v13, v29;
	[tilespmem:v50+s19+$0x0] =	vst.idx.msk $0xffff, v54;
	v50 =	vld.idx.msk [tilespmem:v58+s16+$0x0], $0xffff;
	v54 =	vor.u32 v24, v26  }
0xd1: {  	v26 =	vmovc v28;
	v28 =	vmov v33;
	v33 =	vmov v37;
	v37 =	vmov v53;
	[tilespmem:v59+s19+$0x0] =	vst.idx.msk $0xffff, v49;
	v49 =	vld.idx.msk [tilespmem:v39+s2+$0x0], $0xffff  }
0xd2: {  	[tilespmem:v60+s19+$0x0] =	vst.idx.msk $0xffff, v42;
	v39 =	vld.idx.msk [tilespmem:v39+s15+$0x0], $0xffff;
	v42 =	vor.u32 v23, v25  }
0xd3: {  	[tilespmem:v61+s19+$0x0] =	vst.idx.msk $0xffff, v47;
	v53 =	vld.idx.msk [tilespmem:v45+s2+$0x0], $0xffff;
	v47 =	vor.u32 v24, v25;
	v25 =	vmov v27;
	v27 =	vmov v31  }
0xd4: {  	v31 =	vmov v35;
	v35 =	vmov v56;
	v58 =	vld.idx.msk [tilespmem:v63+s16+$0x0], $0xffff;
	[tilespmem:v44+s19+$0x0] =	vst.idx.msk $0xffff, v62  }
0xd5: {  	v44 =	vld.idx.msk [tilespmem:v46+s16+$0x0], $0xffff;
	[tilespmem:v54+s19+$0x0] =	vst.idx.msk $0xffff, v43  }
0xd6: {  	v43 =	vld.idx.msk [tilespmem:v51+s2+$0x0], $0xffff  }
0xd7: {  	v46 =	vld.idx.msk [tilespmem:v52+s16+$0x0], $0xffff;
	v52 =	vor.u32 v17, v26;
	[tilespmem:v42+s19+$0x0] =	vst.idx.msk $0xffff, v49  }
0xd8: {  	v42 =	vld.idx.msk [tilespmem:v57+s2+$0x0], $0xffff;
	[tilespmem:v47+s19+$0x0] =	vst.idx.msk $0xffff, v39  }
0xd9: {  	v47 =	vor.u32 v8, v31;
	v39 =	vld.idx.msk [tilespmem:v57+s15+$0x0], $0xffff  }
0xda: {  	v49 =	vor.u32 v9, v31;
	v54 =	vld.idx.msk [tilespmem:v50+s2+$0x0], $0xffff  }
0xdb: {  	v56 =	vor.u32 v20, v25;
	v55 =	vld.idx.msk [tilespmem:v55+s15+$0x0], $0xffff  }
0xdc: {  	v50 =	vld.idx.msk [tilespmem:v50+s15+$0x0], $0xffff;
	[tilespmem:v52+s19+$0x0] =	vst.idx.msk $0xffff, v48;
	v48 =	vor.u32 v18, v26  }
0xdd: {  	v59 =	vadd.s32 v19, v41;
	v57 =	vor.u32 v21, v25;
	v52 =	vld.idx.msk [tilespmem:v58+s2+$0x0], $0xffff  }
0xde: {  	v60 =	vor.u32 v0, v35;
	v51 =	vld.idx.msk [tilespmem:v51+s15+$0x0], $0xffff;
	[tilespmem:v47+s19+$0x0] =	vst.idx.msk $0xffff, v42  }
0xdf: {  	v42 =	vor.u32 v3, v35;
	v61 =	vld.idx.msk [tilespmem:v46+s2+$0x0], $0xffff;
	[tilespmem:v49+s19+$0x0] =	vst.idx.msk $0xffff, v39;
	v39 =	vadd.s32 v10, v40  }
0xe0: {  	v63 =	vor.u32 v14, v27;
	v47 =	vadd.s32 v4, v36;
	v62 =	vld.idx.msk [tilespmem:v46+s15+$0x0], $0xffff;
	[tilespmem:v56+s19+$0x0] =	vst.idx.msk $0xffff, v54  }
0xe1: {  	v56 =	vor.u32 v8, v33;
	v54 =	vld.idx.msk [tilespmem:v58+s15+$0x0], $0xffff;
	[tilespmem:v48+s19+$0x0] =	vst.idx.msk $0xffff, v55  }
0xe2: {  	v48 =	vor.u32 v9, v33;
	[tilespmem:v57+s19+$0x0] =	vst.idx.msk $0xffff, v50;
	v46 =	vld.idx.msk [tilespmem:v59+s16+$0x0], $0xffff  }
0xe3: {  	v55 =	vadd.s32 v10, v34;
	v50 =	vor.u32 v0, v37;
	[tilespmem:v60+s19+$0x0] =	vst.idx.msk $0xffff, v43;
	v58 =	vld.idx.msk [tilespmem:v45+s15+$0x0], $0xffff  }
0xe4: {  	[tilespmem:v42+s19+$0x0] =	vst.idx.msk $0xffff, v51;
	v49 =	vld.idx.msk [tilespmem:v39+s16+$0x0], $0xffff;
	v39 =	vor.u32 v15, v27;
	v51 =	vadd.s32 v22, v30  }
0xe5: {  	v59 =	vor.u32 v3, v37;
	v60 =	vadd.s32 v16, v32;
	v47 =	vld.idx.msk [tilespmem:v47+s16+$0x0], $0xffff;
	[tilespmem:v63+s19+$0x0] =	vst.idx.msk $0xffff, v53  }
.Ltmp0:
0xe6: {  	v43 =	vadd.s32 v22, v41;
	v30 =	vmov v32;
	v32 =	vmov v40;
	[tilespmem:v56+s19+$0x0] =	vst.idx.msk $0xffff, v52;
	v53 =	vld.idx.msk [tilespmem:v44+s2+$0x0], $0xffff;
	(pc) =	sbr.rel @p0 .LBB2_2-.Ltmp0, $4  }
0xe7: {  	v56 =	vor.u32 v14, v28;
	[tilespmem:v48+s19+$0x0] =	vst.idx.msk $0xffff, v54;
	v54 =	vld.idx.msk [tilespmem:v44+s15+$0x0], $0xffff;
	v48 =	vor.u32 v21, v26  }
0xe8: {  	v57 =	vor.u32 v15, v28;
	v52 =	vor.u32 v20, v26;
	[tilespmem:v50+s19+$0x0] =	vst.idx.msk $0xffff, v61;
	v42 =	vld.idx.msk [tilespmem:v55+s16+$0x0], $0xffff  }
0xe9: {  	v45 =	vadd.s32 v13, v32;
	v55 =	vadd.s32 v16, v29;
	[tilespmem:v39+s19+$0x0] =	vst.idx.msk $0xffff, v58;
	v39 =	vld.idx.msk [tilespmem:v51+s16+$0x0], $0xffff  }
0xea: {  	v50 =	vor.u32 v12, v31;
	v51 =	vor.u32 v11, v31;
	[tilespmem:v59+s19+$0x0] =	vst.idx.msk $0xffff, v62;
	v44 =	vld.idx.msk [tilespmem:v60+s16+$0x0], $0xffff  }
0xeb: {  	v40 =	vadd.s32 v4, v38;
	_ =	sdelay $0x4  }
0xec: {  	v40 =	vld.idx.msk [tilespmem:v40+s16+$0x0], $0xffff;
	_ =	sdelay $0x7  }
0xed: {  	v41 =	vld.idx.msk [tilespmem:v40+s2+$0x0], $0xffff;
	_ =	sdelay $0x4  }
0xee: {  	[tilespmem:$0x1FFE0] =	vst v41  }
0xef: {  	v40 =	vld.idx.msk [tilespmem:v40+s15+$0x0], $0xffff  }
0xf0: {  	v58 =	vor.u32 v5, v37;
	v41 =	vld [tilespmem:$0x1FFE0];
	_ =	sdelay $0x3  }
0xf1: {  	[tilespmem:$0x1FFF0] =	vst v40  }
0xf2: {  	[tilespmem:v58+s19+$0x0] =	vst.idx.msk $0xffff, v41  }
0xf3: {  	v59 =	vor.u32 v6, v37;
	v41 =	vld [tilespmem:$0x1FFF0]  }
0xf4: {  	v60 =	vor.u32 v5, v35;
	v62 =	vadd.s32 v7, v38;
	v61 =	vld.idx.msk [tilespmem:v47+s2+$0x0], $0xffff  }
0xf5: {  	v63 =	vor.u32 v6, v35;
	v47 =	vld.idx.msk [tilespmem:v47+s15+$0x0], $0xffff  }
0xf6: {  	v40 =	vadd.s32 v7, v36  }
0xf7: {  	[tilespmem:v56+s19+$0x0] =	vst.idx.msk $0xffff, v53  }
0xf8: {  	[tilespmem:v59+s19+$0x0] =	vst.idx.msk $0xffff, v41;
	v41 =	vld.idx.msk [tilespmem:v46+s2+$0x0], $0xffff  }
0xf9: {  	[tilespmem:v60+s19+$0x0] =	vst.idx.msk $0xffff, v61;
	v58 =	vld.idx.msk [tilespmem:v62+s16+$0x0], $0xffff  }
0xfa: {  	v60 =	vld.idx.msk [tilespmem:v46+s15+$0x0], $0xffff;
	[tilespmem:v63+s19+$0x0] =	vst.idx.msk $0xffff, v47  }
0xfb: {  	[tilespmem:v57+s19+$0x0] =	vst.idx.msk $0xffff, v54;
	v40 =	vld.idx.msk [tilespmem:v40+s16+$0x0], $0xffff  }
0xfc: {  	v53 =	vld.idx.msk [tilespmem:v55+s16+$0x0], $0xffff  }
0xfd: {  	v47 =	vld.idx.msk [tilespmem:v49+s2+$0x0], $0xffff  }
0xfe: {  	v49 =	vld.idx.msk [tilespmem:v49+s15+$0x0], $0xffff;
	[tilespmem:v52+s19+$0x0] =	vst.idx.msk $0xffff, v41  }
0xff: {  	v41 =	vld.idx.msk [tilespmem:v42+s2+$0x0], $0xffff;
	[tilespmem:v48+s19+$0x0] =	vst.idx.msk $0xffff, v60  }
0x100: {  	v43 =	vld.idx.msk [tilespmem:v43+s16+$0x0], $0xffff  }
0x101: {  	v48 =	vor.u32 v8, v37;
	v46 =	vld.idx.msk [tilespmem:v58+s2+$0x0], $0xffff  }
0x102: {  	v61 =	vor.u32 v9, v37;
	v52 =	vld.idx.msk [tilespmem:v58+s15+$0x0], $0xffff  }
0x103: {  	v63 =	vadd.s32 v10, v38;
	v62 =	vor.u32 v8, v35;
	v60 =	vld.idx.msk [tilespmem:v40+s2+$0x0], $0xffff  }
0x104: {  	[tilespmem:v51+s19+$0x0] =	vst.idx.msk $0xffff, v47;
	v40 =	vld.idx.msk [tilespmem:v40+s15+$0x0], $0xffff;
	v58 =	vor.u32 v9, v35  }
0x105: {  	v59 =	vadd.s32 v10, v36;
	v42 =	vld.idx.msk [tilespmem:v42+s15+$0x0], $0xffff;
	[tilespmem:v50+s19+$0x0] =	vst.idx.msk $0xffff, v49  }
0x106: {  	v51 =	vor.u32 v11, v33;
	v56 =	vld.idx.msk [tilespmem:v53+s2+$0x0], $0xffff;
	[tilespmem:v48+s19+$0x0] =	vst.idx.msk $0xffff, v46  }
0x107: {  	v49 =	vld.idx.msk [tilespmem:v44+s2+$0x0], $0xffff;
	v46 =	vor.u32 v12, v33;
	[tilespmem:v61+s19+$0x0] =	vst.idx.msk $0xffff, v52  }
0x108: {  	v48 =	vor.u32 v17, v27;
	[tilespmem:v62+s19+$0x0] =	vst.idx.msk $0xffff, v60;
	v61 =	vadd.s32 v13, v34;
	v54 =	vld.idx.msk [tilespmem:v63+s16+$0x0], $0xffff  }
0x109: {  	v62 =	vld.idx.msk [tilespmem:v44+s15+$0x0], $0xffff;
	[tilespmem:v58+s19+$0x0] =	vst.idx.msk $0xffff, v40;
	v63 =	vor.u32 v18, v27  }
0x10a: {  	v60 =	vadd.s32 v19, v30;
	v50 =	vld.idx.msk [tilespmem:v59+s16+$0x0], $0xffff  }
0x10b: {  	v45 =	vld.idx.msk [tilespmem:v45+s16+$0x0], $0xffff;
	[tilespmem:v51+s19+$0x0] =	vst.idx.msk $0xffff, v41  }
0x10c: {  	v41 =	vld.idx.msk [tilespmem:v43+s2+$0x0], $0xffff;
	[tilespmem:v46+s19+$0x0] =	vst.idx.msk $0xffff, v42  }
0x10d: {  	[tilespmem:v48+s19+$0x0] =	vst.idx.msk $0xffff, v49;
	v42 =	vld.idx.msk [tilespmem:v61+s16+$0x0], $0xffff  }
0x10e: {  	v40 =	vld.idx.msk [tilespmem:v43+s15+$0x0], $0xffff;
	[tilespmem:v63+s19+$0x0] =	vst.idx.msk $0xffff, v62  }
0x10f: {  	v43 =	vld.idx.msk [tilespmem:v60+s16+$0x0], $0xffff  }
0x110: {  	v61 =	vor.u32 v11, v37;
	v44 =	vld.idx.msk [tilespmem:v54+s2+$0x0], $0xffff  }
0x111: {  	v62 =	vor.u32 v12, v37;
	v47 =	vld.idx.msk [tilespmem:v54+s15+$0x0], $0xffff  }
0x112: {  	v49 =	vor.u32 v11, v35;
	v63 =	vadd.s32 v13, v38;
	v51 =	vld.idx.msk [tilespmem:v50+s2+$0x0], $0xffff  }
0x113: {  	v60 =	vor.u32 v12, v35;
	v50 =	vld.idx.msk [tilespmem:v50+s15+$0x0], $0xffff  }
0x114: {  	v57 =	vadd.s32 v13, v36;
	v55 =	vld.idx.msk [tilespmem:v45+s2+$0x0], $0xffff  }
0x115: {  	v59 =	vor.u32 v14, v33;
	v58 =	vld.idx.msk [tilespmem:v42+s2+$0x0], $0xffff;
	[tilespmem:v61+s19+$0x0] =	vst.idx.msk $0xffff, v44  }
0x116: {  	v42 =	vld.idx.msk [tilespmem:v42+s15+$0x0], $0xffff;
	v61 =	vor.u32 v15, v33;
	[tilespmem:v62+s19+$0x0] =	vst.idx.msk $0xffff, v47  }
0x117: {  	v46 =	vor.u32 v14, v31;
	[tilespmem:v49+s19+$0x0] =	vst.idx.msk $0xffff, v51;
	v62 =	vadd.s32 v16, v34;
	v48 =	vld.idx.msk [tilespmem:v63+s16+$0x0], $0xffff  }
0x118: {  	v45 =	vld.idx.msk [tilespmem:v45+s15+$0x0], $0xffff;
	[tilespmem:v60+s19+$0x0] =	vst.idx.msk $0xffff, v50;
	v63 =	vor.u32 v15, v31  }
0x119: {  	v60 =	vadd.s32 v16, v32;
	v51 =	vld.idx.msk [tilespmem:v57+s16+$0x0], $0xffff  }
0x11a: {  	v52 =	vld.idx.msk [tilespmem:v39+s2+$0x0], $0xffff;
	[tilespmem:v59+s19+$0x0] =	vst.idx.msk $0xffff, v58  }
0x11b: {  	v39 =	vld.idx.msk [tilespmem:v39+s15+$0x0], $0xffff;
	[tilespmem:v61+s19+$0x0] =	vst.idx.msk $0xffff, v42  }
0x11c: {  	[tilespmem:v46+s19+$0x0] =	vst.idx.msk $0xffff, v55;
	v61 =	vor.u32 v17, v28;
	v44 =	vld.idx.msk [tilespmem:v62+s16+$0x0], $0xffff  }
0x11d: {  	v46 =	vld.idx.msk [tilespmem:v53+s15+$0x0], $0xffff;
	v62 =	vor.u32 v18, v28;
	[tilespmem:v63+s19+$0x0] =	vst.idx.msk $0xffff, v45  }
0x11e: {  	v63 =	vadd.s32 v19, v29;
	v49 =	vld.idx.msk [tilespmem:v60+s16+$0x0], $0xffff  }
0x11f: {  	v53 =	vor.u32 v14, v37;
	v50 =	vld.idx.msk [tilespmem:v48+s2+$0x0], $0xffff  }
0x120: {  	v60 =	vor.u32 v15, v37;
	v48 =	vld.idx.msk [tilespmem:v48+s15+$0x0], $0xffff  }
0x121: {  	v55 =	vor.u32 v14, v35;
	[tilespmem:v61+s19+$0x0] =	vst.idx.msk $0xffff, v56;
	v42 =	vld.idx.msk [tilespmem:v51+s2+$0x0], $0xffff;
	v61 =	vadd.s32 v16, v38  }
0x122: {  	v47 =	vor.u32 v15, v35;
	[tilespmem:v62+s19+$0x0] =	vst.idx.msk $0xffff, v46;
	v46 =	vld.idx.msk [tilespmem:v51+s15+$0x0], $0xffff  }
0x123: {  	v62 =	vadd.s32 v16, v36;
	v45 =	vld.idx.msk [tilespmem:v63+s16+$0x0], $0xffff  }
0x124: {  	v63 =	vld.idx.msk [tilespmem:v44+s2+$0x0], $0xffff;
	[tilespmem:v53+s19+$0x0] =	vst.idx.msk $0xffff, v50  }
0x125: {  	v59 =	vor.u32 v17, v33;
	v44 =	vld.idx.msk [tilespmem:v44+s15+$0x0], $0xffff;
	[tilespmem:v60+s19+$0x0] =	vst.idx.msk $0xffff, v48  }
0x126: {  	[tilespmem:v55+s19+$0x0] =	vst.idx.msk $0xffff, v42;
	v60 =	vor.u32 v18, v33;
	v42 =	vld.idx.msk [tilespmem:v61+s16+$0x0], $0xffff  }
0x127: {  	v53 =	vld.idx.msk [tilespmem:v43+s2+$0x0], $0xffff;
	[tilespmem:v47+s19+$0x0] =	vst.idx.msk $0xffff, v46;
	v61 =	vadd.s32 v19, v34  }
0x128: {  	v46 =	vld.idx.msk [tilespmem:v62+s16+$0x0], $0xffff  }
0x129: {  	v43 =	vld.idx.msk [tilespmem:v43+s15+$0x0], $0xffff  }
0x12a: {  	v51 =	vld.idx.msk [tilespmem:v49+s2+$0x0], $0xffff;
	v62 =	vor.u32 v20, v27;
	[tilespmem:v59+s19+$0x0] =	vst.idx.msk $0xffff, v63  }
0x12b: {  	v49 =	vld.idx.msk [tilespmem:v49+s15+$0x0], $0xffff;
	v63 =	vor.u32 v17, v31;
	[tilespmem:v60+s19+$0x0] =	vst.idx.msk $0xffff, v44  }
0x12c: {  	v44 =	vor.u32 v18, v31;
	v48 =	vld.idx.msk [tilespmem:v61+s16+$0x0], $0xffff  }
0x12d: {  	v54 =	vor.u32 v21, v27;
	v55 =	vld.idx.msk [tilespmem:v45+s2+$0x0], $0xffff;
	v60 =	vadd.s32 v19, v32  }
0x12e: {  	v61 =	vor.u32 v17, v37;
	v57 =	vld.idx.msk [tilespmem:v42+s2+$0x0], $0xffff  }
0x12f: {  	[tilespmem:v62+s19+$0x0] =	vst.idx.msk $0xffff, v53;
	v62 =	vor.u32 v18, v37;
	v42 =	vld.idx.msk [tilespmem:v42+s15+$0x0], $0xffff  }
0x130: {  	[tilespmem:v63+s19+$0x0] =	vst.idx.msk $0xffff, v51;
	v51 =	vor.u32 v17, v35;
	v63 =	vadd.s32 v19, v38;
	v50 =	vld.idx.msk [tilespmem:v46+s2+$0x0], $0xffff  }
0x131: {  	[tilespmem:v44+s19+$0x0] =	vst.idx.msk $0xffff, v49;
	v44 =	vld.idx.msk [tilespmem:v46+s15+$0x0], $0xffff;
	v46 =	vor.u32 v18, v35  }
0x132: {  	[tilespmem:v54+s19+$0x0] =	vst.idx.msk $0xffff, v43;
	v43 =	vor.u32 v20, v28;
	v54 =	vadd.s32 v19, v36;
	v49 =	vld.idx.msk [tilespmem:v60+s16+$0x0], $0xffff  }
0x133: {  	v30 =	vadd.s32 v22, v30;
	v45 =	vld.idx.msk [tilespmem:v45+s15+$0x0], $0xffff;
	v60 =	vor.u32 v21, v28;
	[tilespmem:v61+s19+$0x0] =	vst.idx.msk $0xffff, v57  }
0x134: {  	v29 =	vadd.s32 v22, v29;
	v61 =	vld.idx.msk [tilespmem:v48+s2+$0x0], $0xffff;
	[tilespmem:v62+s19+$0x0] =	vst.idx.msk $0xffff, v42  }
0x135: {  	[tilespmem:v51+s19+$0x0] =	vst.idx.msk $0xffff, v50;
	v62 =	vor.u32 v20, v33;
	v47 =	vld.idx.msk [tilespmem:v63+s16+$0x0], $0xffff  }
0x136: {  	v48 =	vld.idx.msk [tilespmem:v48+s15+$0x0], $0xffff;
	[tilespmem:v46+s19+$0x0] =	vst.idx.msk $0xffff, v44;
	v63 =	vor.u32 v21, v33  }
0x137: {  	v53 =	vadd.s32 v22, v34;
	[tilespmem:v43+s19+$0x0] =	vst.idx.msk $0xffff, v55;
	v43 =	vld.idx.msk [tilespmem:v54+s16+$0x0], $0xffff  }
0x138: {  	v30 =	vld.idx.msk [tilespmem:v30+s16+$0x0], $0xffff;
	[tilespmem:v60+s19+$0x0] =	vst.idx.msk $0xffff, v45  }
0x139: {  	v29 =	vld.idx.msk [tilespmem:v29+s16+$0x0], $0xffff  }
0x13a: {  	v55 =	vor.u32 v23, v26;
	v56 =	vld.idx.msk [tilespmem:v49+s2+$0x0], $0xffff;
	[tilespmem:v62+s19+$0x0] =	vst.idx.msk $0xffff, v61  }
0x13b: {  	v58 =	vor.u32 v20, v31;
	v59 =	vld.idx.msk [tilespmem:v49+s15+$0x0], $0xffff;
	[tilespmem:v63+s19+$0x0] =	vst.idx.msk $0xffff, v48  }
0x13c: {  	v60 =	vor.u32 v21, v31;
	v34 =	vld.idx.msk [tilespmem:v53+s16+$0x0], $0xffff  }
0x13d: {  	v32 =	vadd.s32 v22, v32;
	v61 =	vor.u32 v20, v37;
	v62 =	vld.idx.msk [tilespmem:v47+s2+$0x0], $0xffff  }
0x13e: {  	v63 =	vor.u32 v21, v37;
	v47 =	vld.idx.msk [tilespmem:v47+s15+$0x0], $0xffff  }
0x13f: {  	v54 =	vor.u32 v20, v35;
	[tilespmem:v55+s19+$0x0] =	vst.idx.msk $0xffff, v41;
	v55 =	vadd.s32 v22, v38;
	v53 =	vld.idx.msk [tilespmem:v43+s2+$0x0], $0xffff  }
0x140: {  	v57 =	vor.u32 v21, v35;
	[tilespmem:v58+s19+$0x0] =	vst.idx.msk $0xffff, v56;
	v56 =	vld.idx.msk [tilespmem:v43+s15+$0x0], $0xffff  }
0x141: {  	v26 =	vor.u32 v24, v26;
	v58 =	vld.idx.msk [tilespmem:v29+s2+$0x0], $0xffff;
	[tilespmem:v60+s19+$0x0] =	vst.idx.msk $0xffff, v59;
	v59 =	vadd.s32 v22, v36  }
0x142: {  	v60 =	vor.u32 v23, v25;
	v32 =	vld.idx.msk [tilespmem:v32+s16+$0x0], $0xffff;
	[tilespmem:v61+s19+$0x0] =	vst.idx.msk $0xffff, v62  }
0x143: {  	v25 =	vor.u32 v24, v25;
	v29 =	vld.idx.msk [tilespmem:v29+s15+$0x0], $0xffff;
	[tilespmem:v63+s19+$0x0] =	vst.idx.msk $0xffff, v47  }
0x144: {  	v61 =	vor.u32 v23, v28;
	[tilespmem:v54+s19+$0x0] =	vst.idx.msk $0xffff, v53;
	v38 =	vld.idx.msk [tilespmem:v55+s16+$0x0], $0xffff  }
0x145: {  	v28 =	vor.u32 v24, v28;
	v62 =	vld.idx.msk [tilespmem:v30+s2+$0x0], $0xffff;
	[tilespmem:v57+s19+$0x0] =	vst.idx.msk $0xffff, v56  }
0x146: {  	[tilespmem:v26+s19+$0x0] =	vst.idx.msk $0xffff, v40;
	v26 =	vor.u32 v23, v27;
	v36 =	vld.idx.msk [tilespmem:v59+s16+$0x0], $0xffff  }
0x147: {  	v27 =	vor.u32 v24, v27;
	v30 =	vld.idx.msk [tilespmem:v30+s15+$0x0], $0xffff;
	[tilespmem:v60+s19+$0x0] =	vst.idx.msk $0xffff, v52  }
0x148: {  	v63 =	vor.u32 v23, v33;
	[tilespmem:v25+s19+$0x0] =	vst.idx.msk $0xffff, v39;
	v25 =	vld.idx.msk [tilespmem:v34+s2+$0x0], $0xffff  }
0x149: {  	v40 =	vor.u32 v24, v33;
	v34 =	vld.idx.msk [tilespmem:v34+s15+$0x0], $0xffff;
	[tilespmem:v61+s19+$0x0] =	vst.idx.msk $0xffff, v58  }
0x14a: {  	[tilespmem:v28+s19+$0x0] =	vst.idx.msk $0xffff, v29;
	v28 =	vld.idx.msk [tilespmem:v32+s2+$0x0], $0xffff;
	v29 =	vor.u32 v23, v31  }
0x14b: {  	[tilespmem:v26+s19+$0x0] =	vst.idx.msk $0xffff, v62;
	v26 =	vld.idx.msk [tilespmem:v32+s15+$0x0], $0xffff;
	v31 =	vor.u32 v24, v31  }
0x14c: {  	[tilespmem:v27+s19+$0x0] =	vst.idx.msk $0xffff, v30;
	v30 =	vor.u32 v23, v37;
	v27 =	vld.idx.msk [tilespmem:v38+s2+$0x0], $0xffff  }
0x14d: {  	v41 =	vor.u32 v24, v37;
	[tilespmem:v63+s19+$0x0] =	vst.idx.msk $0xffff, v25;
	v25 =	vld.idx.msk [tilespmem:v38+s15+$0x0], $0xffff  }
0x14e: {  	v43 =	vor.u32 v23, v35;
	[tilespmem:v40+s19+$0x0] =	vst.idx.msk $0xffff, v34;
	v42 =	vld.idx.msk [tilespmem:v36+s2+$0x0], $0xffff  }
0x14f: {  	[tilespmem:v29+s19+$0x0] =	vst.idx.msk $0xffff, v28;
	v28 =	vld.idx.msk [tilespmem:v36+s15+$0x0], $0xffff;
	v29 =	vor.u32 v24, v35  }
0x150: {  	[tilespmem:v31+s19+$0x0] =	vst.idx.msk $0xffff, v26  }
0x151: {  	s24 =	simm.s32 $0x0;
	[tilespmem:v30+s19+$0x0] =	vst.idx.msk $0xffff, v27  }
0x152: {  	[tilespmem:v41+s19+$0x0] =	vst.idx.msk $0xffff, v25;
	v25 =	vadd.s32 s24, v0  }
0x153: {  	v26 =	vadd.s32 s24, v1;
	[tilespmem:v43+s19+$0x0] =	vst.idx.msk $0xffff, v42;
	vm0 =	vgt.u32 v25, $0xC7  }
0x154: {  	s25 =	simm.s32 $0x1;
	[tilespmem:v29+s19+$0x0] =	vst.idx.msk $0xffff, v28;
	v25 =	vsel vm0, v26, v25  }
0x155: {  	[hbm4b:s7+s20] =	stream.strided.scatter [tilespmem:s19], [sflag:$0x2], $0xC800, s21, s20, $0x38;
	v26 =	vshll.u32 v25, $0x3;
	[tilespmem:$0x1D000] =	vst v63  }
0x156: {  	v27 =	vadd.s32 s25, v0;
	_ =	swait.ge [sflag:s17], $0x8000;
	v28 =	vand.u32 $0x7F, v25;
	v26 =	vand.u32 $0xFFFFFC00, v26  }
0x157: {  	vm9 =	vgt.u32 v27, $0xC7;
	v29 =	vadd.s32 s25, v1;
	[sflag:s17] =	ssyncset.done $0x0;
	v39 =	vor.u32 v28, v26  }
0x158: {  	[sflag:s17] =	ssyncadd.s32 $0xFFFF8000;
	v26 =	vsel vm9, v29, v27;
	v27 =	vadd.s32 v2, v39  }
0x159: {  	[tilespmem:s16], [sflag:$0x1] =	stream.linear.gather [hbm4b:s8+s24], $0x8000, $0x38;
	v28 =	vshll.u32 v26, $0x3;
	[tilespmem:$0x1D000] =	vst v63  }
0x15a: {  	_ =	swait.ge [sflag:s22], $0xC800;
	v29 =	vand.u32 $0x7F, v26;
	v28 =	vand.u32 $0xFFFFFC00, v28  }
0x15b: {  	[sflag:s22] =	ssyncset.done $0x0;
	v40 =	vor.u32 v29, v28  }
0x15c: {  	[sflag:s22] =	ssyncadd.s32 $0xFFFF3800;
	v28 =	vadd.s32 v2, v40  }
0x15d: {  	v27 =	vld.idx.msk [tilespmem:v27+s18+$0x0], $0xffff;
	_ =	sdelay $0x3  }
0x15e: {  	v28 =	vld.idx.msk [tilespmem:v28+s18+$0x0], $0xffff;
	_ =	sdelay $0x2  }
0x15f: {  	v25 =	vshll.u32 v25, $0x8  }
0x160: {  	v30 =	vor.u32 v0, v25;
	v29 =	vld.idx.msk [tilespmem:v27+s2+$0x0], $0xffff  }
0x161: {  	v31 =	vor.u32 v3, v25;
	v27 =	vld.idx.msk [tilespmem:v27+s15+$0x0], $0xffff  }
0x162: {  	v44 =	vadd.s32 v4, v39  }
0x163: {  	v26 =	vshll.u32 v26, $0x8  }
0x164: {  	v46 =	vor.u32 v0, v26;
	v45 =	vld.idx.msk [tilespmem:v28+s2+$0x0], $0xffff  }
0x165: {  	v28 =	vld.idx.msk [tilespmem:v28+s15+$0x0], $0xffff;
	[tilespmem:v30+s19+$0x0] =	vst.idx.msk $0xffff, v29;
	v29 =	vor.u32 v3, v26  }
0x166: {  	[tilespmem:v31+s19+$0x0] =	vst.idx.msk $0xffff, v27;
	v27 =	vadd.s32 v4, v40  }
0x167: {  	v30 =	vld.idx.msk [tilespmem:v44+s18+$0x0], $0xffff;
	_ =	sdelay $0x1  }
0x168: {  	[tilespmem:v46+s19+$0x0] =	vst.idx.msk $0xffff, v45  }
0x169: {  	[tilespmem:v29+s19+$0x0] =	vst.idx.msk $0xffff, v28  }
0x16a: {  	v27 =	vld.idx.msk [tilespmem:v27+s18+$0x0], $0xffff  }
0x16b: {  	s25 =	simm.s32 $0x2  }
0x16c: {  	s26 =	simm.s32 $0x3;
	v28 =	vadd.s32 s25, v0  }
0x16d: {  	v47 =	vadd.s32 s26, v0;
	v29 =	vadd.s32 s25, v1;
	vm10 =	vgt.u32 v28, $0xC7  }
0x16e: {  	v52 =	vadd.s32 s26, v1;
	v31 =	vor.u32 v5, v25;
	v28 =	vsel vm10, v29, v28;
	v29 =	vld.idx.msk [tilespmem:v30+s2+$0x0], $0xffff  }
0x16f: {  	vm11 =	vgt.u32 v47, $0xC7;
	v50 =	vor.u32 v6, v25;
	v48 =	vshll.u32 v28, $0x3;
	v49 =	vld.idx.msk [tilespmem:v30+s15+$0x0], $0xffff  }
0x170: {  	v51 =	vadd.s32 v7, v39;
	v33 =	vand.u32 $0xFFFFFC00, v48;
	v30 =	vand.u32 $0x7F, v28  }
0x171: {  	v32 =	vsel vm11, v52, v47;
	v30 =	vor.u32 v30, v33  }
0x172: {  	v55 =	vshll.u32 v32, $0x3;
	v54 =	vor.u32 v5, v26;
	v33 =	vadd.s32 v2, v30;
	v53 =	vld.idx.msk [tilespmem:v27+s2+$0x0], $0xffff  }
0x173: {  	v41 =	vand.u32 $0xFFFFFC00, v55;
	v27 =	vld.idx.msk [tilespmem:v27+s15+$0x0], $0xffff;
	[tilespmem:v31+s19+$0x0] =	vst.idx.msk $0xffff, v29;
	v31 =	vor.u32 v6, v26;
	v29 =	vand.u32 $0x7F, v32  }
0x174: {  	v56 =	vadd.s32 v7, v40;
	[tilespmem:v50+s19+$0x0] =	vst.idx.msk $0xffff, v49;
	v29 =	vor.u32 v29, v41  }
0x175: {  	v35 =	vld.idx.msk [tilespmem:v51+s18+$0x0], $0xffff;
	v57 =	vadd.s32 v2, v29;
	_ =	sdelay $0x1  }
0x176: {  	v33 =	vld.idx.msk [tilespmem:v33+s18+$0x0], $0xffff;
	[tilespmem:v54+s19+$0x0] =	vst.idx.msk $0xffff, v53  }
0x177: {  	[tilespmem:v31+s19+$0x0] =	vst.idx.msk $0xffff, v27  }
0x178: {  	v31 =	vld.idx.msk [tilespmem:v56+s18+$0x0], $0xffff  }
0x179: {  	v58 =	vld.idx.msk [tilespmem:v57+s18+$0x0], $0xffff;
	_ =	sdelay $0x2  }
0x17a: {  	v60 =	vor.u32 v8, v25;
	v59 =	vld.idx.msk [tilespmem:v35+s2+$0x0], $0xffff  }
0x17b: {  	v61 =	vor.u32 v9, v25;
	v27 =	vshll.u32 v28, $0x8;
	v35 =	vld.idx.msk [tilespmem:v35+s15+$0x0], $0xffff  }
0x17c: {  	v49 =	vadd.s32 v10, v39;
	v63 =	vor.u32 v0, v27;
	v62 =	vld.idx.msk [tilespmem:v33+s2+$0x0], $0xffff  }
0x17d: {  	v48 =	vor.u32 v3, v27;
	v33 =	vld.idx.msk [tilespmem:v33+s15+$0x0], $0xffff  }
0x17e: {  	v52 =	vadd.s32 v4, v30;
	v28 =	vshll.u32 v32, $0x8;
	v50 =	vld.idx.msk [tilespmem:v31+s2+$0x0], $0xffff  }
0x17f: {  	v55 =	vor.u32 v0, v28;
	[tilespmem:v60+s19+$0x0] =	vst.idx.msk $0xffff, v59;
	v54 =	vld.idx.msk [tilespmem:v58+s2+$0x0], $0xffff  }
0x180: {  	v57 =	vor.u32 v3, v28;
	v34 =	vld.idx.msk [tilespmem:v58+s15+$0x0], $0xffff;
	[tilespmem:v61+s19+$0x0] =	vst.idx.msk $0xffff, v35  }
0x181: {  	v51 =	vor.u32 v8, v26;
	[tilespmem:v63+s19+$0x0] =	vst.idx.msk $0xffff, v62;
	v59 =	vadd.s32 v4, v29;
	v58 =	vld.idx.msk [tilespmem:v49+s18+$0x0], $0xffff  }
0x182: {  	v53 =	vor.u32 v9, v26;
	v31 =	vld.idx.msk [tilespmem:v31+s15+$0x0], $0xffff;
	[tilespmem:v48+s19+$0x0] =	vst.idx.msk $0xffff, v33  }
0x183: {  	v56 =	vadd.s32 v10, v40;
	v36 =	vld.idx.msk [tilespmem:v52+s18+$0x0], $0xffff  }
0x184: {  	s28 =	simm.s32 $0x4;
	[tilespmem:v55+s19+$0x0] =	vst.idx.msk $0xffff, v54  }
0x185: {  	v60 =	vadd.s32 s28, v0;
	[tilespmem:v57+s19+$0x0] =	vst.idx.msk $0xffff, v34  }
0x186: {  	vm12 =	vgt.u32 v60, $0xC7;
	v61 =	vadd.s32 s28, v1;
	[tilespmem:v51+s19+$0x0] =	vst.idx.msk $0xffff, v50;
	v34 =	vld.idx.msk [tilespmem:v59+s18+$0x0], $0xffff  }
0x187: {  	v35 =	vsel vm12, v61, v60;
	[tilespmem:v53+s19+$0x0] =	vst.idx.msk $0xffff, v31  }
0x188: {  	v32 =	vshll.u32 v35, $0x3;
	v31 =	vld.idx.msk [tilespmem:v56+s18+$0x0], $0xffff  }
0x189: {  	v32 =	vand.u32 $0xFFFFFC00, v32;
	v53 =	vand.u32 $0x7F, v35;
	v63 =	vld.idx.msk [tilespmem:v58+s2+$0x0], $0xffff  }
0x18a: {  	v62 =	vor.u32 v11, v25;
	v32 =	vor.u32 v53, v32;
	v33 =	vld.idx.msk [tilespmem:v58+s15+$0x0], $0xffff  }
0x18b: {  	s29 =	simm.s32 $0x5;
	v44 =	vor.u32 v5, v27;
	v55 =	vld.idx.msk [tilespmem:v36+s2+$0x0], $0xffff;
	v58 =	vadd.s32 v2, v32  }
0x18c: {  	v37 =	vadd.s32 v13, v39;
	v54 =	vadd.s32 s29, v0  }
0x18d: {  	vm13 =	vgt.u32 v54, $0xC7;
	v57 =	vadd.s32 s29, v1;
	v59 =	vor.u32 v6, v27;
	v36 =	vld.idx.msk [tilespmem:v36+s15+$0x0], $0xffff  }
0x18e: {  	v52 =	vor.u32 v12, v25;
	v60 =	vadd.s32 v7, v30;
	v45 =	vsel vm13, v57, v54;
	v41 =	vld.idx.msk [tilespmem:v34+s2+$0x0], $0xffff  }
0x18f: {  	v61 =	vor.u32 v5, v28;
	v56 =	vshll.u32 v45, $0x3;
	[tilespmem:v62+s19+$0x0] =	vst.idx.msk $0xffff, v63;
	v57 =	vld.idx.msk [tilespmem:v34+s15+$0x0], $0xffff  }
0x190: {  	v50 =	vand.u32 $0xFFFFFC00, v56;
	v62 =	vor.u32 v6, v28;
	v63 =	vand.u32 $0x7F, v45;
	[tilespmem:v44+s19+$0x0] =	vst.idx.msk $0xffff, v55;
	v55 =	vld.idx.msk [tilespmem:v58+s18+$0x0], $0xffff  }
0x191: {  	v54 =	vadd.s32 v7, v29;
	v48 =	vld.idx.msk [tilespmem:v31+s2+$0x0], $0xffff;
	v34 =	vor.u32 v63, v50  }
0x192: {  	v31 =	vld.idx.msk [tilespmem:v31+s15+$0x0], $0xffff;
	[tilespmem:v59+s19+$0x0] =	vst.idx.msk $0xffff, v36;
	v59 =	vor.u32 v11, v26;
	v58 =	vadd.s32 v2, v34  }
0x193: {  	[tilespmem:v52+s19+$0x0] =	vst.idx.msk $0xffff, v33;
	v38 =	vld.idx.msk [tilespmem:v60+s18+$0x0], $0xffff;
	v60 =	vor.u32 v12, v26  }
0x194: {  	[tilespmem:v61+s19+$0x0] =	vst.idx.msk $0xffff, v41  }
0x195: {  	v37 =	vld.idx.msk [tilespmem:v37+s18+$0x0], $0xffff;
	v61 =	vadd.s32 v13, v40;
	[tilespmem:v62+s19+$0x0] =	vst.idx.msk $0xffff, v57  }
0x196: {  	v33 =	vld.idx.msk [tilespmem:v54+s18+$0x0], $0xffff  }
0x197: {  	[tilespmem:v59+s19+$0x0] =	vst.idx.msk $0xffff, v48;
	v36 =	vld.idx.msk [tilespmem:v58+s18+$0x0], $0xffff  }
0x198: {  	[tilespmem:v60+s19+$0x0] =	vst.idx.msk $0xffff, v31;
	v31 =	vshll.u32 v35, $0x8;
	v44 =	vld.idx.msk [tilespmem:v55+s2+$0x0], $0xffff  }
0x199: {  	v58 =	vor.u32 v0, v31;
	v43 =	vld.idx.msk [tilespmem:v55+s15+$0x0], $0xffff  }
0x19a: {  	v60 =	vor.u32 v3, v31;
	v41 =	vld.idx.msk [tilespmem:v61+s18+$0x0], $0xffff  }
0x19b: {  	v62 =	vor.u32 v8, v27;
	v46 =	vld.idx.msk [tilespmem:v38+s2+$0x0], $0xffff;
	v61 =	vadd.s32 v4, v32  }
0x19c: {  	v56 =	vor.u32 v9, v27;
	v63 =	vld.idx.msk [tilespmem:v38+s15+$0x0], $0xffff  }
0x19d: {  	v59 =	vadd.s32 v10, v30;
	v42 =	vld.idx.msk [tilespmem:v37+s2+$0x0], $0xffff  }
0x19e: {  	v37 =	vld.idx.msk [tilespmem:v37+s15+$0x0], $0xffff;
	[tilespmem:v58+s19+$0x0] =	vst.idx.msk $0xffff, v44  }
0x19f: {  	v55 =	vor.u32 v14, v25;
	[tilespmem:v60+s19+$0x0] =	vst.idx.msk $0xffff, v43;
	v57 =	vld.idx.msk [tilespmem:v33+s2+$0x0], $0xffff  }
0x1a0: {  	[tilespmem:v62+s19+$0x0] =	vst.idx.msk $0xffff, v46;
	v62 =	vor.u32 v8, v28;
	v50 =	vld.idx.msk [tilespmem:v61+s18+$0x0], $0xffff  }
0x1a1: {  	v54 =	vor.u32 v9, v28;
	[tilespmem:v56+s19+$0x0] =	vst.idx.msk $0xffff, v63;
	v63 =	vld.idx.msk [tilespmem:v33+s15+$0x0], $0xffff  }
0x1a2: {  	v58 =	vadd.s32 v10, v29;
	v49 =	vld.idx.msk [tilespmem:v59+s18+$0x0], $0xffff;
	v59 =	vor.u32 v15, v25  }
0x1a3: {  	v60 =	vadd.s32 v16, v39;
	v52 =	vld.idx.msk [tilespmem:v36+s2+$0x0], $0xffff;
	v33 =	vshll.u32 v45, $0x8  }
0x1a4: {  	v36 =	vld.idx.msk [tilespmem:v36+s15+$0x0], $0xffff;
	[tilespmem:v55+s19+$0x0] =	vst.idx.msk $0xffff, v42;
	v45 =	vor.u32 v0, v33  }
0x1a5: {  	v61 =	vld.idx.msk [tilespmem:v41+s2+$0x0], $0xffff;
	[tilespmem:v62+s19+$0x0] =	vst.idx.msk $0xffff, v57;
	v62 =	vor.u32 v14, v26  }
0x1a6: {  	v56 =	vld.idx.msk [tilespmem:v41+s15+$0x0], $0xffff;
	v57 =	vor.u32 v15, v26;
	[tilespmem:v54+s19+$0x0] =	vst.idx.msk $0xffff, v63  }
0x1a7: {  	v63 =	vor.u32 v3, v33;
	v42 =	vld.idx.msk [tilespmem:v58+s18+$0x0], $0xffff;
	[tilespmem:v59+s19+$0x0] =	vst.idx.msk $0xffff, v37  }
0x1a8: {  	s30 =	simm.s32 $0x6;
	v55 =	vadd.s32 v4, v34;
	v43 =	vld.idx.msk [tilespmem:v60+s18+$0x0], $0xffff  }
0x1a9: {  	v54 =	vadd.s32 v16, v40;
	[tilespmem:v45+s19+$0x0] =	vst.idx.msk $0xffff, v52;
	v58 =	vadd.s32 s30, v0;
	v44 =	vld.idx.msk [tilespmem:v50+s2+$0x0], $0xffff  }
0x1aa: {  	v59 =	vadd.s32 s30, v1;
	vm14 =	vgt.u32 v58, $0xC7;
	v46 =	vld.idx.msk [tilespmem:v50+s15+$0x0], $0xffff;
	[tilespmem:v62+s19+$0x0] =	vst.idx.msk $0xffff, v61  }
0x1ab: {  	v45 =	vsel vm14, v59, v58;
	v60 =	vld.idx.msk [tilespmem:v49+s2+$0x0], $0xffff;
	[tilespmem:v57+s19+$0x0] =	vst.idx.msk $0xffff, v56  }
0x1ac: {  	v61 =	vor.u32 v11, v27;
	v62 =	vld.idx.msk [tilespmem:v49+s15+$0x0], $0xffff;
	[tilespmem:v63+s19+$0x0] =	vst.idx.msk $0xffff, v36;
	v56 =	vshll.u32 v45, $0x3  }
0x1ad: {  	v58 =	vand.u32 $0x7F, v45;
	v63 =	vor.u32 v12, v27;
	v36 =	vand.u32 $0xFFFFFC00, v56;
	v37 =	vld.idx.msk [tilespmem:v55+s18+$0x0], $0xffff  }
0x1ae: {  	v57 =	vadd.s32 v13, v30;
	v41 =	vld.idx.msk [tilespmem:v54+s18+$0x0], $0xffff;
	v36 =	vor.u32 v58, v36  }
0x1af: {  	v52 =	vor.u32 v5, v31;
	v59 =	vadd.s32 v2, v36;
	v49 =	vld.idx.msk [tilespmem:v42+s2+$0x0], $0xffff  }
0x1b0: {  	v42 =	vld.idx.msk [tilespmem:v42+s15+$0x0], $0xffff  }
0x1b1: {  	s31 =	simm.s32 $0x7;
	v51 =	vor.u32 v17, v25;
	v35 =	vor.u32 v6, v31;
	[tilespmem:v61+s19+$0x0] =	vst.idx.msk $0xffff, v60;
	v47 =	vld.idx.msk [tilespmem:v43+s2+$0x0], $0xffff  }
0x1b2: {  	v60 =	vadd.s32 s31, v0;
	[tilespmem:v63+s19+$0x0] =	vst.idx.msk $0xffff, v62;
	v62 =	vadd.s32 v7, v32;
	v43 =	vld.idx.msk [tilespmem:v43+s15+$0x0], $0xffff  }
0x1b3: {  	v61 =	vadd.s32 s31, v1;
	vm15 =	vgt.u32 v60, $0xC7;
	v63 =	vor.u32 v18, v25;
	v53 =	vld.idx.msk [tilespmem:v57+s18+$0x0], $0xffff  }
0x1b4: {  	[tilespmem:v52+s19+$0x0] =	vst.idx.msk $0xffff, v44;
	v50 =	vsel vm15, v61, v60;
	v60 =	vor.u32 v11, v28;
	v48 =	vld.idx.msk [tilespmem:v59+s18+$0x0], $0xffff  }
0x1b5: {  	v52 =	vadd.s32 v19, v39;
	v58 =	vor.u32 v12, v28;
	v38 =	vshll.u32 v50, $0x3;
	v44 =	vld.idx.msk [tilespmem:v37+s2+$0x0], $0xffff  }
0x1b6: {  	[tilespmem:v35+s19+$0x0] =	vst.idx.msk $0xffff, v46;
	v57 =	vor.u32 v5, v33;
	v61 =	vand.u32 $0x7F, v50;
	v38 =	vand.u32 $0xFFFFFC00, v38;
	v35 =	vld.idx.msk [tilespmem:v37+s15+$0x0], $0xffff  }
0x1b7: {  	v37 =	vor.u32 v6, v33;
	[tilespmem:v51+s19+$0x0] =	vst.idx.msk $0xffff, v47;
	v54 =	vld.idx.msk [tilespmem:v62+s18+$0x0], $0xffff;
	v62 =	vadd.s32 v13, v29  }
0x1b8: {  	v59 =	vadd.s32 v7, v34;
	v38 =	vor.u32 v61, v38;
	[tilespmem:v63+s19+$0x0] =	vst.idx.msk $0xffff, v43;
	v63 =	vld.idx.msk [tilespmem:v41+s2+$0x0], $0xffff  }
0x1b9: {  	[tilespmem:v60+s19+$0x0] =	vst.idx.msk $0xffff, v49;
	v60 =	vadd.s32 v2, v38;
	v41 =	vld.idx.msk [tilespmem:v41+s15+$0x0], $0xffff  }
0x1ba: {  	v52 =	vld.idx.msk [tilespmem:v52+s18+$0x0], $0xffff;
	[tilespmem:v58+s19+$0x0] =	vst.idx.msk $0xffff, v42  }
0x1bb: {  	[tilespmem:v57+s19+$0x0] =	vst.idx.msk $0xffff, v44;
	v44 =	vld.idx.msk [tilespmem:v53+s2+$0x0], $0xffff  }
0x1bc: {  	[tilespmem:v37+s19+$0x0] =	vst.idx.msk $0xffff, v35;
	v42 =	vld.idx.msk [tilespmem:v62+s18+$0x0], $0xffff  }
0x1bd: {  	v37 =	vld.idx.msk [tilespmem:v59+s18+$0x0], $0xffff  }
0x1be: {  	v61 =	vor.u32 v17, v26;
	v35 =	vshll.u32 v45, $0x8;
	v46 =	vld.idx.msk [tilespmem:v60+s18+$0x0], $0xffff  }
0x1bf: {  	v43 =	vld.idx.msk [tilespmem:v48+s2+$0x0], $0xffff;
	v60 =	vor.u32 v0, v35  }
0x1c0: {  	v55 =	vor.u32 v8, v31;
	v49 =	vld.idx.msk [tilespmem:v54+s2+$0x0], $0xffff  }
0x1c1: {  	v56 =	vor.u32 v9, v31;
	v54 =	vld.idx.msk [tilespmem:v54+s15+$0x0], $0xffff  }
0x1c2: {  	v58 =	vor.u32 v20, v25;
	v57 =	vld.idx.msk [tilespmem:v52+s2+$0x0], $0xffff  }
0x1c3: {  	[tilespmem:v61+s19+$0x0] =	vst.idx.msk $0xffff, v63;
	v45 =	vld.idx.msk [tilespmem:v52+s15+$0x0], $0xffff;
	v52 =	vor.u32 v18, v26  }
0x1c4: {  	v59 =	vadd.s32 v19, v40;
	v48 =	vld.idx.msk [tilespmem:v48+s15+$0x0], $0xffff;
	[tilespmem:v60+s19+$0x0] =	vst.idx.msk $0xffff, v43  }
0x1c5: {  	v47 =	vor.u32 v21, v25;
	[tilespmem:v55+s19+$0x0] =	vst.idx.msk $0xffff, v49;
	v51 =	vld.idx.msk [tilespmem:v37+s2+$0x0], $0xffff  }
0x1c6: {  	v62 =	vor.u32 v14, v27;
	v55 =	vld.idx.msk [tilespmem:v46+s2+$0x0], $0xffff;
	[tilespmem:v56+s19+$0x0] =	vst.idx.msk $0xffff, v54  }
0x1c7: {  	v49 =	vor.u32 v3, v35;
	v54 =	vadd.s32 v10, v32;
	v61 =	vld.idx.msk [tilespmem:v46+s15+$0x0], $0xffff;
	[tilespmem:v58+s19+$0x0] =	vst.idx.msk $0xffff, v57  }
0x1c8: {  	v39 =	vadd.s32 v22, v39;
	v57 =	vld.idx.msk [tilespmem:v37+s15+$0x0], $0xffff;
	v58 =	vor.u32 v8, v33;
	[tilespmem:v52+s19+$0x0] =	vst.idx.msk $0xffff, v41  }
0x1c9: {  	v56 =	vadd.s32 v4, v36;
	v37 =	vshll.u32 v50, $0x8;
	v41 =	vor.u32 v9, v33;
	v46 =	vld.idx.msk [tilespmem:v59+s18+$0x0], $0xffff  }
0x1ca: {  	[tilespmem:v47+s19+$0x0] =	vst.idx.msk $0xffff, v45;
	v45 =	vor.u32 v0, v37;
	v59 =	vld.idx.msk [tilespmem:v53+s15+$0x0], $0xffff  }
0x1cb: {  	v60 =	vor.u32 v15, v27;
	v50 =	vadd.s32 v10, v34;
	[tilespmem:v62+s19+$0x0] =	vst.idx.msk $0xffff, v44;
	v53 =	vld.idx.msk [tilespmem:v42+s2+$0x0], $0xffff  }
0x1cc: {  	v63 =	vor.u32 v3, v37;
	v62 =	vadd.s32 v16, v30;
	[tilespmem:v49+s19+$0x0] =	vst.idx.msk $0xffff, v48;
	v49 =	vld.idx.msk [tilespmem:v54+s18+$0x0], $0xffff  }
0x1cd: {  	v43 =	vadd.s32 v22, v40;
	v39 =	vld.idx.msk [tilespmem:v39+s18+$0x0], $0xffff;
	[tilespmem:v58+s19+$0x0] =	vst.idx.msk $0xffff, v51  }
0x1ce: {  	v52 =	vor.u32 v20, v26;
	v48 =	vor.u32 v21, v26;
	v47 =	vld.idx.msk [tilespmem:v56+s18+$0x0], $0xffff;
	[tilespmem:v41+s19+$0x0] =	vst.idx.msk $0xffff, v57  }
0x1cf: {  	v54 =	vld.idx.msk [tilespmem:v42+s15+$0x0], $0xffff;
	v56 =	vor.u32 v14, v28;
	v51 =	vor.u32 v11, v31;
	[tilespmem:v45+s19+$0x0] =	vst.idx.msk $0xffff, v55  }
0x1d0: {  	v57 =	vor.u32 v15, v28;
	v45 =	vadd.s32 v13, v32;
	[tilespmem:v60+s19+$0x0] =	vst.idx.msk $0xffff, v59;
	v42 =	vld.idx.msk [tilespmem:v50+s18+$0x0], $0xffff  }
0x1d1: {  	s24 =	simm.s32 $0x8;
	v55 =	vadd.s32 v16, v29;
	[tilespmem:v63+s19+$0x0] =	vst.idx.msk $0xffff, v61;
	v50 =	vor.u32 v12, v31;
	v44 =	vld.idx.msk [tilespmem:v62+s18+$0x0], $0xffff  }
.LBB2_4:
0x1d2: {  	v58 =	vadd.s32 s24, v0;
	s25 =	sadd.s32 $0x1, s24;
	v59 =	vor.u32 v5, v35  }
0x1d3: {  	p0 =	slt.u32 s24, $0xC6;
	v60 =	vadd.s32 v4, v38;
	v61 =	vld.idx.msk [tilespmem:v46+s2+$0x0], $0xffff;
	v40 =	vmovc v36;
	v41 =	vmovc v29;
	v29 =	vmov v34;
	v34 =	vmov v38;
	s26 =	smov.u32 s24;
	s24 =	sadd.s32 $0x2, s24  }
0x1d4: {  	vm0 =	vgt.u32 v58, $0xC7;
	v36 =	vadd.s32 s26, v1;
	v38 =	vadd.s32 s25, v0;
	v62 =	vld.idx.msk [tilespmem:v49+s2+$0x0], $0xffff;
	[tilespmem:v56+s19+$0x0] =	vst.idx.msk $0xffff, v53  }
0x1d5: {  	v53 =	vadd.s32 s25, v1;
	v36 =	vsel vm0, v36, v58;
	vm0 =	vgt.u32 v38, $0xC7;
	v49 =	vld.idx.msk [tilespmem:v49+s15+$0x0], $0xffff;
	[tilespmem:v57+s19+$0x0] =	vst.idx.msk $0xffff, v54  }
0x1d6: {  	v54 =	vshll.u32 v36, $0x3;
	v56 =	vshll.u32 v36, $0x8;
	v53 =	vsel vm0, v53, v38;
	v46 =	vld.idx.msk [tilespmem:v46+s15+$0x0], $0xffff  }
0x1d7: {  	v36 =	vand.u32 $0x7F, v36;
	v38 =	vand.u32 $0xFFFFFC00, v54;
	v54 =	vshll.u32 v53, $0x3;
	v55 =	vld.idx.msk [tilespmem:v55+s18+$0x0], $0xffff  }
0x1d8: {  	v36 =	vor.u32 v36, v38;
	v38 =	vand.u32 $0x7F, v53;
	v54 =	vand.u32 $0xFFFFFC00, v54;
	v57 =	vld.idx.msk [tilespmem:v47+s2+$0x0], $0xffff  }
0x1d9: {  	v58 =	vadd.s32 v2, v36;
	v38 =	vor.u32 v38, v54;
	v54 =	vld.idx.msk [tilespmem:v42+s2+$0x0], $0xffff;
	[tilespmem:v52+s19+$0x0] =	vst.idx.msk $0xffff, v61  }
0x1da: {  	v53 =	vshll.u32 v53, $0x8;
	v52 =	vadd.s32 v2, v38;
	v60 =	vld.idx.msk [tilespmem:v60+s18+$0x0], $0xffff;
	[tilespmem:v51+s19+$0x0] =	vst.idx.msk $0xffff, v62  }
0x1db: {  	v47 =	vld.idx.msk [tilespmem:v47+s15+$0x0], $0xffff;
	[tilespmem:v50+s19+$0x0] =	vst.idx.msk $0xffff, v49  }
0x1dc: {  	v49 =	vor.u32 v6, v35;
	v50 =	vld.idx.msk [tilespmem:v44+s2+$0x0], $0xffff;
	[tilespmem:v48+s19+$0x0] =	vst.idx.msk $0xffff, v46  }
0x1dd: {  	v46 =	vor.u32 v17, v27;
	v43 =	vld.idx.msk [tilespmem:v43+s18+$0x0], $0xffff  }
0x1de: {  	[tilespmem:v59+s19+$0x0] =	vst.idx.msk $0xffff, v57;
	v45 =	vld.idx.msk [tilespmem:v45+s18+$0x0], $0xffff  }
0x1df: {  	v48 =	vld.idx.msk [tilespmem:v55+s2+$0x0], $0xffff  }
0x1e0: {  	v57 =	vadd.s32 v7, v40;
	v51 =	vld.idx.msk [tilespmem:v58+s18+$0x0], $0xffff  }
0x1e1: {  	[tilespmem:v49+s19+$0x0] =	vst.idx.msk $0xffff, v47;
	v44 =	vld.idx.msk [tilespmem:v44+s15+$0x0], $0xffff  }
0x1e2: {  	v47 =	vld.idx.msk [tilespmem:v60+s15+$0x0], $0xffff;
	[tilespmem:v46+s19+$0x0] =	vst.idx.msk $0xffff, v50;
	v46 =	vor.u32 v18, v27  }
0x1e3: {  	v58 =	vadd.s32 v19, v30;
	v50 =	vor.u32 v11, v33;
	v49 =	vld.idx.msk [tilespmem:v60+s2+$0x0], $0xffff  }
0x1e4: {  	v59 =	vor.u32 v5, v37;
	v42 =	vld.idx.msk [tilespmem:v42+s15+$0x0], $0xffff  }
0x1e5: {  	v60 =	vor.u32 v12, v33;
	v57 =	vld.idx.msk [tilespmem:v57+s18+$0x0], $0xffff  }
0x1e6: {  	v61 =	vor.u32 v6, v37;
	v62 =	vld.idx.msk [tilespmem:v43+s2+$0x0], $0xffff  }
0x1e7: {  	v63 =	vadd.s32 v7, v34;
	[tilespmem:v46+s19+$0x0] =	vst.idx.msk $0xffff, v44;
	v43 =	vld.idx.msk [tilespmem:v43+s15+$0x0], $0xffff;
	v44 =	vor.u32 v23, v26  }
0x1e8: {  	v46 =	vadd.s32 v13, v29;
	[tilespmem:v50+s19+$0x0] =	vst.idx.msk $0xffff, v54;
	v50 =	vld.idx.msk [tilespmem:v58+s18+$0x0], $0xffff;
	v54 =	vor.u32 v24, v26  }
0x1e9: {  	v26 =	vmovc v28;
	v28 =	vmov v33;
	v33 =	vmov v37;
	v37 =	vmov v53;
	[tilespmem:v59+s19+$0x0] =	vst.idx.msk $0xffff, v49;
	v49 =	vld.idx.msk [tilespmem:v39+s2+$0x0], $0xffff  }
0x1ea: {  	[tilespmem:v60+s19+$0x0] =	vst.idx.msk $0xffff, v42;
	v39 =	vld.idx.msk [tilespmem:v39+s15+$0x0], $0xffff;
	v42 =	vor.u32 v23, v25  }
0x1eb: {  	[tilespmem:v61+s19+$0x0] =	vst.idx.msk $0xffff, v47;
	v53 =	vld.idx.msk [tilespmem:v45+s2+$0x0], $0xffff;
	v47 =	vor.u32 v24, v25;
	v25 =	vmov v27;
	v27 =	vmov v31  }
0x1ec: {  	v31 =	vmov v35;
	v35 =	vmov v56;
	v58 =	vld.idx.msk [tilespmem:v63+s18+$0x0], $0xffff;
	[tilespmem:v44+s19+$0x0] =	vst.idx.msk $0xffff, v62  }
0x1ed: {  	v44 =	vld.idx.msk [tilespmem:v46+s18+$0x0], $0xffff;
	[tilespmem:v54+s19+$0x0] =	vst.idx.msk $0xffff, v43  }
0x1ee: {  	v43 =	vld.idx.msk [tilespmem:v51+s2+$0x0], $0xffff  }
0x1ef: {  	v46 =	vld.idx.msk [tilespmem:v52+s18+$0x0], $0xffff;
	v52 =	vor.u32 v17, v26;
	[tilespmem:v42+s19+$0x0] =	vst.idx.msk $0xffff, v49  }
0x1f0: {  	v42 =	vld.idx.msk [tilespmem:v57+s2+$0x0], $0xffff;
	[tilespmem:v47+s19+$0x0] =	vst.idx.msk $0xffff, v39  }
0x1f1: {  	v47 =	vor.u32 v8, v31;
	v39 =	vld.idx.msk [tilespmem:v57+s15+$0x0], $0xffff  }
0x1f2: {  	v49 =	vor.u32 v9, v31;
	v54 =	vld.idx.msk [tilespmem:v50+s2+$0x0], $0xffff  }
0x1f3: {  	v56 =	vor.u32 v20, v25;
	v55 =	vld.idx.msk [tilespmem:v55+s15+$0x0], $0xffff  }
0x1f4: {  	v50 =	vld.idx.msk [tilespmem:v50+s15+$0x0], $0xffff;
	[tilespmem:v52+s19+$0x0] =	vst.idx.msk $0xffff, v48;
	v48 =	vor.u32 v18, v26  }
0x1f5: {  	v59 =	vadd.s32 v19, v41;
	v57 =	vor.u32 v21, v25;
	v52 =	vld.idx.msk [tilespmem:v58+s2+$0x0], $0xffff  }
0x1f6: {  	v60 =	vor.u32 v0, v35;
	v51 =	vld.idx.msk [tilespmem:v51+s15+$0x0], $0xffff;
	[tilespmem:v47+s19+$0x0] =	vst.idx.msk $0xffff, v42  }
0x1f7: {  	v42 =	vor.u32 v3, v35;
	v61 =	vld.idx.msk [tilespmem:v46+s2+$0x0], $0xffff;
	[tilespmem:v49+s19+$0x0] =	vst.idx.msk $0xffff, v39;
	v39 =	vadd.s32 v10, v40  }
0x1f8: {  	v63 =	vor.u32 v14, v27;
	v47 =	vadd.s32 v4, v36;
	v62 =	vld.idx.msk [tilespmem:v46+s15+$0x0], $0xffff;
	[tilespmem:v56+s19+$0x0] =	vst.idx.msk $0xffff, v54  }
0x1f9: {  	v56 =	vor.u32 v8, v33;
	v54 =	vld.idx.msk [tilespmem:v58+s15+$0x0], $0xffff;
	[tilespmem:v48+s19+$0x0] =	vst.idx.msk $0xffff, v55  }
0x1fa: {  	v48 =	vor.u32 v9, v33;
	[tilespmem:v57+s19+$0x0] =	vst.idx.msk $0xffff, v50;
	v46 =	vld.idx.msk [tilespmem:v59+s18+$0x0], $0xffff  }
0x1fb: {  	v55 =	vadd.s32 v10, v34;
	v50 =	vor.u32 v0, v37;
	[tilespmem:v60+s19+$0x0] =	vst.idx.msk $0xffff, v43;
	v58 =	vld.idx.msk [tilespmem:v45+s15+$0x0], $0xffff  }
0x1fc: {  	[tilespmem:v42+s19+$0x0] =	vst.idx.msk $0xffff, v51;
	v49 =	vld.idx.msk [tilespmem:v39+s18+$0x0], $0xffff;
	v39 =	vor.u32 v15, v27;
	v51 =	vadd.s32 v22, v30  }
0x1fd: {  	v59 =	vor.u32 v3, v37;
	v60 =	vadd.s32 v16, v32;
	v47 =	vld.idx.msk [tilespmem:v47+s18+$0x0], $0xffff;
	[tilespmem:v63+s19+$0x0] =	vst.idx.msk $0xffff, v53  }
.Ltmp1:
0x1fe: {  	v43 =	vadd.s32 v22, v41;
	v30 =	vmov v32;
	v32 =	vmov v40;
	[tilespmem:v56+s19+$0x0] =	vst.idx.msk $0xffff, v52;
	v53 =	vld.idx.msk [tilespmem:v44+s2+$0x0], $0xffff;
	(pc) =	sbr.rel @p0 .LBB2_4-.Ltmp1, $4  }
0x1ff: {  	v56 =	vor.u32 v14, v28;
	[tilespmem:v48+s19+$0x0] =	vst.idx.msk $0xffff, v54;
	v54 =	vld.idx.msk [tilespmem:v44+s15+$0x0], $0xffff;
	v48 =	vor.u32 v21, v26  }
0x200: {  	v57 =	vor.u32 v15, v28;
	v52 =	vor.u32 v20, v26;
	[tilespmem:v50+s19+$0x0] =	vst.idx.msk $0xffff, v61;
	v42 =	vld.idx.msk [tilespmem:v55+s18+$0x0], $0xffff  }
0x201: {  	v45 =	vadd.s32 v13, v32;
	v55 =	vadd.s32 v16, v29;
	[tilespmem:v39+s19+$0x0] =	vst.idx.msk $0xffff, v58;
	v39 =	vld.idx.msk [tilespmem:v51+s18+$0x0], $0xffff  }
0x202: {  	v50 =	vor.u32 v12, v31;
	v51 =	vor.u32 v11, v31;
	[tilespmem:v59+s19+$0x0] =	vst.idx.msk $0xffff, v62;
	v44 =	vld.idx.msk [tilespmem:v60+s18+$0x0], $0xffff  }
0x203: {  	v40 =	vadd.s32 v4, v38;
	_ =	sdelay $0x4  }
0x204: {  	v40 =	vld.idx.msk [tilespmem:v40+s18+$0x0], $0xffff;
	_ =	sdelay $0x7  }
0x205: {  	v41 =	vld.idx.msk [tilespmem:v40+s2+$0x0], $0xffff;
	_ =	sdelay $0x4  }
0x206: {  	[tilespmem:$0x1FFC0] =	vst v41  }
0x207: {  	v40 =	vld.idx.msk [tilespmem:v40+s15+$0x0], $0xffff  }
0x208: {  	v58 =	vor.u32 v5, v37;
	v41 =	vld [tilespmem:$0x1FFC0];
	_ =	sdelay $0x3  }
0x209: {  	[tilespmem:$0x1FFD0] =	vst v40  }
0x20a: {  	[tilespmem:v58+s19+$0x0] =	vst.idx.msk $0xffff, v41  }
0x20b: {  	v59 =	vor.u32 v6, v37;
	v41 =	vld [tilespmem:$0x1FFD0]  }
0x20c: {  	v60 =	vor.u32 v5, v35;
	v62 =	vadd.s32 v7, v38;
	v61 =	vld.idx.msk [tilespmem:v47+s2+$0x0], $0xffff  }
0x20d: {  	v63 =	vor.u32 v6, v35;
	v47 =	vld.idx.msk [tilespmem:v47+s15+$0x0], $0xffff  }
0x20e: {  	v40 =	vadd.s32 v7, v36  }
0x20f: {  	[tilespmem:v56+s19+$0x0] =	vst.idx.msk $0xffff, v53  }
0x210: {  	[tilespmem:v59+s19+$0x0] =	vst.idx.msk $0xffff, v41;
	v41 =	vld.idx.msk [tilespmem:v46+s2+$0x0], $0xffff  }
0x211: {  	[tilespmem:v60+s19+$0x0] =	vst.idx.msk $0xffff, v61;
	v58 =	vld.idx.msk [tilespmem:v62+s18+$0x0], $0xffff  }
0x212: {  	v60 =	vld.idx.msk [tilespmem:v46+s15+$0x0], $0xffff;
	[tilespmem:v63+s19+$0x0] =	vst.idx.msk $0xffff, v47  }
0x213: {  	[tilespmem:v57+s19+$0x0] =	vst.idx.msk $0xffff, v54;
	v40 =	vld.idx.msk [tilespmem:v40+s18+$0x0], $0xffff  }
0x214: {  	v53 =	vld.idx.msk [tilespmem:v55+s18+$0x0], $0xffff  }
0x215: {  	v47 =	vld.idx.msk [tilespmem:v49+s2+$0x0], $0xffff  }
0x216: {  	v49 =	vld.idx.msk [tilespmem:v49+s15+$0x0], $0xffff;
	[tilespmem:v52+s19+$0x0] =	vst.idx.msk $0xffff, v41  }
0x217: {  	v41 =	vld.idx.msk [tilespmem:v42+s2+$0x0], $0xffff;
	[tilespmem:v48+s19+$0x0] =	vst.idx.msk $0xffff, v60  }
0x218: {  	v43 =	vld.idx.msk [tilespmem:v43+s18+$0x0], $0xffff  }
0x219: {  	v48 =	vor.u32 v8, v37;
	v46 =	vld.idx.msk [tilespmem:v58+s2+$0x0], $0xffff  }
0x21a: {  	v61 =	vor.u32 v9, v37;
	v52 =	vld.idx.msk [tilespmem:v58+s15+$0x0], $0xffff  }
0x21b: {  	v63 =	vadd.s32 v10, v38;
	v62 =	vor.u32 v8, v35;
	v60 =	vld.idx.msk [tilespmem:v40+s2+$0x0], $0xffff  }
0x21c: {  	[tilespmem:v51+s19+$0x0] =	vst.idx.msk $0xffff, v47;
	v40 =	vld.idx.msk [tilespmem:v40+s15+$0x0], $0xffff;
	v58 =	vor.u32 v9, v35  }
0x21d: {  	v59 =	vadd.s32 v10, v36;
	v42 =	vld.idx.msk [tilespmem:v42+s15+$0x0], $0xffff;
	[tilespmem:v50+s19+$0x0] =	vst.idx.msk $0xffff, v49  }
0x21e: {  	v51 =	vor.u32 v11, v33;
	v56 =	vld.idx.msk [tilespmem:v53+s2+$0x0], $0xffff;
	[tilespmem:v48+s19+$0x0] =	vst.idx.msk $0xffff, v46  }
0x21f: {  	v49 =	vld.idx.msk [tilespmem:v44+s2+$0x0], $0xffff;
	v46 =	vor.u32 v12, v33;
	[tilespmem:v61+s19+$0x0] =	vst.idx.msk $0xffff, v52  }
0x220: {  	v48 =	vor.u32 v17, v27;
	[tilespmem:v62+s19+$0x0] =	vst.idx.msk $0xffff, v60;
	v61 =	vadd.s32 v13, v34;
	v54 =	vld.idx.msk [tilespmem:v63+s18+$0x0], $0xffff  }
0x221: {  	v62 =	vld.idx.msk [tilespmem:v44+s15+$0x0], $0xffff;
	[tilespmem:v58+s19+$0x0] =	vst.idx.msk $0xffff, v40;
	v63 =	vor.u32 v18, v27  }
0x222: {  	v60 =	vadd.s32 v19, v30;
	v50 =	vld.idx.msk [tilespmem:v59+s18+$0x0], $0xffff  }
0x223: {  	v45 =	vld.idx.msk [tilespmem:v45+s18+$0x0], $0xffff;
	[tilespmem:v51+s19+$0x0] =	vst.idx.msk $0xffff, v41  }
0x224: {  	v41 =	vld.idx.msk [tilespmem:v43+s2+$0x0], $0xffff;
	[tilespmem:v46+s19+$0x0] =	vst.idx.msk $0xffff, v42  }
0x225: {  	[tilespmem:v48+s19+$0x0] =	vst.idx.msk $0xffff, v49;
	v42 =	vld.idx.msk [tilespmem:v61+s18+$0x0], $0xffff  }
0x226: {  	v40 =	vld.idx.msk [tilespmem:v43+s15+$0x0], $0xffff;
	[tilespmem:v63+s19+$0x0] =	vst.idx.msk $0xffff, v62  }
0x227: {  	v43 =	vld.idx.msk [tilespmem:v60+s18+$0x0], $0xffff  }
0x228: {  	v61 =	vor.u32 v11, v37;
	v44 =	vld.idx.msk [tilespmem:v54+s2+$0x0], $0xffff  }
0x229: {  	v62 =	vor.u32 v12, v37;
	v47 =	vld.idx.msk [tilespmem:v54+s15+$0x0], $0xffff  }
0x22a: {  	v49 =	vor.u32 v11, v35;
	v63 =	vadd.s32 v13, v38;
	v51 =	vld.idx.msk [tilespmem:v50+s2+$0x0], $0xffff  }
0x22b: {  	v60 =	vor.u32 v12, v35;
	v50 =	vld.idx.msk [tilespmem:v50+s15+$0x0], $0xffff  }
0x22c: {  	v57 =	vadd.s32 v13, v36;
	v55 =	vld.idx.msk [tilespmem:v45+s2+$0x0], $0xffff  }
0x22d: {  	v59 =	vor.u32 v14, v33;
	v58 =	vld.idx.msk [tilespmem:v42+s2+$0x0], $0xffff;
	[tilespmem:v61+s19+$0x0] =	vst.idx.msk $0xffff, v44  }
0x22e: {  	v42 =	vld.idx.msk [tilespmem:v42+s15+$0x0], $0xffff;
	v61 =	vor.u32 v15, v33;
	[tilespmem:v62+s19+$0x0] =	vst.idx.msk $0xffff, v47  }
0x22f: {  	v46 =	vor.u32 v14, v31;
	[tilespmem:v49+s19+$0x0] =	vst.idx.msk $0xffff, v51;
	v62 =	vadd.s32 v16, v34;
	v48 =	vld.idx.msk [tilespmem:v63+s18+$0x0], $0xffff  }
0x230: {  	v45 =	vld.idx.msk [tilespmem:v45+s15+$0x0], $0xffff;
	[tilespmem:v60+s19+$0x0] =	vst.idx.msk $0xffff, v50;
	v63 =	vor.u32 v15, v31  }
0x231: {  	v60 =	vadd.s32 v16, v32;
	v51 =	vld.idx.msk [tilespmem:v57+s18+$0x0], $0xffff  }
0x232: {  	v52 =	vld.idx.msk [tilespmem:v39+s2+$0x0], $0xffff;
	[tilespmem:v59+s19+$0x0] =	vst.idx.msk $0xffff, v58  }
0x233: {  	v39 =	vld.idx.msk [tilespmem:v39+s15+$0x0], $0xffff;
	[tilespmem:v61+s19+$0x0] =	vst.idx.msk $0xffff, v42  }
0x234: {  	[tilespmem:v46+s19+$0x0] =	vst.idx.msk $0xffff, v55;
	v61 =	vor.u32 v17, v28;
	v44 =	vld.idx.msk [tilespmem:v62+s18+$0x0], $0xffff  }
0x235: {  	v46 =	vld.idx.msk [tilespmem:v53+s15+$0x0], $0xffff;
	v62 =	vor.u32 v18, v28;
	[tilespmem:v63+s19+$0x0] =	vst.idx.msk $0xffff, v45  }
0x236: {  	v63 =	vadd.s32 v19, v29;
	v49 =	vld.idx.msk [tilespmem:v60+s18+$0x0], $0xffff  }
0x237: {  	v53 =	vor.u32 v14, v37;
	v50 =	vld.idx.msk [tilespmem:v48+s2+$0x0], $0xffff  }
0x238: {  	v60 =	vor.u32 v15, v37;
	v48 =	vld.idx.msk [tilespmem:v48+s15+$0x0], $0xffff  }
0x239: {  	v55 =	vor.u32 v14, v35;
	[tilespmem:v61+s19+$0x0] =	vst.idx.msk $0xffff, v56;
	v42 =	vld.idx.msk [tilespmem:v51+s2+$0x0], $0xffff;
	v61 =	vadd.s32 v16, v38  }
0x23a: {  	v47 =	vor.u32 v15, v35;
	[tilespmem:v62+s19+$0x0] =	vst.idx.msk $0xffff, v46;
	v46 =	vld.idx.msk [tilespmem:v51+s15+$0x0], $0xffff  }
0x23b: {  	v62 =	vadd.s32 v16, v36;
	v45 =	vld.idx.msk [tilespmem:v63+s18+$0x0], $0xffff  }
0x23c: {  	v63 =	vld.idx.msk [tilespmem:v44+s2+$0x0], $0xffff;
	[tilespmem:v53+s19+$0x0] =	vst.idx.msk $0xffff, v50  }
0x23d: {  	v59 =	vor.u32 v17, v33;
	v44 =	vld.idx.msk [tilespmem:v44+s15+$0x0], $0xffff;
	[tilespmem:v60+s19+$0x0] =	vst.idx.msk $0xffff, v48  }
0x23e: {  	[tilespmem:v55+s19+$0x0] =	vst.idx.msk $0xffff, v42;
	v60 =	vor.u32 v18, v33;
	v42 =	vld.idx.msk [tilespmem:v61+s18+$0x0], $0xffff  }
0x23f: {  	v53 =	vld.idx.msk [tilespmem:v43+s2+$0x0], $0xffff;
	[tilespmem:v47+s19+$0x0] =	vst.idx.msk $0xffff, v46;
	v61 =	vadd.s32 v19, v34  }
0x240: {  	v46 =	vld.idx.msk [tilespmem:v62+s18+$0x0], $0xffff  }
0x241: {  	v43 =	vld.idx.msk [tilespmem:v43+s15+$0x0], $0xffff  }
0x242: {  	v51 =	vld.idx.msk [tilespmem:v49+s2+$0x0], $0xffff;
	v62 =	vor.u32 v20, v27;
	[tilespmem:v59+s19+$0x0] =	vst.idx.msk $0xffff, v63  }
0x243: {  	v49 =	vld.idx.msk [tilespmem:v49+s15+$0x0], $0xffff;
	v63 =	vor.u32 v17, v31;
	[tilespmem:v60+s19+$0x0] =	vst.idx.msk $0xffff, v44  }
0x244: {  	v44 =	vor.u32 v18, v31;
	v48 =	vld.idx.msk [tilespmem:v61+s18+$0x0], $0xffff  }
0x245: {  	v54 =	vor.u32 v21, v27;
	v55 =	vld.idx.msk [tilespmem:v45+s2+$0x0], $0xffff;
	v60 =	vadd.s32 v19, v32  }
0x246: {  	v61 =	vor.u32 v17, v37;
	v57 =	vld.idx.msk [tilespmem:v42+s2+$0x0], $0xffff  }
0x247: {  	[tilespmem:v62+s19+$0x0] =	vst.idx.msk $0xffff, v53;
	v62 =	vor.u32 v18, v37;
	v42 =	vld.idx.msk [tilespmem:v42+s15+$0x0], $0xffff  }
0x248: {  	[tilespmem:v63+s19+$0x0] =	vst.idx.msk $0xffff, v51;
	v51 =	vor.u32 v17, v35;
	v63 =	vadd.s32 v19, v38;
	v50 =	vld.idx.msk [tilespmem:v46+s2+$0x0], $0xffff  }
0x249: {  	[tilespmem:v44+s19+$0x0] =	vst.idx.msk $0xffff, v49;
	v44 =	vld.idx.msk [tilespmem:v46+s15+$0x0], $0xffff;
	v46 =	vor.u32 v18, v35  }
0x24a: {  	[tilespmem:v54+s19+$0x0] =	vst.idx.msk $0xffff, v43;
	v43 =	vor.u32 v20, v28;
	v54 =	vadd.s32 v19, v36;
	v49 =	vld.idx.msk [tilespmem:v60+s18+$0x0], $0xffff  }
0x24b: {  	v30 =	vadd.s32 v22, v30;
	v45 =	vld.idx.msk [tilespmem:v45+s15+$0x0], $0xffff;
	v60 =	vor.u32 v21, v28;
	[tilespmem:v61+s19+$0x0] =	vst.idx.msk $0xffff, v57  }
0x24c: {  	v29 =	vadd.s32 v22, v29;
	v61 =	vld.idx.msk [tilespmem:v48+s2+$0x0], $0xffff;
	[tilespmem:v62+s19+$0x0] =	vst.idx.msk $0xffff, v42  }
0x24d: {  	[tilespmem:v51+s19+$0x0] =	vst.idx.msk $0xffff, v50;
	v62 =	vor.u32 v20, v33;
	v47 =	vld.idx.msk [tilespmem:v63+s18+$0x0], $0xffff  }
0x24e: {  	v48 =	vld.idx.msk [tilespmem:v48+s15+$0x0], $0xffff;
	[tilespmem:v46+s19+$0x0] =	vst.idx.msk $0xffff, v44;
	v63 =	vor.u32 v21, v33  }
0x24f: {  	v53 =	vadd.s32 v22, v34;
	[tilespmem:v43+s19+$0x0] =	vst.idx.msk $0xffff, v55;
	v43 =	vld.idx.msk [tilespmem:v54+s18+$0x0], $0xffff  }
0x250: {  	v30 =	vld.idx.msk [tilespmem:v30+s18+$0x0], $0xffff;
	[tilespmem:v60+s19+$0x0] =	vst.idx.msk $0xffff, v45  }
0x251: {  	v29 =	vld.idx.msk [tilespmem:v29+s18+$0x0], $0xffff  }
0x252: {  	v55 =	vor.u32 v23, v26;
	v56 =	vld.idx.msk [tilespmem:v49+s2+$0x0], $0xffff;
	[tilespmem:v62+s19+$0x0] =	vst.idx.msk $0xffff, v61  }
0x253: {  	v58 =	vor.u32 v20, v31;
	v59 =	vld.idx.msk [tilespmem:v49+s15+$0x0], $0xffff;
	[tilespmem:v63+s19+$0x0] =	vst.idx.msk $0xffff, v48  }
0x254: {  	v60 =	vor.u32 v21, v31;
	v34 =	vld.idx.msk [tilespmem:v53+s18+$0x0], $0xffff  }
0x255: {  	v32 =	vadd.s32 v22, v32;
	v61 =	vor.u32 v20, v37;
	v62 =	vld.idx.msk [tilespmem:v47+s2+$0x0], $0xffff  }
0x256: {  	v63 =	vor.u32 v21, v37;
	v47 =	vld.idx.msk [tilespmem:v47+s15+$0x0], $0xffff  }
0x257: {  	v54 =	vor.u32 v20, v35;
	[tilespmem:v55+s19+$0x0] =	vst.idx.msk $0xffff, v41;
	v55 =	vadd.s32 v22, v38;
	v53 =	vld.idx.msk [tilespmem:v43+s2+$0x0], $0xffff  }
0x258: {  	v57 =	vor.u32 v21, v35;
	[tilespmem:v58+s19+$0x0] =	vst.idx.msk $0xffff, v56;
	v56 =	vld.idx.msk [tilespmem:v43+s15+$0x0], $0xffff  }
0x259: {  	v26 =	vor.u32 v24, v26;
	v58 =	vld.idx.msk [tilespmem:v29+s2+$0x0], $0xffff;
	[tilespmem:v60+s19+$0x0] =	vst.idx.msk $0xffff, v59;
	v59 =	vadd.s32 v22, v36  }
0x25a: {  	v60 =	vor.u32 v23, v25;
	v32 =	vld.idx.msk [tilespmem:v32+s18+$0x0], $0xffff;
	[tilespmem:v61+s19+$0x0] =	vst.idx.msk $0xffff, v62  }
0x25b: {  	v25 =	vor.u32 v24, v25;
	v29 =	vld.idx.msk [tilespmem:v29+s15+$0x0], $0xffff;
	[tilespmem:v63+s19+$0x0] =	vst.idx.msk $0xffff, v47  }
0x25c: {  	v61 =	vor.u32 v23, v28;
	[tilespmem:v54+s19+$0x0] =	vst.idx.msk $0xffff, v53;
	v38 =	vld.idx.msk [tilespmem:v55+s18+$0x0], $0xffff  }
0x25d: {  	v28 =	vor.u32 v24, v28;
	v62 =	vld.idx.msk [tilespmem:v30+s2+$0x0], $0xffff;
	[tilespmem:v57+s19+$0x0] =	vst.idx.msk $0xffff, v56  }
0x25e: {  	[tilespmem:v26+s19+$0x0] =	vst.idx.msk $0xffff, v40;
	v26 =	vor.u32 v23, v27;
	v36 =	vld.idx.msk [tilespmem:v59+s18+$0x0], $0xffff  }
0x25f: {  	v27 =	vor.u32 v24, v27;
	v30 =	vld.idx.msk [tilespmem:v30+s15+$0x0], $0xffff;
	[tilespmem:v60+s19+$0x0] =	vst.idx.msk $0xffff, v52  }
0x260: {  	v63 =	vor.u32 v23, v33;
	[tilespmem:v25+s19+$0x0] =	vst.idx.msk $0xffff, v39;
	v25 =	vld.idx.msk [tilespmem:v34+s2+$0x0], $0xffff  }
0x261: {  	v40 =	vor.u32 v24, v33;
	v34 =	vld.idx.msk [tilespmem:v34+s15+$0x0], $0xffff;
	[tilespmem:v61+s19+$0x0] =	vst.idx.msk $0xffff, v58  }
0x262: {  	[tilespmem:v28+s19+$0x0] =	vst.idx.msk $0xffff, v29;
	v28 =	vld.idx.msk [tilespmem:v32+s2+$0x0], $0xffff;
	v29 =	vor.u32 v23, v31  }
0x263: {  	[tilespmem:v26+s19+$0x0] =	vst.idx.msk $0xffff, v62;
	v26 =	vld.idx.msk [tilespmem:v32+s15+$0x0], $0xffff;
	v31 =	vor.u32 v24, v31  }
0x264: {  	[tilespmem:v27+s19+$0x0] =	vst.idx.msk $0xffff, v30;
	v30 =	vor.u32 v23, v37;
	v27 =	vld.idx.msk [tilespmem:v38+s2+$0x0], $0xffff  }
0x265: {  	v41 =	vor.u32 v24, v37;
	[tilespmem:v63+s19+$0x0] =	vst.idx.msk $0xffff, v25;
	v25 =	vld.idx.msk [tilespmem:v38+s15+$0x0], $0xffff  }
0x266: {  	v43 =	vor.u32 v23, v35;
	[tilespmem:v40+s19+$0x0] =	vst.idx.msk $0xffff, v34;
	v42 =	vld.idx.msk [tilespmem:v36+s2+$0x0], $0xffff  }
0x267: {  	[tilespmem:v29+s19+$0x0] =	vst.idx.msk $0xffff, v28;
	v28 =	vld.idx.msk [tilespmem:v36+s15+$0x0], $0xffff;
	v29 =	vor.u32 v24, v35  }
0x268: {  	[tilespmem:v31+s19+$0x0] =	vst.idx.msk $0xffff, v26  }
0x269: {  	s24 =	simm.s32 $0x0;
	[tilespmem:v30+s19+$0x0] =	vst.idx.msk $0xffff, v27  }
0x26a: {  	[tilespmem:v41+s19+$0x0] =	vst.idx.msk $0xffff, v25;
	v25 =	vadd.s32 s24, v0  }
0x26b: {  	v26 =	vadd.s32 s24, v1;
	[tilespmem:v43+s19+$0x0] =	vst.idx.msk $0xffff, v42;
	vm0 =	vgt.u32 v25, $0xC7  }
0x26c: {  	s25 =	simm.s32 $0x1;
	[tilespmem:v29+s19+$0x0] =	vst.idx.msk $0xffff, v28;
	v25 =	vsel vm0, v26, v25  }
0x26d: {  	[hbm4b:s9+s20] =	stream.strided.scatter [tilespmem:s19], [sflag:$0x2], $0xC800, s21, s20, $0x38;
	v26 =	vshll.u32 v25, $0x3;
	[tilespmem:$0x1D000] =	vst v63  }
0x26e: {  	v27 =	vadd.s32 s25, v0;
	_ =	swait.ge [sflag:s17], $0x8000;
	v28 =	vand.u32 $0x7F, v25;
	v26 =	vand.u32 $0xFFFFFC00, v26  }
0x26f: {  	vm9 =	vgt.u32 v27, $0xC7;
	v29 =	vadd.s32 s25, v1;
	[sflag:s17] =	ssyncset.done $0x0;
	v39 =	vor.u32 v28, v26  }
0x270: {  	[sflag:s17] =	ssyncadd.s32 $0xFFFF8000;
	v26 =	vsel vm9, v29, v27;
	v27 =	vadd.s32 v2, v39  }
0x271: {  	[tilespmem:s18], [sflag:$0x1] =	stream.linear.gather [hbm4b:s10+s24], $0x8000, $0x38;
	v28 =	vshll.u32 v26, $0x3;
	[tilespmem:$0x1D000] =	vst v63  }
0x272: {  	_ =	swait.ge [sflag:s22], $0xC800;
	v29 =	vand.u32 $0x7F, v26;
	v28 =	vand.u32 $0xFFFFFC00, v28  }
0x273: {  	[sflag:s22] =	ssyncset.done $0x0;
	v40 =	vor.u32 v29, v28  }
0x274: {  	[sflag:s22] =	ssyncadd.s32 $0xFFFF3800;
	v28 =	vadd.s32 v2, v40  }
0x275: {  	v27 =	vld.idx.msk [tilespmem:v27+s16+$0x0], $0xffff;
	_ =	sdelay $0x3  }
0x276: {  	v28 =	vld.idx.msk [tilespmem:v28+s16+$0x0], $0xffff;
	_ =	sdelay $0x2  }
0x277: {  	v25 =	vshll.u32 v25, $0x8  }
0x278: {  	v30 =	vor.u32 v0, v25;
	v29 =	vld.idx.msk [tilespmem:v27+s2+$0x0], $0xffff  }
0x279: {  	v31 =	vor.u32 v3, v25;
	v27 =	vld.idx.msk [tilespmem:v27+s15+$0x0], $0xffff  }
0x27a: {  	v44 =	vadd.s32 v4, v39  }
0x27b: {  	v26 =	vshll.u32 v26, $0x8  }
0x27c: {  	v46 =	vor.u32 v0, v26;
	v45 =	vld.idx.msk [tilespmem:v28+s2+$0x0], $0xffff  }
0x27d: {  	v28 =	vld.idx.msk [tilespmem:v28+s15+$0x0], $0xffff;
	[tilespmem:v30+s19+$0x0] =	vst.idx.msk $0xffff, v29;
	v29 =	vor.u32 v3, v26  }
0x27e: {  	[tilespmem:v31+s19+$0x0] =	vst.idx.msk $0xffff, v27;
	v27 =	vadd.s32 v4, v40  }
0x27f: {  	v30 =	vld.idx.msk [tilespmem:v44+s16+$0x0], $0xffff;
	_ =	sdelay $0x1  }
0x280: {  	[tilespmem:v46+s19+$0x0] =	vst.idx.msk $0xffff, v45  }
0x281: {  	[tilespmem:v29+s19+$0x0] =	vst.idx.msk $0xffff, v28  }
0x282: {  	v27 =	vld.idx.msk [tilespmem:v27+s16+$0x0], $0xffff  }
0x283: {  	s25 =	simm.s32 $0x2  }
0x284: {  	s26 =	simm.s32 $0x3;
	v28 =	vadd.s32 s25, v0  }
0x285: {  	v47 =	vadd.s32 s26, v0;
	v29 =	vadd.s32 s25, v1;
	vm10 =	vgt.u32 v28, $0xC7  }
0x286: {  	v52 =	vadd.s32 s26, v1;
	v31 =	vor.u32 v5, v25;
	v28 =	vsel vm10, v29, v28;
	v29 =	vld.idx.msk [tilespmem:v30+s2+$0x0], $0xffff  }
0x287: {  	vm11 =	vgt.u32 v47, $0xC7;
	v50 =	vor.u32 v6, v25;
	v48 =	vshll.u32 v28, $0x3;
	v49 =	vld.idx.msk [tilespmem:v30+s15+$0x0], $0xffff  }
0x288: {  	v51 =	vadd.s32 v7, v39;
	v33 =	vand.u32 $0xFFFFFC00, v48;
	v30 =	vand.u32 $0x7F, v28  }
0x289: {  	v32 =	vsel vm11, v52, v47;
	v30 =	vor.u32 v30, v33  }
0x28a: {  	v55 =	vshll.u32 v32, $0x3;
	v54 =	vor.u32 v5, v26;
	v33 =	vadd.s32 v2, v30;
	v53 =	vld.idx.msk [tilespmem:v27+s2+$0x0], $0xffff  }
0x28b: {  	v41 =	vand.u32 $0xFFFFFC00, v55;
	v27 =	vld.idx.msk [tilespmem:v27+s15+$0x0], $0xffff;
	[tilespmem:v31+s19+$0x0] =	vst.idx.msk $0xffff, v29;
	v31 =	vor.u32 v6, v26;
	v29 =	vand.u32 $0x7F, v32  }
0x28c: {  	v56 =	vadd.s32 v7, v40;
	[tilespmem:v50+s19+$0x0] =	vst.idx.msk $0xffff, v49;
	v29 =	vor.u32 v29, v41  }
0x28d: {  	v35 =	vld.idx.msk [tilespmem:v51+s16+$0x0], $0xffff;
	v57 =	vadd.s32 v2, v29;
	_ =	sdelay $0x1  }
0x28e: {  	v33 =	vld.idx.msk [tilespmem:v33+s16+$0x0], $0xffff;
	[tilespmem:v54+s19+$0x0] =	vst.idx.msk $0xffff, v53  }
0x28f: {  	[tilespmem:v31+s19+$0x0] =	vst.idx.msk $0xffff, v27  }
0x290: {  	v31 =	vld.idx.msk [tilespmem:v56+s16+$0x0], $0xffff  }
0x291: {  	v58 =	vld.idx.msk [tilespmem:v57+s16+$0x0], $0xffff;
	_ =	sdelay $0x2  }
0x292: {  	v60 =	vor.u32 v8, v25;
	v59 =	vld.idx.msk [tilespmem:v35+s2+$0x0], $0xffff  }
0x293: {  	v61 =	vor.u32 v9, v25;
	v27 =	vshll.u32 v28, $0x8;
	v35 =	vld.idx.msk [tilespmem:v35+s15+$0x0], $0xffff  }
0x294: {  	v49 =	vadd.s32 v10, v39;
	v63 =	vor.u32 v0, v27;
	v62 =	vld.idx.msk [tilespmem:v33+s2+$0x0], $0xffff  }
0x295: {  	v48 =	vor.u32 v3, v27;
	v33 =	vld.idx.msk [tilespmem:v33+s15+$0x0], $0xffff  }
0x296: {  	v52 =	vadd.s32 v4, v30;
	v28 =	vshll.u32 v32, $0x8;
	v50 =	vld.idx.msk [tilespmem:v31+s2+$0x0], $0xffff  }
0x297: {  	v55 =	vor.u32 v0, v28;
	[tilespmem:v60+s19+$0x0] =	vst.idx.msk $0xffff, v59;
	v54 =	vld.idx.msk [tilespmem:v58+s2+$0x0], $0xffff  }
0x298: {  	v57 =	vor.u32 v3, v28;
	v34 =	vld.idx.msk [tilespmem:v58+s15+$0x0], $0xffff;
	[tilespmem:v61+s19+$0x0] =	vst.idx.msk $0xffff, v35  }
0x299: {  	v51 =	vor.u32 v8, v26;
	[tilespmem:v63+s19+$0x0] =	vst.idx.msk $0xffff, v62;
	v59 =	vadd.s32 v4, v29;
	v58 =	vld.idx.msk [tilespmem:v49+s16+$0x0], $0xffff  }
0x29a: {  	v53 =	vor.u32 v9, v26;
	v31 =	vld.idx.msk [tilespmem:v31+s15+$0x0], $0xffff;
	[tilespmem:v48+s19+$0x0] =	vst.idx.msk $0xffff, v33  }
0x29b: {  	v56 =	vadd.s32 v10, v40;
	v36 =	vld.idx.msk [tilespmem:v52+s16+$0x0], $0xffff  }
0x29c: {  	s28 =	simm.s32 $0x4;
	[tilespmem:v55+s19+$0x0] =	vst.idx.msk $0xffff, v54  }
0x29d: {  	v60 =	vadd.s32 s28, v0;
	[tilespmem:v57+s19+$0x0] =	vst.idx.msk $0xffff, v34  }
0x29e: {  	vm12 =	vgt.u32 v60, $0xC7;
	v61 =	vadd.s32 s28, v1;
	[tilespmem:v51+s19+$0x0] =	vst.idx.msk $0xffff, v50;
	v34 =	vld.idx.msk [tilespmem:v59+s16+$0x0], $0xffff  }
0x29f: {  	v35 =	vsel vm12, v61, v60;
	[tilespmem:v53+s19+$0x0] =	vst.idx.msk $0xffff, v31  }
0x2a0: {  	v32 =	vshll.u32 v35, $0x3;
	v31 =	vld.idx.msk [tilespmem:v56+s16+$0x0], $0xffff  }
0x2a1: {  	v32 =	vand.u32 $0xFFFFFC00, v32;
	v53 =	vand.u32 $0x7F, v35;
	v63 =	vld.idx.msk [tilespmem:v58+s2+$0x0], $0xffff  }
0x2a2: {  	v62 =	vor.u32 v11, v25;
	v32 =	vor.u32 v53, v32;
	v33 =	vld.idx.msk [tilespmem:v58+s15+$0x0], $0xffff  }
0x2a3: {  	s29 =	simm.s32 $0x5;
	v44 =	vor.u32 v5, v27;
	v55 =	vld.idx.msk [tilespmem:v36+s2+$0x0], $0xffff;
	v58 =	vadd.s32 v2, v32  }
0x2a4: {  	v37 =	vadd.s32 v13, v39;
	v54 =	vadd.s32 s29, v0  }
0x2a5: {  	vm13 =	vgt.u32 v54, $0xC7;
	v57 =	vadd.s32 s29, v1;
	v59 =	vor.u32 v6, v27;
	v36 =	vld.idx.msk [tilespmem:v36+s15+$0x0], $0xffff  }
0x2a6: {  	v52 =	vor.u32 v12, v25;
	v60 =	vadd.s32 v7, v30;
	v45 =	vsel vm13, v57, v54;
	v41 =	vld.idx.msk [tilespmem:v34+s2+$0x0], $0xffff  }
0x2a7: {  	v61 =	vor.u32 v5, v28;
	v56 =	vshll.u32 v45, $0x3;
	[tilespmem:v62+s19+$0x0] =	vst.idx.msk $0xffff, v63;
	v57 =	vld.idx.msk [tilespmem:v34+s15+$0x0], $0xffff  }
0x2a8: {  	v50 =	vand.u32 $0xFFFFFC00, v56;
	v62 =	vor.u32 v6, v28;
	v63 =	vand.u32 $0x7F, v45;
	[tilespmem:v44+s19+$0x0] =	vst.idx.msk $0xffff, v55;
	v55 =	vld.idx.msk [tilespmem:v58+s16+$0x0], $0xffff  }
0x2a9: {  	v54 =	vadd.s32 v7, v29;
	v48 =	vld.idx.msk [tilespmem:v31+s2+$0x0], $0xffff;
	v34 =	vor.u32 v63, v50  }
0x2aa: {  	v31 =	vld.idx.msk [tilespmem:v31+s15+$0x0], $0xffff;
	[tilespmem:v59+s19+$0x0] =	vst.idx.msk $0xffff, v36;
	v59 =	vor.u32 v11, v26;
	v58 =	vadd.s32 v2, v34  }
0x2ab: {  	[tilespmem:v52+s19+$0x0] =	vst.idx.msk $0xffff, v33;
	v38 =	vld.idx.msk [tilespmem:v60+s16+$0x0], $0xffff;
	v60 =	vor.u32 v12, v26  }
0x2ac: {  	[tilespmem:v61+s19+$0x0] =	vst.idx.msk $0xffff, v41  }
0x2ad: {  	v37 =	vld.idx.msk [tilespmem:v37+s16+$0x0], $0xffff;
	v61 =	vadd.s32 v13, v40;
	[tilespmem:v62+s19+$0x0] =	vst.idx.msk $0xffff, v57  }
0x2ae: {  	v33 =	vld.idx.msk [tilespmem:v54+s16+$0x0], $0xffff  }
0x2af: {  	[tilespmem:v59+s19+$0x0] =	vst.idx.msk $0xffff, v48;
	v36 =	vld.idx.msk [tilespmem:v58+s16+$0x0], $0xffff  }
0x2b0: {  	[tilespmem:v60+s19+$0x0] =	vst.idx.msk $0xffff, v31;
	v31 =	vshll.u32 v35, $0x8;
	v44 =	vld.idx.msk [tilespmem:v55+s2+$0x0], $0xffff  }
0x2b1: {  	v58 =	vor.u32 v0, v31;
	v43 =	vld.idx.msk [tilespmem:v55+s15+$0x0], $0xffff  }
0x2b2: {  	v60 =	vor.u32 v3, v31;
	v41 =	vld.idx.msk [tilespmem:v61+s16+$0x0], $0xffff  }
0x2b3: {  	v62 =	vor.u32 v8, v27;
	v46 =	vld.idx.msk [tilespmem:v38+s2+$0x0], $0xffff;
	v61 =	vadd.s32 v4, v32  }
0x2b4: {  	v56 =	vor.u32 v9, v27;
	v63 =	vld.idx.msk [tilespmem:v38+s15+$0x0], $0xffff  }
0x2b5: {  	v59 =	vadd.s32 v10, v30;
	v42 =	vld.idx.msk [tilespmem:v37+s2+$0x0], $0xffff  }
0x2b6: {  	v37 =	vld.idx.msk [tilespmem:v37+s15+$0x0], $0xffff;
	[tilespmem:v58+s19+$0x0] =	vst.idx.msk $0xffff, v44  }
0x2b7: {  	v55 =	vor.u32 v14, v25;
	[tilespmem:v60+s19+$0x0] =	vst.idx.msk $0xffff, v43;
	v57 =	vld.idx.msk [tilespmem:v33+s2+$0x0], $0xffff  }
0x2b8: {  	[tilespmem:v62+s19+$0x0] =	vst.idx.msk $0xffff, v46;
	v62 =	vor.u32 v8, v28;
	v50 =	vld.idx.msk [tilespmem:v61+s16+$0x0], $0xffff  }
0x2b9: {  	v54 =	vor.u32 v9, v28;
	[tilespmem:v56+s19+$0x0] =	vst.idx.msk $0xffff, v63;
	v63 =	vld.idx.msk [tilespmem:v33+s15+$0x0], $0xffff  }
0x2ba: {  	v58 =	vadd.s32 v10, v29;
	v49 =	vld.idx.msk [tilespmem:v59+s16+$0x0], $0xffff;
	v59 =	vor.u32 v15, v25  }
0x2bb: {  	v60 =	vadd.s32 v16, v39;
	v52 =	vld.idx.msk [tilespmem:v36+s2+$0x0], $0xffff;
	v33 =	vshll.u32 v45, $0x8  }
0x2bc: {  	v36 =	vld.idx.msk [tilespmem:v36+s15+$0x0], $0xffff;
	[tilespmem:v55+s19+$0x0] =	vst.idx.msk $0xffff, v42;
	v45 =	vor.u32 v0, v33  }
0x2bd: {  	v61 =	vld.idx.msk [tilespmem:v41+s2+$0x0], $0xffff;
	[tilespmem:v62+s19+$0x0] =	vst.idx.msk $0xffff, v57;
	v62 =	vor.u32 v14, v26  }
0x2be: {  	v56 =	vld.idx.msk [tilespmem:v41+s15+$0x0], $0xffff;
	v57 =	vor.u32 v15, v26;
	[tilespmem:v54+s19+$0x0] =	vst.idx.msk $0xffff, v63  }
0x2bf: {  	v63 =	vor.u32 v3, v33;
	v42 =	vld.idx.msk [tilespmem:v58+s16+$0x0], $0xffff;
	[tilespmem:v59+s19+$0x0] =	vst.idx.msk $0xffff, v37  }
0x2c0: {  	s30 =	simm.s32 $0x6;
	v55 =	vadd.s32 v4, v34;
	v43 =	vld.idx.msk [tilespmem:v60+s16+$0x0], $0xffff  }
0x2c1: {  	v54 =	vadd.s32 v16, v40;
	[tilespmem:v45+s19+$0x0] =	vst.idx.msk $0xffff, v52;
	v58 =	vadd.s32 s30, v0;
	v44 =	vld.idx.msk [tilespmem:v50+s2+$0x0], $0xffff  }
0x2c2: {  	v59 =	vadd.s32 s30, v1;
	vm14 =	vgt.u32 v58, $0xC7;
	v46 =	vld.idx.msk [tilespmem:v50+s15+$0x0], $0xffff;
	[tilespmem:v62+s19+$0x0] =	vst.idx.msk $0xffff, v61  }
0x2c3: {  	v45 =	vsel vm14, v59, v58;
	v60 =	vld.idx.msk [tilespmem:v49+s2+$0x0], $0xffff;
	[tilespmem:v57+s19+$0x0] =	vst.idx.msk $0xffff, v56  }
0x2c4: {  	v61 =	vor.u32 v11, v27;
	v62 =	vld.idx.msk [tilespmem:v49+s15+$0x0], $0xffff;
	[tilespmem:v63+s19+$0x0] =	vst.idx.msk $0xffff, v36;
	v56 =	vshll.u32 v45, $0x3  }
0x2c5: {  	v58 =	vand.u32 $0x7F, v45;
	v63 =	vor.u32 v12, v27;
	v36 =	vand.u32 $0xFFFFFC00, v56;
	v37 =	vld.idx.msk [tilespmem:v55+s16+$0x0], $0xffff  }
0x2c6: {  	v57 =	vadd.s32 v13, v30;
	v41 =	vld.idx.msk [tilespmem:v54+s16+$0x0], $0xffff;
	v36 =	vor.u32 v58, v36  }
0x2c7: {  	v52 =	vor.u32 v5, v31;
	v59 =	vadd.s32 v2, v36;
	v49 =	vld.idx.msk [tilespmem:v42+s2+$0x0], $0xffff  }
0x2c8: {  	v42 =	vld.idx.msk [tilespmem:v42+s15+$0x0], $0xffff  }
0x2c9: {  	s31 =	simm.s32 $0x7;
	v51 =	vor.u32 v17, v25;
	v35 =	vor.u32 v6, v31;
	[tilespmem:v61+s19+$0x0] =	vst.idx.msk $0xffff, v60;
	v47 =	vld.idx.msk [tilespmem:v43+s2+$0x0], $0xffff  }
0x2ca: {  	v60 =	vadd.s32 s31, v0;
	[tilespmem:v63+s19+$0x0] =	vst.idx.msk $0xffff, v62;
	v62 =	vadd.s32 v7, v32;
	v43 =	vld.idx.msk [tilespmem:v43+s15+$0x0], $0xffff  }
0x2cb: {  	v61 =	vadd.s32 s31, v1;
	vm15 =	vgt.u32 v60, $0xC7;
	v63 =	vor.u32 v18, v25;
	v53 =	vld.idx.msk [tilespmem:v57+s16+$0x0], $0xffff  }
0x2cc: {  	[tilespmem:v52+s19+$0x0] =	vst.idx.msk $0xffff, v44;
	v50 =	vsel vm15, v61, v60;
	v60 =	vor.u32 v11, v28;
	v48 =	vld.idx.msk [tilespmem:v59+s16+$0x0], $0xffff  }
0x2cd: {  	v52 =	vadd.s32 v19, v39;
	v58 =	vor.u32 v12, v28;
	v38 =	vshll.u32 v50, $0x3;
	v44 =	vld.idx.msk [tilespmem:v37+s2+$0x0], $0xffff  }
0x2ce: {  	[tilespmem:v35+s19+$0x0] =	vst.idx.msk $0xffff, v46;
	v57 =	vor.u32 v5, v33;
	v61 =	vand.u32 $0x7F, v50;
	v38 =	vand.u32 $0xFFFFFC00, v38;
	v35 =	vld.idx.msk [tilespmem:v37+s15+$0x0], $0xffff  }
0x2cf: {  	v37 =	vor.u32 v6, v33;
	[tilespmem:v51+s19+$0x0] =	vst.idx.msk $0xffff, v47;
	v54 =	vld.idx.msk [tilespmem:v62+s16+$0x0], $0xffff;
	v62 =	vadd.s32 v13, v29  }
0x2d0: {  	v59 =	vadd.s32 v7, v34;
	v38 =	vor.u32 v61, v38;
	[tilespmem:v63+s19+$0x0] =	vst.idx.msk $0xffff, v43;
	v63 =	vld.idx.msk [tilespmem:v41+s2+$0x0], $0xffff  }
0x2d1: {  	[tilespmem:v60+s19+$0x0] =	vst.idx.msk $0xffff, v49;
	v60 =	vadd.s32 v2, v38;
	v41 =	vld.idx.msk [tilespmem:v41+s15+$0x0], $0xffff  }
0x2d2: {  	v52 =	vld.idx.msk [tilespmem:v52+s16+$0x0], $0xffff;
	[tilespmem:v58+s19+$0x0] =	vst.idx.msk $0xffff, v42  }
0x2d3: {  	[tilespmem:v57+s19+$0x0] =	vst.idx.msk $0xffff, v44;
	v44 =	vld.idx.msk [tilespmem:v53+s2+$0x0], $0xffff  }
0x2d4: {  	[tilespmem:v37+s19+$0x0] =	vst.idx.msk $0xffff, v35;
	v42 =	vld.idx.msk [tilespmem:v62+s16+$0x0], $0xffff  }
0x2d5: {  	v37 =	vld.idx.msk [tilespmem:v59+s16+$0x0], $0xffff  }
0x2d6: {  	v61 =	vor.u32 v17, v26;
	v35 =	vshll.u32 v45, $0x8;
	v46 =	vld.idx.msk [tilespmem:v60+s16+$0x0], $0xffff  }
0x2d7: {  	v43 =	vld.idx.msk [tilespmem:v48+s2+$0x0], $0xffff;
	v60 =	vor.u32 v0, v35  }
0x2d8: {  	v55 =	vor.u32 v8, v31;
	v49 =	vld.idx.msk [tilespmem:v54+s2+$0x0], $0xffff  }
0x2d9: {  	v56 =	vor.u32 v9, v31;
	v54 =	vld.idx.msk [tilespmem:v54+s15+$0x0], $0xffff  }
0x2da: {  	v58 =	vor.u32 v20, v25;
	v57 =	vld.idx.msk [tilespmem:v52+s2+$0x0], $0xffff  }
0x2db: {  	[tilespmem:v61+s19+$0x0] =	vst.idx.msk $0xffff, v63;
	v45 =	vld.idx.msk [tilespmem:v52+s15+$0x0], $0xffff;
	v52 =	vor.u32 v18, v26  }
0x2dc: {  	v59 =	vadd.s32 v19, v40;
	v48 =	vld.idx.msk [tilespmem:v48+s15+$0x0], $0xffff;
	[tilespmem:v60+s19+$0x0] =	vst.idx.msk $0xffff, v43  }
0x2dd: {  	v47 =	vor.u32 v21, v25;
	[tilespmem:v55+s19+$0x0] =	vst.idx.msk $0xffff, v49;
	v51 =	vld.idx.msk [tilespmem:v37+s2+$0x0], $0xffff  }
0x2de: {  	v62 =	vor.u32 v14, v27;
	v55 =	vld.idx.msk [tilespmem:v46+s2+$0x0], $0xffff;
	[tilespmem:v56+s19+$0x0] =	vst.idx.msk $0xffff, v54  }
0x2df: {  	v49 =	vor.u32 v3, v35;
	v54 =	vadd.s32 v10, v32;
	v61 =	vld.idx.msk [tilespmem:v46+s15+$0x0], $0xffff;
	[tilespmem:v58+s19+$0x0] =	vst.idx.msk $0xffff, v57  }
0x2e0: {  	v39 =	vadd.s32 v22, v39;
	v57 =	vld.idx.msk [tilespmem:v37+s15+$0x0], $0xffff;
	v58 =	vor.u32 v8, v33;
	[tilespmem:v52+s19+$0x0] =	vst.idx.msk $0xffff, v41  }
0x2e1: {  	v56 =	vadd.s32 v4, v36;
	v37 =	vshll.u32 v50, $0x8;
	v41 =	vor.u32 v9, v33;
	v46 =	vld.idx.msk [tilespmem:v59+s16+$0x0], $0xffff  }
0x2e2: {  	[tilespmem:v47+s19+$0x0] =	vst.idx.msk $0xffff, v45;
	v45 =	vor.u32 v0, v37;
	v59 =	vld.idx.msk [tilespmem:v53+s15+$0x0], $0xffff  }
0x2e3: {  	v60 =	vor.u32 v15, v27;
	v50 =	vadd.s32 v10, v34;
	[tilespmem:v62+s19+$0x0] =	vst.idx.msk $0xffff, v44;
	v53 =	vld.idx.msk [tilespmem:v42+s2+$0x0], $0xffff  }
0x2e4: {  	v63 =	vor.u32 v3, v37;
	v62 =	vadd.s32 v16, v30;
	[tilespmem:v49+s19+$0x0] =	vst.idx.msk $0xffff, v48;
	v49 =	vld.idx.msk [tilespmem:v54+s16+$0x0], $0xffff  }
0x2e5: {  	v43 =	vadd.s32 v22, v40;
	v39 =	vld.idx.msk [tilespmem:v39+s16+$0x0], $0xffff;
	[tilespmem:v58+s19+$0x0] =	vst.idx.msk $0xffff, v51  }
0x2e6: {  	v52 =	vor.u32 v20, v26;
	v48 =	vor.u32 v21, v26;
	v47 =	vld.idx.msk [tilespmem:v56+s16+$0x0], $0xffff;
	[tilespmem:v41+s19+$0x0] =	vst.idx.msk $0xffff, v57  }
0x2e7: {  	v54 =	vld.idx.msk [tilespmem:v42+s15+$0x0], $0xffff;
	v56 =	vor.u32 v14, v28;
	v51 =	vor.u32 v11, v31;
	[tilespmem:v45+s19+$0x0] =	vst.idx.msk $0xffff, v55  }
0x2e8: {  	v57 =	vor.u32 v15, v28;
	v45 =	vadd.s32 v13, v32;
	[tilespmem:v60+s19+$0x0] =	vst.idx.msk $0xffff, v59;
	v42 =	vld.idx.msk [tilespmem:v50+s16+$0x0], $0xffff  }
0x2e9: {  	s24 =	simm.s32 $0x8;
	v55 =	vadd.s32 v16, v29;
	[tilespmem:v63+s19+$0x0] =	vst.idx.msk $0xffff, v61;
	v50 =	vor.u32 v12, v31;
	v44 =	vld.idx.msk [tilespmem:v62+s16+$0x0], $0xffff  }
.LBB2_6:
0x2ea: {  	v58 =	vadd.s32 s24, v0;
	s25 =	sadd.s32 $0x1, s24;
	v59 =	vor.u32 v5, v35  }
0x2eb: {  	p0 =	slt.u32 s24, $0xC6;
	v60 =	vadd.s32 v4, v38;
	v61 =	vld.idx.msk [tilespmem:v46+s2+$0x0], $0xffff;
	v40 =	vmovc v36;
	v41 =	vmovc v29;
	v29 =	vmov v34;
	v34 =	vmov v38;
	s26 =	smov.u32 s24;
	s24 =	sadd.s32 $0x2, s24  }
0x2ec: {  	vm0 =	vgt.u32 v58, $0xC7;
	v36 =	vadd.s32 s26, v1;
	v38 =	vadd.s32 s25, v0;
	v62 =	vld.idx.msk [tilespmem:v49+s2+$0x0], $0xffff;
	[tilespmem:v56+s19+$0x0] =	vst.idx.msk $0xffff, v53  }
0x2ed: {  	v53 =	vadd.s32 s25, v1;
	v36 =	vsel vm0, v36, v58;
	vm0 =	vgt.u32 v38, $0xC7;
	v49 =	vld.idx.msk [tilespmem:v49+s15+$0x0], $0xffff;
	[tilespmem:v57+s19+$0x0] =	vst.idx.msk $0xffff, v54  }
0x2ee: {  	v54 =	vshll.u32 v36, $0x3;
	v56 =	vshll.u32 v36, $0x8;
	v53 =	vsel vm0, v53, v38;
	v46 =	vld.idx.msk [tilespmem:v46+s15+$0x0], $0xffff  }
0x2ef: {  	v36 =	vand.u32 $0x7F, v36;
	v38 =	vand.u32 $0xFFFFFC00, v54;
	v54 =	vshll.u32 v53, $0x3;
	v55 =	vld.idx.msk [tilespmem:v55+s16+$0x0], $0xffff  }
0x2f0: {  	v36 =	vor.u32 v36, v38;
	v38 =	vand.u32 $0x7F, v53;
	v54 =	vand.u32 $0xFFFFFC00, v54;
	v57 =	vld.idx.msk [tilespmem:v47+s2+$0x0], $0xffff  }
0x2f1: {  	v58 =	vadd.s32 v2, v36;
	v38 =	vor.u32 v38, v54;
	v54 =	vld.idx.msk [tilespmem:v42+s2+$0x0], $0xffff;
	[tilespmem:v52+s19+$0x0] =	vst.idx.msk $0xffff, v61  }
0x2f2: {  	v53 =	vshll.u32 v53, $0x8;
	v52 =	vadd.s32 v2, v38;
	v60 =	vld.idx.msk [tilespmem:v60+s16+$0x0], $0xffff;
	[tilespmem:v51+s19+$0x0] =	vst.idx.msk $0xffff, v62  }
0x2f3: {  	v47 =	vld.idx.msk [tilespmem:v47+s15+$0x0], $0xffff;
	[tilespmem:v50+s19+$0x0] =	vst.idx.msk $0xffff, v49  }
0x2f4: {  	v49 =	vor.u32 v6, v35;
	v50 =	vld.idx.msk [tilespmem:v44+s2+$0x0], $0xffff;
	[tilespmem:v48+s19+$0x0] =	vst.idx.msk $0xffff, v46  }
0x2f5: {  	v46 =	vor.u32 v17, v27;
	v43 =	vld.idx.msk [tilespmem:v43+s16+$0x0], $0xffff  }
0x2f6: {  	[tilespmem:v59+s19+$0x0] =	vst.idx.msk $0xffff, v57;
	v45 =	vld.idx.msk [tilespmem:v45+s16+$0x0], $0xffff  }
0x2f7: {  	v48 =	vld.idx.msk [tilespmem:v55+s2+$0x0], $0xffff  }
0x2f8: {  	v57 =	vadd.s32 v7, v40;
	v51 =	vld.idx.msk [tilespmem:v58+s16+$0x0], $0xffff  }
0x2f9: {  	[tilespmem:v49+s19+$0x0] =	vst.idx.msk $0xffff, v47;
	v44 =	vld.idx.msk [tilespmem:v44+s15+$0x0], $0xffff  }
0x2fa: {  	v47 =	vld.idx.msk [tilespmem:v60+s15+$0x0], $0xffff;
	[tilespmem:v46+s19+$0x0] =	vst.idx.msk $0xffff, v50;
	v46 =	vor.u32 v18, v27  }
0x2fb: {  	v58 =	vadd.s32 v19, v30;
	v50 =	vor.u32 v11, v33;
	v49 =	vld.idx.msk [tilespmem:v60+s2+$0x0], $0xffff  }
0x2fc: {  	v59 =	vor.u32 v5, v37;
	v42 =	vld.idx.msk [tilespmem:v42+s15+$0x0], $0xffff  }
0x2fd: {  	v60 =	vor.u32 v12, v33;
	v57 =	vld.idx.msk [tilespmem:v57+s16+$0x0], $0xffff  }
0x2fe: {  	v61 =	vor.u32 v6, v37;
	v62 =	vld.idx.msk [tilespmem:v43+s2+$0x0], $0xffff  }
0x2ff: {  	v63 =	vadd.s32 v7, v34;
	[tilespmem:v46+s19+$0x0] =	vst.idx.msk $0xffff, v44;
	v43 =	vld.idx.msk [tilespmem:v43+s15+$0x0], $0xffff;
	v44 =	vor.u32 v23, v26  }
0x300: {  	v46 =	vadd.s32 v13, v29;
	[tilespmem:v50+s19+$0x0] =	vst.idx.msk $0xffff, v54;
	v50 =	vld.idx.msk [tilespmem:v58+s16+$0x0], $0xffff;
	v54 =	vor.u32 v24, v26  }
0x301: {  	v26 =	vmovc v28;
	v28 =	vmov v33;
	v33 =	vmov v37;
	v37 =	vmov v53;
	[tilespmem:v59+s19+$0x0] =	vst.idx.msk $0xffff, v49;
	v49 =	vld.idx.msk [tilespmem:v39+s2+$0x0], $0xffff  }
0x302: {  	[tilespmem:v60+s19+$0x0] =	vst.idx.msk $0xffff, v42;
	v39 =	vld.idx.msk [tilespmem:v39+s15+$0x0], $0xffff;
	v42 =	vor.u32 v23, v25  }
0x303: {  	[tilespmem:v61+s19+$0x0] =	vst.idx.msk $0xffff, v47;
	v53 =	vld.idx.msk [tilespmem:v45+s2+$0x0], $0xffff;
	v47 =	vor.u32 v24, v25;
	v25 =	vmov v27;
	v27 =	vmov v31  }
0x304: {  	v31 =	vmov v35;
	v35 =	vmov v56;
	v58 =	vld.idx.msk [tilespmem:v63+s16+$0x0], $0xffff;
	[tilespmem:v44+s19+$0x0] =	vst.idx.msk $0xffff, v62  }
0x305: {  	v44 =	vld.idx.msk [tilespmem:v46+s16+$0x0], $0xffff;
	[tilespmem:v54+s19+$0x0] =	vst.idx.msk $0xffff, v43  }
0x306: {  	v43 =	vld.idx.msk [tilespmem:v51+s2+$0x0], $0xffff  }
0x307: {  	v46 =	vld.idx.msk [tilespmem:v52+s16+$0x0], $0xffff;
	v52 =	vor.u32 v17, v26;
	[tilespmem:v42+s19+$0x0] =	vst.idx.msk $0xffff, v49  }
0x308: {  	v42 =	vld.idx.msk [tilespmem:v57+s2+$0x0], $0xffff;
	[tilespmem:v47+s19+$0x0] =	vst.idx.msk $0xffff, v39  }
0x309: {  	v47 =	vor.u32 v8, v31;
	v39 =	vld.idx.msk [tilespmem:v57+s15+$0x0], $0xffff  }
0x30a: {  	v49 =	vor.u32 v9, v31;
	v54 =	vld.idx.msk [tilespmem:v50+s2+$0x0], $0xffff  }
0x30b: {  	v56 =	vor.u32 v20, v25;
	v55 =	vld.idx.msk [tilespmem:v55+s15+$0x0], $0xffff  }
0x30c: {  	v50 =	vld.idx.msk [tilespmem:v50+s15+$0x0], $0xffff;
	[tilespmem:v52+s19+$0x0] =	vst.idx.msk $0xffff, v48;
	v48 =	vor.u32 v18, v26  }
0x30d: {  	v59 =	vadd.s32 v19, v41;
	v57 =	vor.u32 v21, v25;
	v52 =	vld.idx.msk [tilespmem:v58+s2+$0x0], $0xffff  }
0x30e: {  	v60 =	vor.u32 v0, v35;
	v51 =	vld.idx.msk [tilespmem:v51+s15+$0x0], $0xffff;
	[tilespmem:v47+s19+$0x0] =	vst.idx.msk $0xffff, v42  }
0x30f: {  	v42 =	vor.u32 v3, v35;
	v61 =	vld.idx.msk [tilespmem:v46+s2+$0x0], $0xffff;
	[tilespmem:v49+s19+$0x0] =	vst.idx.msk $0xffff, v39;
	v39 =	vadd.s32 v10, v40  }
0x310: {  	v63 =	vor.u32 v14, v27;
	v47 =	vadd.s32 v4, v36;
	v62 =	vld.idx.msk [tilespmem:v46+s15+$0x0], $0xffff;
	[tilespmem:v56+s19+$0x0] =	vst.idx.msk $0xffff, v54  }
0x311: {  	v56 =	vor.u32 v8, v33;
	v54 =	vld.idx.msk [tilespmem:v58+s15+$0x0], $0xffff;
	[tilespmem:v48+s19+$0x0] =	vst.idx.msk $0xffff, v55  }
0x312: {  	v48 =	vor.u32 v9, v33;
	[tilespmem:v57+s19+$0x0] =	vst.idx.msk $0xffff, v50;
	v46 =	vld.idx.msk [tilespmem:v59+s16+$0x0], $0xffff  }
0x313: {  	v55 =	vadd.s32 v10, v34;
	v50 =	vor.u32 v0, v37;
	[tilespmem:v60+s19+$0x0] =	vst.idx.msk $0xffff, v43;
	v58 =	vld.idx.msk [tilespmem:v45+s15+$0x0], $0xffff  }
0x314: {  	[tilespmem:v42+s19+$0x0] =	vst.idx.msk $0xffff, v51;
	v49 =	vld.idx.msk [tilespmem:v39+s16+$0x0], $0xffff;
	v39 =	vor.u32 v15, v27;
	v51 =	vadd.s32 v22, v30  }
0x315: {  	v59 =	vor.u32 v3, v37;
	v60 =	vadd.s32 v16, v32;
	v47 =	vld.idx.msk [tilespmem:v47+s16+$0x0], $0xffff;
	[tilespmem:v63+s19+$0x0] =	vst.idx.msk $0xffff, v53  }
.Ltmp2:
0x316: {  	v43 =	vadd.s32 v22, v41;
	v30 =	vmov v32;
	v32 =	vmov v40;
	[tilespmem:v56+s19+$0x0] =	vst.idx.msk $0xffff, v52;
	v53 =	vld.idx.msk [tilespmem:v44+s2+$0x0], $0xffff;
	(pc) =	sbr.rel @p0 .LBB2_6-.Ltmp2, $4  }
0x317: {  	v56 =	vor.u32 v14, v28;
	[tilespmem:v48+s19+$0x0] =	vst.idx.msk $0xffff, v54;
	v54 =	vld.idx.msk [tilespmem:v44+s15+$0x0], $0xffff;
	v48 =	vor.u32 v21, v26  }
0x318: {  	v57 =	vor.u32 v15, v28;
	v52 =	vor.u32 v20, v26;
	[tilespmem:v50+s19+$0x0] =	vst.idx.msk $0xffff, v61;
	v42 =	vld.idx.msk [tilespmem:v55+s16+$0x0], $0xffff  }
0x319: {  	v45 =	vadd.s32 v13, v32;
	v55 =	vadd.s32 v16, v29;
	[tilespmem:v39+s19+$0x0] =	vst.idx.msk $0xffff, v58;
	v39 =	vld.idx.msk [tilespmem:v51+s16+$0x0], $0xffff  }
0x31a: {  	v50 =	vor.u32 v12, v31;
	v51 =	vor.u32 v11, v31;
	[tilespmem:v59+s19+$0x0] =	vst.idx.msk $0xffff, v62;
	v44 =	vld.idx.msk [tilespmem:v60+s16+$0x0], $0xffff  }
0x31b: {  	v40 =	vadd.s32 v4, v38;
	_ =	sdelay $0x4  }
0x31c: {  	v40 =	vld.idx.msk [tilespmem:v40+s16+$0x0], $0xffff;
	_ =	sdelay $0x7  }
0x31d: {  	v41 =	vld.idx.msk [tilespmem:v40+s2+$0x0], $0xffff;
	_ =	sdelay $0x4  }
0x31e: {  	[tilespmem:$0x1FFA0] =	vst v41  }
0x31f: {  	v40 =	vld.idx.msk [tilespmem:v40+s15+$0x0], $0xffff  }
0x320: {  	v58 =	vor.u32 v5, v37;
	v41 =	vld [tilespmem:$0x1FFA0];
	_ =	sdelay $0x3  }
0x321: {  	[tilespmem:$0x1FFB0] =	vst v40  }
0x322: {  	[tilespmem:v58+s19+$0x0] =	vst.idx.msk $0xffff, v41  }
0x323: {  	v59 =	vor.u32 v6, v37;
	v41 =	vld [tilespmem:$0x1FFB0]  }
0x324: {  	v60 =	vor.u32 v5, v35;
	v62 =	vadd.s32 v7, v38;
	v61 =	vld.idx.msk [tilespmem:v47+s2+$0x0], $0xffff  }
0x325: {  	v63 =	vor.u32 v6, v35;
	v47 =	vld.idx.msk [tilespmem:v47+s15+$0x0], $0xffff  }
0x326: {  	v40 =	vadd.s32 v7, v36  }
0x327: {  	[tilespmem:v56+s19+$0x0] =	vst.idx.msk $0xffff, v53  }
0x328: {  	[tilespmem:v59+s19+$0x0] =	vst.idx.msk $0xffff, v41;
	v41 =	vld.idx.msk [tilespmem:v46+s2+$0x0], $0xffff  }
0x329: {  	[tilespmem:v60+s19+$0x0] =	vst.idx.msk $0xffff, v61;
	v58 =	vld.idx.msk [tilespmem:v62+s16+$0x0], $0xffff  }
0x32a: {  	v60 =	vld.idx.msk [tilespmem:v46+s15+$0x0], $0xffff;
	[tilespmem:v63+s19+$0x0] =	vst.idx.msk $0xffff, v47  }
0x32b: {  	[tilespmem:v57+s19+$0x0] =	vst.idx.msk $0xffff, v54;
	v40 =	vld.idx.msk [tilespmem:v40+s16+$0x0], $0xffff  }
0x32c: {  	v53 =	vld.idx.msk [tilespmem:v55+s16+$0x0], $0xffff  }
0x32d: {  	v47 =	vld.idx.msk [tilespmem:v49+s2+$0x0], $0xffff  }
0x32e: {  	v49 =	vld.idx.msk [tilespmem:v49+s15+$0x0], $0xffff;
	[tilespmem:v52+s19+$0x0] =	vst.idx.msk $0xffff, v41  }
0x32f: {  	v41 =	vld.idx.msk [tilespmem:v42+s2+$0x0], $0xffff;
	[tilespmem:v48+s19+$0x0] =	vst.idx.msk $0xffff, v60  }
0x330: {  	v43 =	vld.idx.msk [tilespmem:v43+s16+$0x0], $0xffff  }
0x331: {  	v48 =	vor.u32 v8, v37;
	v46 =	vld.idx.msk [tilespmem:v58+s2+$0x0], $0xffff  }
0x332: {  	v61 =	vor.u32 v9, v37;
	v52 =	vld.idx.msk [tilespmem:v58+s15+$0x0], $0xffff  }
0x333: {  	v63 =	vadd.s32 v10, v38;
	v62 =	vor.u32 v8, v35;
	v60 =	vld.idx.msk [tilespmem:v40+s2+$0x0], $0xffff  }
0x334: {  	[tilespmem:v51+s19+$0x0] =	vst.idx.msk $0xffff, v47;
	v40 =	vld.idx.msk [tilespmem:v40+s15+$0x0], $0xffff;
	v58 =	vor.u32 v9, v35  }
0x335: {  	v59 =	vadd.s32 v10, v36;
	v42 =	vld.idx.msk [tilespmem:v42+s15+$0x0], $0xffff;
	[tilespmem:v50+s19+$0x0] =	vst.idx.msk $0xffff, v49  }
0x336: {  	v51 =	vor.u32 v11, v33;
	v56 =	vld.idx.msk [tilespmem:v53+s2+$0x0], $0xffff;
	[tilespmem:v48+s19+$0x0] =	vst.idx.msk $0xffff, v46  }
0x337: {  	v49 =	vld.idx.msk [tilespmem:v44+s2+$0x0], $0xffff;
	v46 =	vor.u32 v12, v33;
	[tilespmem:v61+s19+$0x0] =	vst.idx.msk $0xffff, v52  }
0x338: {  	v48 =	vor.u32 v17, v27;
	[tilespmem:v62+s19+$0x0] =	vst.idx.msk $0xffff, v60;
	v61 =	vadd.s32 v13, v34;
	v54 =	vld.idx.msk [tilespmem:v63+s16+$0x0], $0xffff  }
0x339: {  	v62 =	vld.idx.msk [tilespmem:v44+s15+$0x0], $0xffff;
	[tilespmem:v58+s19+$0x0] =	vst.idx.msk $0xffff, v40;
	v63 =	vor.u32 v18, v27  }
0x33a: {  	v60 =	vadd.s32 v19, v30;
	v50 =	vld.idx.msk [tilespmem:v59+s16+$0x0], $0xffff  }
0x33b: {  	v45 =	vld.idx.msk [tilespmem:v45+s16+$0x0], $0xffff;
	[tilespmem:v51+s19+$0x0] =	vst.idx.msk $0xffff, v41  }
0x33c: {  	v41 =	vld.idx.msk [tilespmem:v43+s2+$0x0], $0xffff;
	[tilespmem:v46+s19+$0x0] =	vst.idx.msk $0xffff, v42  }
0x33d: {  	[tilespmem:v48+s19+$0x0] =	vst.idx.msk $0xffff, v49;
	v42 =	vld.idx.msk [tilespmem:v61+s16+$0x0], $0xffff  }
0x33e: {  	v40 =	vld.idx.msk [tilespmem:v43+s15+$0x0], $0xffff;
	[tilespmem:v63+s19+$0x0] =	vst.idx.msk $0xffff, v62  }
0x33f: {  	v43 =	vld.idx.msk [tilespmem:v60+s16+$0x0], $0xffff  }
0x340: {  	v61 =	vor.u32 v11, v37;
	v44 =	vld.idx.msk [tilespmem:v54+s2+$0x0], $0xffff  }
0x341: {  	v62 =	vor.u32 v12, v37;
	v47 =	vld.idx.msk [tilespmem:v54+s15+$0x0], $0xffff  }
0x342: {  	v49 =	vor.u32 v11, v35;
	v63 =	vadd.s32 v13, v38;
	v51 =	vld.idx.msk [tilespmem:v50+s2+$0x0], $0xffff  }
0x343: {  	v60 =	vor.u32 v12, v35;
	v50 =	vld.idx.msk [tilespmem:v50+s15+$0x0], $0xffff  }
0x344: {  	v57 =	vadd.s32 v13, v36;
	v55 =	vld.idx.msk [tilespmem:v45+s2+$0x0], $0xffff  }
0x345: {  	v59 =	vor.u32 v14, v33;
	v58 =	vld.idx.msk [tilespmem:v42+s2+$0x0], $0xffff;
	[tilespmem:v61+s19+$0x0] =	vst.idx.msk $0xffff, v44  }
0x346: {  	v42 =	vld.idx.msk [tilespmem:v42+s15+$0x0], $0xffff;
	v61 =	vor.u32 v15, v33;
	[tilespmem:v62+s19+$0x0] =	vst.idx.msk $0xffff, v47  }
0x347: {  	v46 =	vor.u32 v14, v31;
	[tilespmem:v49+s19+$0x0] =	vst.idx.msk $0xffff, v51;
	v62 =	vadd.s32 v16, v34;
	v48 =	vld.idx.msk [tilespmem:v63+s16+$0x0], $0xffff  }
0x348: {  	v45 =	vld.idx.msk [tilespmem:v45+s15+$0x0], $0xffff;
	[tilespmem:v60+s19+$0x0] =	vst.idx.msk $0xffff, v50;
	v63 =	vor.u32 v15, v31  }
0x349: {  	v60 =	vadd.s32 v16, v32;
	v51 =	vld.idx.msk [tilespmem:v57+s16+$0x0], $0xffff  }
0x34a: {  	v52 =	vld.idx.msk [tilespmem:v39+s2+$0x0], $0xffff;
	[tilespmem:v59+s19+$0x0] =	vst.idx.msk $0xffff, v58  }
0x34b: {  	v39 =	vld.idx.msk [tilespmem:v39+s15+$0x0], $0xffff;
	[tilespmem:v61+s19+$0x0] =	vst.idx.msk $0xffff, v42  }
0x34c: {  	[tilespmem:v46+s19+$0x0] =	vst.idx.msk $0xffff, v55;
	v61 =	vor.u32 v17, v28;
	v44 =	vld.idx.msk [tilespmem:v62+s16+$0x0], $0xffff  }
0x34d: {  	v46 =	vld.idx.msk [tilespmem:v53+s15+$0x0], $0xffff;
	v62 =	vor.u32 v18, v28;
	[tilespmem:v63+s19+$0x0] =	vst.idx.msk $0xffff, v45  }
0x34e: {  	v63 =	vadd.s32 v19, v29;
	v49 =	vld.idx.msk [tilespmem:v60+s16+$0x0], $0xffff  }
0x34f: {  	v53 =	vor.u32 v14, v37;
	v50 =	vld.idx.msk [tilespmem:v48+s2+$0x0], $0xffff  }
0x350: {  	v60 =	vor.u32 v15, v37;
	v48 =	vld.idx.msk [tilespmem:v48+s15+$0x0], $0xffff  }
0x351: {  	v55 =	vor.u32 v14, v35;
	[tilespmem:v61+s19+$0x0] =	vst.idx.msk $0xffff, v56;
	v42 =	vld.idx.msk [tilespmem:v51+s2+$0x0], $0xffff;
	v61 =	vadd.s32 v16, v38  }
0x352: {  	v47 =	vor.u32 v15, v35;
	[tilespmem:v62+s19+$0x0] =	vst.idx.msk $0xffff, v46;
	v46 =	vld.idx.msk [tilespmem:v51+s15+$0x0], $0xffff  }
0x353: {  	v62 =	vadd.s32 v16, v36;
	v45 =	vld.idx.msk [tilespmem:v63+s16+$0x0], $0xffff  }
0x354: {  	v63 =	vld.idx.msk [tilespmem:v44+s2+$0x0], $0xffff;
	[tilespmem:v53+s19+$0x0] =	vst.idx.msk $0xffff, v50  }
0x355: {  	v59 =	vor.u32 v17, v33;
	v44 =	vld.idx.msk [tilespmem:v44+s15+$0x0], $0xffff;
	[tilespmem:v60+s19+$0x0] =	vst.idx.msk $0xffff, v48  }
0x356: {  	[tilespmem:v55+s19+$0x0] =	vst.idx.msk $0xffff, v42;
	v60 =	vor.u32 v18, v33;
	v42 =	vld.idx.msk [tilespmem:v61+s16+$0x0], $0xffff  }
0x357: {  	v53 =	vld.idx.msk [tilespmem:v43+s2+$0x0], $0xffff;
	[tilespmem:v47+s19+$0x0] =	vst.idx.msk $0xffff, v46;
	v61 =	vadd.s32 v19, v34  }
0x358: {  	v46 =	vld.idx.msk [tilespmem:v62+s16+$0x0], $0xffff  }
0x359: {  	v43 =	vld.idx.msk [tilespmem:v43+s15+$0x0], $0xffff  }
0x35a: {  	v51 =	vld.idx.msk [tilespmem:v49+s2+$0x0], $0xffff;
	v62 =	vor.u32 v20, v27;
	[tilespmem:v59+s19+$0x0] =	vst.idx.msk $0xffff, v63  }
0x35b: {  	v49 =	vld.idx.msk [tilespmem:v49+s15+$0x0], $0xffff;
	v63 =	vor.u32 v17, v31;
	[tilespmem:v60+s19+$0x0] =	vst.idx.msk $0xffff, v44  }
0x35c: {  	v44 =	vor.u32 v18, v31;
	v48 =	vld.idx.msk [tilespmem:v61+s16+$0x0], $0xffff  }
0x35d: {  	v54 =	vor.u32 v21, v27;
	v55 =	vld.idx.msk [tilespmem:v45+s2+$0x0], $0xffff;
	v60 =	vadd.s32 v19, v32  }
0x35e: {  	v61 =	vor.u32 v17, v37;
	v57 =	vld.idx.msk [tilespmem:v42+s2+$0x0], $0xffff  }
0x35f: {  	[tilespmem:v62+s19+$0x0] =	vst.idx.msk $0xffff, v53;
	v62 =	vor.u32 v18, v37;
	v42 =	vld.idx.msk [tilespmem:v42+s15+$0x0], $0xffff  }
0x360: {  	[tilespmem:v63+s19+$0x0] =	vst.idx.msk $0xffff, v51;
	v51 =	vor.u32 v17, v35;
	v63 =	vadd.s32 v19, v38;
	v50 =	vld.idx.msk [tilespmem:v46+s2+$0x0], $0xffff  }
0x361: {  	[tilespmem:v44+s19+$0x0] =	vst.idx.msk $0xffff, v49;
	v44 =	vld.idx.msk [tilespmem:v46+s15+$0x0], $0xffff;
	v46 =	vor.u32 v18, v35  }
0x362: {  	[tilespmem:v54+s19+$0x0] =	vst.idx.msk $0xffff, v43;
	v43 =	vor.u32 v20, v28;
	v54 =	vadd.s32 v19, v36;
	v49 =	vld.idx.msk [tilespmem:v60+s16+$0x0], $0xffff  }
0x363: {  	v30 =	vadd.s32 v22, v30;
	v45 =	vld.idx.msk [tilespmem:v45+s15+$0x0], $0xffff;
	v60 =	vor.u32 v21, v28;
	[tilespmem:v61+s19+$0x0] =	vst.idx.msk $0xffff, v57  }
0x364: {  	v29 =	vadd.s32 v22, v29;
	v61 =	vld.idx.msk [tilespmem:v48+s2+$0x0], $0xffff;
	[tilespmem:v62+s19+$0x0] =	vst.idx.msk $0xffff, v42  }
0x365: {  	[tilespmem:v51+s19+$0x0] =	vst.idx.msk $0xffff, v50;
	v62 =	vor.u32 v20, v33;
	v47 =	vld.idx.msk [tilespmem:v63+s16+$0x0], $0xffff  }
0x366: {  	v48 =	vld.idx.msk [tilespmem:v48+s15+$0x0], $0xffff;
	[tilespmem:v46+s19+$0x0] =	vst.idx.msk $0xffff, v44;
	v63 =	vor.u32 v21, v33  }
0x367: {  	v53 =	vadd.s32 v22, v34;
	[tilespmem:v43+s19+$0x0] =	vst.idx.msk $0xffff, v55;
	v43 =	vld.idx.msk [tilespmem:v54+s16+$0x0], $0xffff  }
0x368: {  	v30 =	vld.idx.msk [tilespmem:v30+s16+$0x0], $0xffff;
	[tilespmem:v60+s19+$0x0] =	vst.idx.msk $0xffff, v45  }
0x369: {  	v29 =	vld.idx.msk [tilespmem:v29+s16+$0x0], $0xffff  }
0x36a: {  	v55 =	vor.u32 v23, v26;
	v56 =	vld.idx.msk [tilespmem:v49+s2+$0x0], $0xffff;
	[tilespmem:v62+s19+$0x0] =	vst.idx.msk $0xffff, v61  }
0x36b: {  	v58 =	vor.u32 v20, v31;
	v59 =	vld.idx.msk [tilespmem:v49+s15+$0x0], $0xffff;
	[tilespmem:v63+s19+$0x0] =	vst.idx.msk $0xffff, v48  }
0x36c: {  	v60 =	vor.u32 v21, v31;
	v34 =	vld.idx.msk [tilespmem:v53+s16+$0x0], $0xffff  }
0x36d: {  	v32 =	vadd.s32 v22, v32;
	v61 =	vor.u32 v20, v37;
	v62 =	vld.idx.msk [tilespmem:v47+s2+$0x0], $0xffff  }
0x36e: {  	v63 =	vor.u32 v21, v37;
	v47 =	vld.idx.msk [tilespmem:v47+s15+$0x0], $0xffff  }
0x36f: {  	v54 =	vor.u32 v20, v35;
	[tilespmem:v55+s19+$0x0] =	vst.idx.msk $0xffff, v41;
	v55 =	vadd.s32 v22, v38;
	v53 =	vld.idx.msk [tilespmem:v43+s2+$0x0], $0xffff  }
0x370: {  	v57 =	vor.u32 v21, v35;
	[tilespmem:v58+s19+$0x0] =	vst.idx.msk $0xffff, v56;
	v56 =	vld.idx.msk [tilespmem:v43+s15+$0x0], $0xffff  }
0x371: {  	v26 =	vor.u32 v24, v26;
	v58 =	vld.idx.msk [tilespmem:v29+s2+$0x0], $0xffff;
	[tilespmem:v60+s19+$0x0] =	vst.idx.msk $0xffff, v59;
	v59 =	vadd.s32 v22, v36  }
0x372: {  	v60 =	vor.u32 v23, v25;
	v32 =	vld.idx.msk [tilespmem:v32+s16+$0x0], $0xffff;
	[tilespmem:v61+s19+$0x0] =	vst.idx.msk $0xffff, v62  }
0x373: {  	v25 =	vor.u32 v24, v25;
	v29 =	vld.idx.msk [tilespmem:v29+s15+$0x0], $0xffff;
	[tilespmem:v63+s19+$0x0] =	vst.idx.msk $0xffff, v47  }
0x374: {  	v61 =	vor.u32 v23, v28;
	[tilespmem:v54+s19+$0x0] =	vst.idx.msk $0xffff, v53;
	v38 =	vld.idx.msk [tilespmem:v55+s16+$0x0], $0xffff  }
0x375: {  	v28 =	vor.u32 v24, v28;
	v62 =	vld.idx.msk [tilespmem:v30+s2+$0x0], $0xffff;
	[tilespmem:v57+s19+$0x0] =	vst.idx.msk $0xffff, v56  }
0x376: {  	[tilespmem:v26+s19+$0x0] =	vst.idx.msk $0xffff, v40;
	v26 =	vor.u32 v23, v27;
	v36 =	vld.idx.msk [tilespmem:v59+s16+$0x0], $0xffff  }
0x377: {  	v27 =	vor.u32 v24, v27;
	v30 =	vld.idx.msk [tilespmem:v30+s15+$0x0], $0xffff;
	[tilespmem:v60+s19+$0x0] =	vst.idx.msk $0xffff, v52  }
0x378: {  	v63 =	vor.u32 v23, v33;
	[tilespmem:v25+s19+$0x0] =	vst.idx.msk $0xffff, v39;
	v25 =	vld.idx.msk [tilespmem:v34+s2+$0x0], $0xffff  }
0x379: {  	v40 =	vor.u32 v24, v33;
	v34 =	vld.idx.msk [tilespmem:v34+s15+$0x0], $0xffff;
	[tilespmem:v61+s19+$0x0] =	vst.idx.msk $0xffff, v58  }
0x37a: {  	[tilespmem:v28+s19+$0x0] =	vst.idx.msk $0xffff, v29;
	v28 =	vld.idx.msk [tilespmem:v32+s2+$0x0], $0xffff;
	v29 =	vor.u32 v23, v31  }
0x37b: {  	[tilespmem:v26+s19+$0x0] =	vst.idx.msk $0xffff, v62;
	v26 =	vld.idx.msk [tilespmem:v32+s15+$0x0], $0xffff;
	v31 =	vor.u32 v24, v31  }
0x37c: {  	[tilespmem:v27+s19+$0x0] =	vst.idx.msk $0xffff, v30;
	v30 =	vor.u32 v23, v37;
	v27 =	vld.idx.msk [tilespmem:v38+s2+$0x0], $0xffff  }
0x37d: {  	v41 =	vor.u32 v24, v37;
	[tilespmem:v63+s19+$0x0] =	vst.idx.msk $0xffff, v25;
	v25 =	vld.idx.msk [tilespmem:v38+s15+$0x0], $0xffff  }
0x37e: {  	v43 =	vor.u32 v23, v35;
	[tilespmem:v40+s19+$0x0] =	vst.idx.msk $0xffff, v34;
	v42 =	vld.idx.msk [tilespmem:v36+s2+$0x0], $0xffff  }
0x37f: {  	[tilespmem:v29+s19+$0x0] =	vst.idx.msk $0xffff, v28;
	v28 =	vld.idx.msk [tilespmem:v36+s15+$0x0], $0xffff;
	v29 =	vor.u32 v24, v35  }
0x380: {  	s24 =	simm.s32 $0x0;
	[tilespmem:v31+s19+$0x0] =	vst.idx.msk $0xffff, v26  }
0x381: {  	v26 =	vadd.s32 s24, v0;
	[tilespmem:v30+s19+$0x0] =	vst.idx.msk $0xffff, v27  }
0x382: {  	vm0 =	vgt.u32 v26, $0xC7;
	[tilespmem:v41+s19+$0x0] =	vst.idx.msk $0xffff, v25;
	v25 =	vadd.s32 s24, v1  }
0x383: {  	[tilespmem:v43+s19+$0x0] =	vst.idx.msk $0xffff, v42;
	v25 =	vsel vm0, v25, v26  }
0x384: {  	s31 =	simm.s32 $0x1;
	[tilespmem:v29+s19+$0x0] =	vst.idx.msk $0xffff, v28;
	v26 =	vshll.u32 v25, $0x3  }
0x385: {  	v27 =	vadd.s32 s31, v0;
	[hbm4b:s11+s20] =	stream.strided.scatter [tilespmem:s19], [sflag:$0x2], $0xC800, s21, s20, $0x38;
	v28 =	vand.u32 $0x7F, v25;
	v26 =	vand.u32 $0xFFFFFC00, v26;
	[tilespmem:$0x1D000] =	vst v63  }
0x386: {  	vm9 =	vgt.u32 v27, $0xC7;
	v29 =	vadd.s32 s31, v1;
	_ =	swait.ge [sflag:s17], $0x8000;
	v39 =	vor.u32 v28, v26  }
0x387: {  	[sflag:s17] =	ssyncset.done $0x0;
	v26 =	vsel vm9, v29, v27;
	v27 =	vadd.s32 v2, v39  }
0x388: {  	[sflag:s17] =	ssyncadd.s32 $0xFFFF8000;
	v28 =	vshll.u32 v26, $0x3  }
0x389: {  	_ =	swait.ge [sflag:s22], $0xC800;
	v29 =	vand.u32 $0x7F, v26;
	v28 =	vand.u32 $0xFFFFFC00, v28  }
0x38a: {  	[sflag:s22] =	ssyncset.done $0x0;
	v40 =	vor.u32 v29, v28  }
0x38b: {  	[sflag:s22] =	ssyncadd.s32 $0xFFFF3800;
	v28 =	vadd.s32 v2, v40  }
0x38c: {  	v27 =	vld.idx.msk [tilespmem:v27+s18+$0x0], $0xffff;
	_ =	sdelay $0x3  }
0x38d: {  	v28 =	vld.idx.msk [tilespmem:v28+s18+$0x0], $0xffff;
	_ =	sdelay $0x2  }
0x38e: {  	v25 =	vshll.u32 v25, $0x8  }
0x38f: {  	v30 =	vor.u32 v0, v25;
	v29 =	vld.idx.msk [tilespmem:v27+s2+$0x0], $0xffff  }
0x390: {  	v31 =	vor.u32 v3, v25;
	v27 =	vld.idx.msk [tilespmem:v27+s15+$0x0], $0xffff  }
0x391: {  	v44 =	vadd.s32 v4, v39  }
0x392: {  	v26 =	vshll.u32 v26, $0x8  }
0x393: {  	v46 =	vor.u32 v0, v26;
	v45 =	vld.idx.msk [tilespmem:v28+s2+$0x0], $0xffff  }
0x394: {  	v28 =	vld.idx.msk [tilespmem:v28+s15+$0x0], $0xffff;
	[tilespmem:v30+s19+$0x0] =	vst.idx.msk $0xffff, v29;
	v29 =	vor.u32 v3, v26  }
0x395: {  	[tilespmem:v31+s19+$0x0] =	vst.idx.msk $0xffff, v27;
	v27 =	vadd.s32 v4, v40  }
0x396: {  	v30 =	vld.idx.msk [tilespmem:v44+s18+$0x0], $0xffff;
	_ =	sdelay $0x1  }
0x397: {  	[tilespmem:v46+s19+$0x0] =	vst.idx.msk $0xffff, v45  }
0x398: {  	[tilespmem:v29+s19+$0x0] =	vst.idx.msk $0xffff, v28  }
0x399: {  	v27 =	vld.idx.msk [tilespmem:v27+s18+$0x0], $0xffff  }
0x39a: {  	s25 =	simm.s32 $0x2  }
0x39b: {  	s26 =	simm.s32 $0x3;
	v28 =	vadd.s32 s25, v0  }
0x39c: {  	v47 =	vadd.s32 s26, v0;
	v29 =	vadd.s32 s25, v1;
	vm10 =	vgt.u32 v28, $0xC7  }
0x39d: {  	v52 =	vadd.s32 s26, v1;
	v31 =	vor.u32 v5, v25;
	v28 =	vsel vm10, v29, v28;
	v29 =	vld.idx.msk [tilespmem:v30+s2+$0x0], $0xffff  }
0x39e: {  	vm11 =	vgt.u32 v47, $0xC7;
	v50 =	vor.u32 v6, v25;
	v48 =	vshll.u32 v28, $0x3;
	v49 =	vld.idx.msk [tilespmem:v30+s15+$0x0], $0xffff  }
0x39f: {  	v51 =	vadd.s32 v7, v39;
	v33 =	vand.u32 $0xFFFFFC00, v48;
	v30 =	vand.u32 $0x7F, v28  }
0x3a0: {  	v32 =	vsel vm11, v52, v47;
	v30 =	vor.u32 v30, v33  }
0x3a1: {  	v55 =	vshll.u32 v32, $0x3;
	v54 =	vor.u32 v5, v26;
	v33 =	vadd.s32 v2, v30;
	v53 =	vld.idx.msk [tilespmem:v27+s2+$0x0], $0xffff  }
0x3a2: {  	v41 =	vand.u32 $0xFFFFFC00, v55;
	v27 =	vld.idx.msk [tilespmem:v27+s15+$0x0], $0xffff;
	[tilespmem:v31+s19+$0x0] =	vst.idx.msk $0xffff, v29;
	v31 =	vor.u32 v6, v26;
	v29 =	vand.u32 $0x7F, v32  }
0x3a3: {  	v56 =	vadd.s32 v7, v40;
	[tilespmem:v50+s19+$0x0] =	vst.idx.msk $0xffff, v49;
	v29 =	vor.u32 v29, v41  }
0x3a4: {  	v35 =	vld.idx.msk [tilespmem:v51+s18+$0x0], $0xffff;
	v57 =	vadd.s32 v2, v29;
	_ =	sdelay $0x1  }
0x3a5: {  	v33 =	vld.idx.msk [tilespmem:v33+s18+$0x0], $0xffff;
	[tilespmem:v54+s19+$0x0] =	vst.idx.msk $0xffff, v53  }
0x3a6: {  	[tilespmem:v31+s19+$0x0] =	vst.idx.msk $0xffff, v27  }
0x3a7: {  	v31 =	vld.idx.msk [tilespmem:v56+s18+$0x0], $0xffff  }
0x3a8: {  	v58 =	vld.idx.msk [tilespmem:v57+s18+$0x0], $0xffff;
	_ =	sdelay $0x2  }
0x3a9: {  	v60 =	vor.u32 v8, v25;
	v59 =	vld.idx.msk [tilespmem:v35+s2+$0x0], $0xffff  }
0x3aa: {  	v61 =	vor.u32 v9, v25;
	v27 =	vshll.u32 v28, $0x8;
	v35 =	vld.idx.msk [tilespmem:v35+s15+$0x0], $0xffff  }
0x3ab: {  	v49 =	vadd.s32 v10, v39;
	v63 =	vor.u32 v0, v27;
	v62 =	vld.idx.msk [tilespmem:v33+s2+$0x0], $0xffff  }
0x3ac: {  	v48 =	vor.u32 v3, v27;
	v33 =	vld.idx.msk [tilespmem:v33+s15+$0x0], $0xffff  }
0x3ad: {  	v52 =	vadd.s32 v4, v30;
	v28 =	vshll.u32 v32, $0x8;
	v50 =	vld.idx.msk [tilespmem:v31+s2+$0x0], $0xffff  }
0x3ae: {  	v55 =	vor.u32 v0, v28;
	[tilespmem:v60+s19+$0x0] =	vst.idx.msk $0xffff, v59;
	v54 =	vld.idx.msk [tilespmem:v58+s2+$0x0], $0xffff  }
0x3af: {  	v57 =	vor.u32 v3, v28;
	v34 =	vld.idx.msk [tilespmem:v58+s15+$0x0], $0xffff;
	[tilespmem:v61+s19+$0x0] =	vst.idx.msk $0xffff, v35  }
0x3b0: {  	v51 =	vor.u32 v8, v26;
	[tilespmem:v63+s19+$0x0] =	vst.idx.msk $0xffff, v62;
	v59 =	vadd.s32 v4, v29;
	v58 =	vld.idx.msk [tilespmem:v49+s18+$0x0], $0xffff  }
0x3b1: {  	v53 =	vor.u32 v9, v26;
	v31 =	vld.idx.msk [tilespmem:v31+s15+$0x0], $0xffff;
	[tilespmem:v48+s19+$0x0] =	vst.idx.msk $0xffff, v33  }
0x3b2: {  	v56 =	vadd.s32 v10, v40;
	v36 =	vld.idx.msk [tilespmem:v52+s18+$0x0], $0xffff  }
0x3b3: {  	s28 =	simm.s32 $0x4;
	[tilespmem:v55+s19+$0x0] =	vst.idx.msk $0xffff, v54  }
0x3b4: {  	v60 =	vadd.s32 s28, v0;
	[tilespmem:v57+s19+$0x0] =	vst.idx.msk $0xffff, v34  }
0x3b5: {  	vm12 =	vgt.u32 v60, $0xC7;
	v61 =	vadd.s32 s28, v1;
	[tilespmem:v51+s19+$0x0] =	vst.idx.msk $0xffff, v50;
	v34 =	vld.idx.msk [tilespmem:v59+s18+$0x0], $0xffff  }
0x3b6: {  	v35 =	vsel vm12, v61, v60;
	[tilespmem:v53+s19+$0x0] =	vst.idx.msk $0xffff, v31  }
0x3b7: {  	v32 =	vshll.u32 v35, $0x3;
	v31 =	vld.idx.msk [tilespmem:v56+s18+$0x0], $0xffff  }
0x3b8: {  	v32 =	vand.u32 $0xFFFFFC00, v32;
	v53 =	vand.u32 $0x7F, v35;
	v63 =	vld.idx.msk [tilespmem:v58+s2+$0x0], $0xffff  }
0x3b9: {  	v62 =	vor.u32 v11, v25;
	v32 =	vor.u32 v53, v32;
	v33 =	vld.idx.msk [tilespmem:v58+s15+$0x0], $0xffff  }
0x3ba: {  	s29 =	simm.s32 $0x5;
	v44 =	vor.u32 v5, v27;
	v55 =	vld.idx.msk [tilespmem:v36+s2+$0x0], $0xffff;
	v58 =	vadd.s32 v2, v32  }
0x3bb: {  	v37 =	vadd.s32 v13, v39;
	v54 =	vadd.s32 s29, v0  }
0x3bc: {  	vm13 =	vgt.u32 v54, $0xC7;
	v57 =	vadd.s32 s29, v1;
	v59 =	vor.u32 v6, v27;
	v36 =	vld.idx.msk [tilespmem:v36+s15+$0x0], $0xffff  }
0x3bd: {  	v52 =	vor.u32 v12, v25;
	v60 =	vadd.s32 v7, v30;
	v45 =	vsel vm13, v57, v54;
	v41 =	vld.idx.msk [tilespmem:v34+s2+$0x0], $0xffff  }
0x3be: {  	v61 =	vor.u32 v5, v28;
	v56 =	vshll.u32 v45, $0x3;
	[tilespmem:v62+s19+$0x0] =	vst.idx.msk $0xffff, v63;
	v57 =	vld.idx.msk [tilespmem:v34+s15+$0x0], $0xffff  }
0x3bf: {  	v50 =	vand.u32 $0xFFFFFC00, v56;
	v62 =	vor.u32 v6, v28;
	v63 =	vand.u32 $0x7F, v45;
	[tilespmem:v44+s19+$0x0] =	vst.idx.msk $0xffff, v55;
	v55 =	vld.idx.msk [tilespmem:v58+s18+$0x0], $0xffff  }
0x3c0: {  	v54 =	vadd.s32 v7, v29;
	v48 =	vld.idx.msk [tilespmem:v31+s2+$0x0], $0xffff;
	v34 =	vor.u32 v63, v50  }
0x3c1: {  	v31 =	vld.idx.msk [tilespmem:v31+s15+$0x0], $0xffff;
	[tilespmem:v59+s19+$0x0] =	vst.idx.msk $0xffff, v36;
	v59 =	vor.u32 v11, v26;
	v58 =	vadd.s32 v2, v34  }
0x3c2: {  	[tilespmem:v52+s19+$0x0] =	vst.idx.msk $0xffff, v33;
	v38 =	vld.idx.msk [tilespmem:v60+s18+$0x0], $0xffff;
	v60 =	vor.u32 v12, v26  }
0x3c3: {  	[tilespmem:v61+s19+$0x0] =	vst.idx.msk $0xffff, v41  }
0x3c4: {  	v37 =	vld.idx.msk [tilespmem:v37+s18+$0x0], $0xffff;
	v61 =	vadd.s32 v13, v40;
	[tilespmem:v62+s19+$0x0] =	vst.idx.msk $0xffff, v57  }
0x3c5: {  	v33 =	vld.idx.msk [tilespmem:v54+s18+$0x0], $0xffff  }
0x3c6: {  	[tilespmem:v59+s19+$0x0] =	vst.idx.msk $0xffff, v48;
	v36 =	vld.idx.msk [tilespmem:v58+s18+$0x0], $0xffff  }
0x3c7: {  	[tilespmem:v60+s19+$0x0] =	vst.idx.msk $0xffff, v31;
	v31 =	vshll.u32 v35, $0x8;
	v44 =	vld.idx.msk [tilespmem:v55+s2+$0x0], $0xffff  }
0x3c8: {  	v58 =	vor.u32 v0, v31;
	v43 =	vld.idx.msk [tilespmem:v55+s15+$0x0], $0xffff  }
0x3c9: {  	v60 =	vor.u32 v3, v31;
	v41 =	vld.idx.msk [tilespmem:v61+s18+$0x0], $0xffff  }
0x3ca: {  	v62 =	vor.u32 v8, v27;
	v46 =	vld.idx.msk [tilespmem:v38+s2+$0x0], $0xffff;
	v61 =	vadd.s32 v4, v32  }
0x3cb: {  	v56 =	vor.u32 v9, v27;
	v63 =	vld.idx.msk [tilespmem:v38+s15+$0x0], $0xffff  }
0x3cc: {  	v59 =	vadd.s32 v10, v30;
	v42 =	vld.idx.msk [tilespmem:v37+s2+$0x0], $0xffff  }
0x3cd: {  	v37 =	vld.idx.msk [tilespmem:v37+s15+$0x0], $0xffff;
	[tilespmem:v58+s19+$0x0] =	vst.idx.msk $0xffff, v44  }
0x3ce: {  	v55 =	vor.u32 v14, v25;
	[tilespmem:v60+s19+$0x0] =	vst.idx.msk $0xffff, v43;
	v57 =	vld.idx.msk [tilespmem:v33+s2+$0x0], $0xffff  }
0x3cf: {  	[tilespmem:v62+s19+$0x0] =	vst.idx.msk $0xffff, v46;
	v62 =	vor.u32 v8, v28;
	v50 =	vld.idx.msk [tilespmem:v61+s18+$0x0], $0xffff  }
0x3d0: {  	v54 =	vor.u32 v9, v28;
	[tilespmem:v56+s19+$0x0] =	vst.idx.msk $0xffff, v63;
	v63 =	vld.idx.msk [tilespmem:v33+s15+$0x0], $0xffff  }
0x3d1: {  	v58 =	vadd.s32 v10, v29;
	v49 =	vld.idx.msk [tilespmem:v59+s18+$0x0], $0xffff;
	v59 =	vor.u32 v15, v25  }
0x3d2: {  	v60 =	vadd.s32 v16, v39;
	v52 =	vld.idx.msk [tilespmem:v36+s2+$0x0], $0xffff;
	v33 =	vshll.u32 v45, $0x8  }
0x3d3: {  	v36 =	vld.idx.msk [tilespmem:v36+s15+$0x0], $0xffff;
	[tilespmem:v55+s19+$0x0] =	vst.idx.msk $0xffff, v42;
	v45 =	vor.u32 v0, v33  }
0x3d4: {  	v61 =	vld.idx.msk [tilespmem:v41+s2+$0x0], $0xffff;
	[tilespmem:v62+s19+$0x0] =	vst.idx.msk $0xffff, v57;
	v62 =	vor.u32 v14, v26  }
0x3d5: {  	v56 =	vld.idx.msk [tilespmem:v41+s15+$0x0], $0xffff;
	v57 =	vor.u32 v15, v26;
	[tilespmem:v54+s19+$0x0] =	vst.idx.msk $0xffff, v63  }
0x3d6: {  	v63 =	vor.u32 v3, v33;
	v42 =	vld.idx.msk [tilespmem:v58+s18+$0x0], $0xffff;
	[tilespmem:v59+s19+$0x0] =	vst.idx.msk $0xffff, v37  }
0x3d7: {  	s30 =	simm.s32 $0x6;
	v55 =	vadd.s32 v4, v34;
	v43 =	vld.idx.msk [tilespmem:v60+s18+$0x0], $0xffff  }
0x3d8: {  	v54 =	vadd.s32 v16, v40;
	[tilespmem:v45+s19+$0x0] =	vst.idx.msk $0xffff, v52;
	v58 =	vadd.s32 s30, v0;
	v44 =	vld.idx.msk [tilespmem:v50+s2+$0x0], $0xffff  }
0x3d9: {  	v59 =	vadd.s32 s30, v1;
	vm14 =	vgt.u32 v58, $0xC7;
	v46 =	vld.idx.msk [tilespmem:v50+s15+$0x0], $0xffff;
	[tilespmem:v62+s19+$0x0] =	vst.idx.msk $0xffff, v61  }
0x3da: {  	v45 =	vsel vm14, v59, v58;
	v60 =	vld.idx.msk [tilespmem:v49+s2+$0x0], $0xffff;
	[tilespmem:v57+s19+$0x0] =	vst.idx.msk $0xffff, v56  }
0x3db: {  	v61 =	vor.u32 v11, v27;
	v62 =	vld.idx.msk [tilespmem:v49+s15+$0x0], $0xffff;
	[tilespmem:v63+s19+$0x0] =	vst.idx.msk $0xffff, v36;
	v56 =	vshll.u32 v45, $0x3  }
0x3dc: {  	v58 =	vand.u32 $0x7F, v45;
	v63 =	vor.u32 v12, v27;
	v36 =	vand.u32 $0xFFFFFC00, v56;
	v37 =	vld.idx.msk [tilespmem:v55+s18+$0x0], $0xffff  }
0x3dd: {  	v57 =	vadd.s32 v13, v30;
	v41 =	vld.idx.msk [tilespmem:v54+s18+$0x0], $0xffff;
	v36 =	vor.u32 v58, v36  }
0x3de: {  	v52 =	vor.u32 v5, v31;
	v59 =	vadd.s32 v2, v36;
	v49 =	vld.idx.msk [tilespmem:v42+s2+$0x0], $0xffff  }
0x3df: {  	v42 =	vld.idx.msk [tilespmem:v42+s15+$0x0], $0xffff  }
0x3e0: {  	s31 =	simm.s32 $0x7;
	v51 =	vor.u32 v17, v25;
	v35 =	vor.u32 v6, v31;
	[tilespmem:v61+s19+$0x0] =	vst.idx.msk $0xffff, v60;
	v47 =	vld.idx.msk [tilespmem:v43+s2+$0x0], $0xffff  }
0x3e1: {  	v60 =	vadd.s32 s31, v0;
	[tilespmem:v63+s19+$0x0] =	vst.idx.msk $0xffff, v62;
	v62 =	vadd.s32 v7, v32;
	v43 =	vld.idx.msk [tilespmem:v43+s15+$0x0], $0xffff  }
0x3e2: {  	v61 =	vadd.s32 s31, v1;
	vm15 =	vgt.u32 v60, $0xC7;
	v63 =	vor.u32 v18, v25;
	v53 =	vld.idx.msk [tilespmem:v57+s18+$0x0], $0xffff  }
0x3e3: {  	[tilespmem:v52+s19+$0x0] =	vst.idx.msk $0xffff, v44;
	v50 =	vsel vm15, v61, v60;
	v60 =	vor.u32 v11, v28;
	v48 =	vld.idx.msk [tilespmem:v59+s18+$0x0], $0xffff  }
0x3e4: {  	v52 =	vadd.s32 v19, v39;
	v58 =	vor.u32 v12, v28;
	v38 =	vshll.u32 v50, $0x3;
	v44 =	vld.idx.msk [tilespmem:v37+s2+$0x0], $0xffff  }
0x3e5: {  	[tilespmem:v35+s19+$0x0] =	vst.idx.msk $0xffff, v46;
	v57 =	vor.u32 v5, v33;
	v61 =	vand.u32 $0x7F, v50;
	v38 =	vand.u32 $0xFFFFFC00, v38;
	v35 =	vld.idx.msk [tilespmem:v37+s15+$0x0], $0xffff  }
0x3e6: {  	v37 =	vor.u32 v6, v33;
	[tilespmem:v51+s19+$0x0] =	vst.idx.msk $0xffff, v47;
	v54 =	vld.idx.msk [tilespmem:v62+s18+$0x0], $0xffff;
	v62 =	vadd.s32 v13, v29  }
0x3e7: {  	v59 =	vadd.s32 v7, v34;
	v38 =	vor.u32 v61, v38;
	[tilespmem:v63+s19+$0x0] =	vst.idx.msk $0xffff, v43;
	v63 =	vld.idx.msk [tilespmem:v41+s2+$0x0], $0xffff  }
0x3e8: {  	[tilespmem:v60+s19+$0x0] =	vst.idx.msk $0xffff, v49;
	v60 =	vadd.s32 v2, v38;
	v41 =	vld.idx.msk [tilespmem:v41+s15+$0x0], $0xffff  }
0x3e9: {  	v52 =	vld.idx.msk [tilespmem:v52+s18+$0x0], $0xffff;
	[tilespmem:v58+s19+$0x0] =	vst.idx.msk $0xffff, v42  }
0x3ea: {  	[tilespmem:v57+s19+$0x0] =	vst.idx.msk $0xffff, v44;
	v44 =	vld.idx.msk [tilespmem:v53+s2+$0x0], $0xffff  }
0x3eb: {  	[tilespmem:v37+s19+$0x0] =	vst.idx.msk $0xffff, v35;
	v42 =	vld.idx.msk [tilespmem:v62+s18+$0x0], $0xffff  }
0x3ec: {  	v37 =	vld.idx.msk [tilespmem:v59+s18+$0x0], $0xffff  }
0x3ed: {  	v61 =	vor.u32 v17, v26;
	v35 =	vshll.u32 v45, $0x8;
	v46 =	vld.idx.msk [tilespmem:v60+s18+$0x0], $0xffff  }
0x3ee: {  	v43 =	vld.idx.msk [tilespmem:v48+s2+$0x0], $0xffff;
	v60 =	vor.u32 v0, v35  }
0x3ef: {  	v55 =	vor.u32 v8, v31;
	v49 =	vld.idx.msk [tilespmem:v54+s2+$0x0], $0xffff  }
0x3f0: {  	v56 =	vor.u32 v9, v31;
	v54 =	vld.idx.msk [tilespmem:v54+s15+$0x0], $0xffff  }
0x3f1: {  	v58 =	vor.u32 v20, v25;
	v57 =	vld.idx.msk [tilespmem:v52+s2+$0x0], $0xffff  }
0x3f2: {  	[tilespmem:v61+s19+$0x0] =	vst.idx.msk $0xffff, v63;
	v45 =	vld.idx.msk [tilespmem:v52+s15+$0x0], $0xffff;
	v52 =	vor.u32 v18, v26  }
0x3f3: {  	v59 =	vadd.s32 v19, v40;
	v48 =	vld.idx.msk [tilespmem:v48+s15+$0x0], $0xffff;
	[tilespmem:v60+s19+$0x0] =	vst.idx.msk $0xffff, v43  }
0x3f4: {  	v47 =	vor.u32 v21, v25;
	[tilespmem:v55+s19+$0x0] =	vst.idx.msk $0xffff, v49;
	v51 =	vld.idx.msk [tilespmem:v37+s2+$0x0], $0xffff  }
0x3f5: {  	v62 =	vor.u32 v14, v27;
	v55 =	vld.idx.msk [tilespmem:v46+s2+$0x0], $0xffff;
	[tilespmem:v56+s19+$0x0] =	vst.idx.msk $0xffff, v54  }
0x3f6: {  	v49 =	vor.u32 v3, v35;
	v54 =	vadd.s32 v10, v32;
	v61 =	vld.idx.msk [tilespmem:v46+s15+$0x0], $0xffff;
	[tilespmem:v58+s19+$0x0] =	vst.idx.msk $0xffff, v57  }
0x3f7: {  	v39 =	vadd.s32 v22, v39;
	v57 =	vld.idx.msk [tilespmem:v37+s15+$0x0], $0xffff;
	v58 =	vor.u32 v8, v33;
	[tilespmem:v52+s19+$0x0] =	vst.idx.msk $0xffff, v41  }
0x3f8: {  	v56 =	vadd.s32 v4, v36;
	v37 =	vshll.u32 v50, $0x8;
	v41 =	vor.u32 v9, v33;
	v46 =	vld.idx.msk [tilespmem:v59+s18+$0x0], $0xffff  }
0x3f9: {  	[tilespmem:v47+s19+$0x0] =	vst.idx.msk $0xffff, v45;
	v45 =	vor.u32 v0, v37;
	v59 =	vld.idx.msk [tilespmem:v53+s15+$0x0], $0xffff  }
0x3fa: {  	v60 =	vor.u32 v15, v27;
	v50 =	vadd.s32 v10, v34;
	[tilespmem:v62+s19+$0x0] =	vst.idx.msk $0xffff, v44;
	v53 =	vld.idx.msk [tilespmem:v42+s2+$0x0], $0xffff  }
0x3fb: {  	v63 =	vor.u32 v3, v37;
	v62 =	vadd.s32 v16, v30;
	[tilespmem:v49+s19+$0x0] =	vst.idx.msk $0xffff, v48;
	v49 =	vld.idx.msk [tilespmem:v54+s18+$0x0], $0xffff  }
0x3fc: {  	v43 =	vadd.s32 v22, v40;
	v39 =	vld.idx.msk [tilespmem:v39+s18+$0x0], $0xffff;
	[tilespmem:v58+s19+$0x0] =	vst.idx.msk $0xffff, v51  }
0x3fd: {  	v52 =	vor.u32 v20, v26;
	v48 =	vor.u32 v21, v26;
	v47 =	vld.idx.msk [tilespmem:v56+s18+$0x0], $0xffff;
	[tilespmem:v41+s19+$0x0] =	vst.idx.msk $0xffff, v57  }
0x3fe: {  	v54 =	vld.idx.msk [tilespmem:v42+s15+$0x0], $0xffff;
	v56 =	vor.u32 v14, v28;
	v51 =	vor.u32 v11, v31;
	[tilespmem:v45+s19+$0x0] =	vst.idx.msk $0xffff, v55  }
0x3ff: {  	v57 =	vor.u32 v15, v28;
	v45 =	vadd.s32 v13, v32;
	[tilespmem:v60+s19+$0x0] =	vst.idx.msk $0xffff, v59;
	v42 =	vld.idx.msk [tilespmem:v50+s18+$0x0], $0xffff  }
0x400: {  	s24 =	simm.s32 $0x8;
	v55 =	vadd.s32 v16, v29;
	[tilespmem:v63+s19+$0x0] =	vst.idx.msk $0xffff, v61;
	v50 =	vor.u32 v12, v31;
	v44 =	vld.idx.msk [tilespmem:v62+s18+$0x0], $0xffff  }
.LBB2_8:
0x401: {  	v58 =	vadd.s32 s24, v0;
	s25 =	sadd.s32 $0x1, s24;
	v59 =	vor.u32 v5, v35  }
0x402: {  	p0 =	slt.u32 s24, $0xC6;
	v60 =	vadd.s32 v4, v38;
	v61 =	vld.idx.msk [tilespmem:v46+s2+$0x0], $0xffff;
	v40 =	vmovc v36;
	v41 =	vmovc v29;
	v29 =	vmov v34;
	v34 =	vmov v38;
	s26 =	smov.u32 s24;
	s24 =	sadd.s32 $0x2, s24  }
0x403: {  	vm0 =	vgt.u32 v58, $0xC7;
	v36 =	vadd.s32 s26, v1;
	v38 =	vadd.s32 s25, v0;
	v62 =	vld.idx.msk [tilespmem:v49+s2+$0x0], $0xffff;
	[tilespmem:v56+s19+$0x0] =	vst.idx.msk $0xffff, v53  }
0x404: {  	v53 =	vadd.s32 s25, v1;
	v36 =	vsel vm0, v36, v58;
	vm0 =	vgt.u32 v38, $0xC7;
	v49 =	vld.idx.msk [tilespmem:v49+s15+$0x0], $0xffff;
	[tilespmem:v57+s19+$0x0] =	vst.idx.msk $0xffff, v54  }
0x405: {  	v54 =	vshll.u32 v36, $0x3;
	v56 =	vshll.u32 v36, $0x8;
	v53 =	vsel vm0, v53, v38;
	v46 =	vld.idx.msk [tilespmem:v46+s15+$0x0], $0xffff  }
0x406: {  	v36 =	vand.u32 $0x7F, v36;
	v38 =	vand.u32 $0xFFFFFC00, v54;
	v54 =	vshll.u32 v53, $0x3;
	v55 =	vld.idx.msk [tilespmem:v55+s18+$0x0], $0xffff  }
0x407: {  	v36 =	vor.u32 v36, v38;
	v38 =	vand.u32 $0x7F, v53;
	v54 =	vand.u32 $0xFFFFFC00, v54;
	v57 =	vld.idx.msk [tilespmem:v47+s2+$0x0], $0xffff  }
0x408: {  	v58 =	vadd.s32 v2, v36;
	v38 =	vor.u32 v38, v54;
	v54 =	vld.idx.msk [tilespmem:v42+s2+$0x0], $0xffff;
	[tilespmem:v52+s19+$0x0] =	vst.idx.msk $0xffff, v61  }
0x409: {  	v53 =	vshll.u32 v53, $0x8;
	v52 =	vadd.s32 v2, v38;
	v60 =	vld.idx.msk [tilespmem:v60+s18+$0x0], $0xffff;
	[tilespmem:v51+s19+$0x0] =	vst.idx.msk $0xffff, v62  }
0x40a: {  	v47 =	vld.idx.msk [tilespmem:v47+s15+$0x0], $0xffff;
	[tilespmem:v50+s19+$0x0] =	vst.idx.msk $0xffff, v49  }
0x40b: {  	v49 =	vor.u32 v6, v35;
	v50 =	vld.idx.msk [tilespmem:v44+s2+$0x0], $0xffff;
	[tilespmem:v48+s19+$0x0] =	vst.idx.msk $0xffff, v46  }
0x40c: {  	v46 =	vor.u32 v17, v27;
	v43 =	vld.idx.msk [tilespmem:v43+s18+$0x0], $0xffff  }
0x40d: {  	[tilespmem:v59+s19+$0x0] =	vst.idx.msk $0xffff, v57;
	v45 =	vld.idx.msk [tilespmem:v45+s18+$0x0], $0xffff  }
0x40e: {  	v48 =	vld.idx.msk [tilespmem:v55+s2+$0x0], $0xffff  }
0x40f: {  	v57 =	vadd.s32 v7, v40;
	v51 =	vld.idx.msk [tilespmem:v58+s18+$0x0], $0xffff  }
0x410: {  	[tilespmem:v49+s19+$0x0] =	vst.idx.msk $0xffff, v47;
	v44 =	vld.idx.msk [tilespmem:v44+s15+$0x0], $0xffff  }
0x411: {  	v47 =	vld.idx.msk [tilespmem:v60+s15+$0x0], $0xffff;
	[tilespmem:v46+s19+$0x0] =	vst.idx.msk $0xffff, v50;
	v46 =	vor.u32 v18, v27  }
0x412: {  	v58 =	vadd.s32 v19, v30;
	v50 =	vor.u32 v11, v33;
	v49 =	vld.idx.msk [tilespmem:v60+s2+$0x0], $0xffff  }
0x413: {  	v59 =	vor.u32 v5, v37;
	v42 =	vld.idx.msk [tilespmem:v42+s15+$0x0], $0xffff  }
0x414: {  	v60 =	vor.u32 v12, v33;
	v57 =	vld.idx.msk [tilespmem:v57+s18+$0x0], $0xffff  }
0x415: {  	v61 =	vor.u32 v6, v37;
	v62 =	vld.idx.msk [tilespmem:v43+s2+$0x0], $0xffff  }
0x416: {  	v63 =	vadd.s32 v7, v34;
	[tilespmem:v46+s19+$0x0] =	vst.idx.msk $0xffff, v44;
	v43 =	vld.idx.msk [tilespmem:v43+s15+$0x0], $0xffff;
	v44 =	vor.u32 v23, v26  }
0x417: {  	v46 =	vadd.s32 v13, v29;
	[tilespmem:v50+s19+$0x0] =	vst.idx.msk $0xffff, v54;
	v50 =	vld.idx.msk [tilespmem:v58+s18+$0x0], $0xffff;
	v54 =	vor.u32 v24, v26  }
0x418: {  	v26 =	vmovc v28;
	v28 =	vmov v33;
	v33 =	vmov v37;
	v37 =	vmov v53;
	[tilespmem:v59+s19+$0x0] =	vst.idx.msk $0xffff, v49;
	v49 =	vld.idx.msk [tilespmem:v39+s2+$0x0], $0xffff  }
0x419: {  	[tilespmem:v60+s19+$0x0] =	vst.idx.msk $0xffff, v42;
	v39 =	vld.idx.msk [tilespmem:v39+s15+$0x0], $0xffff;
	v42 =	vor.u32 v23, v25  }
0x41a: {  	[tilespmem:v61+s19+$0x0] =	vst.idx.msk $0xffff, v47;
	v53 =	vld.idx.msk [tilespmem:v45+s2+$0x0], $0xffff;
	v47 =	vor.u32 v24, v25;
	v25 =	vmov v27;
	v27 =	vmov v31  }
0x41b: {  	v31 =	vmov v35;
	v35 =	vmov v56;
	v58 =	vld.idx.msk [tilespmem:v63+s18+$0x0], $0xffff;
	[tilespmem:v44+s19+$0x0] =	vst.idx.msk $0xffff, v62  }
0x41c: {  	v44 =	vld.idx.msk [tilespmem:v46+s18+$0x0], $0xffff;
	[tilespmem:v54+s19+$0x0] =	vst.idx.msk $0xffff, v43  }
0x41d: {  	v43 =	vld.idx.msk [tilespmem:v51+s2+$0x0], $0xffff  }
0x41e: {  	v46 =	vld.idx.msk [tilespmem:v52+s18+$0x0], $0xffff;
	v52 =	vor.u32 v17, v26;
	[tilespmem:v42+s19+$0x0] =	vst.idx.msk $0xffff, v49  }
0x41f: {  	v42 =	vld.idx.msk [tilespmem:v57+s2+$0x0], $0xffff;
	[tilespmem:v47+s19+$0x0] =	vst.idx.msk $0xffff, v39  }
0x420: {  	v47 =	vor.u32 v8, v31;
	v39 =	vld.idx.msk [tilespmem:v57+s15+$0x0], $0xffff  }
0x421: {  	v49 =	vor.u32 v9, v31;
	v54 =	vld.idx.msk [tilespmem:v50+s2+$0x0], $0xffff  }
0x422: {  	v56 =	vor.u32 v20, v25;
	v55 =	vld.idx.msk [tilespmem:v55+s15+$0x0], $0xffff  }
0x423: {  	v50 =	vld.idx.msk [tilespmem:v50+s15+$0x0], $0xffff;
	[tilespmem:v52+s19+$0x0] =	vst.idx.msk $0xffff, v48;
	v48 =	vor.u32 v18, v26  }
0x424: {  	v59 =	vadd.s32 v19, v41;
	v57 =	vor.u32 v21, v25;
	v52 =	vld.idx.msk [tilespmem:v58+s2+$0x0], $0xffff  }
0x425: {  	v60 =	vor.u32 v0, v35;
	v51 =	vld.idx.msk [tilespmem:v51+s15+$0x0], $0xffff;
	[tilespmem:v47+s19+$0x0] =	vst.idx.msk $0xffff, v42  }
0x426: {  	v42 =	vor.u32 v3, v35;
	v61 =	vld.idx.msk [tilespmem:v46+s2+$0x0], $0xffff;
	[tilespmem:v49+s19+$0x0] =	vst.idx.msk $0xffff, v39;
	v39 =	vadd.s32 v10, v40  }
0x427: {  	v63 =	vor.u32 v14, v27;
	v47 =	vadd.s32 v4, v36;
	v62 =	vld.idx.msk [tilespmem:v46+s15+$0x0], $0xffff;
	[tilespmem:v56+s19+$0x0] =	vst.idx.msk $0xffff, v54  }
0x428: {  	v56 =	vor.u32 v8, v33;
	v54 =	vld.idx.msk [tilespmem:v58+s15+$0x0], $0xffff;
	[tilespmem:v48+s19+$0x0] =	vst.idx.msk $0xffff, v55  }
0x429: {  	v48 =	vor.u32 v9, v33;
	[tilespmem:v57+s19+$0x0] =	vst.idx.msk $0xffff, v50;
	v46 =	vld.idx.msk [tilespmem:v59+s18+$0x0], $0xffff  }
0x42a: {  	v55 =	vadd.s32 v10, v34;
	v50 =	vor.u32 v0, v37;
	[tilespmem:v60+s19+$0x0] =	vst.idx.msk $0xffff, v43;
	v58 =	vld.idx.msk [tilespmem:v45+s15+$0x0], $0xffff  }
0x42b: {  	[tilespmem:v42+s19+$0x0] =	vst.idx.msk $0xffff, v51;
	v49 =	vld.idx.msk [tilespmem:v39+s18+$0x0], $0xffff;
	v39 =	vor.u32 v15, v27;
	v51 =	vadd.s32 v22, v30  }
0x42c: {  	v59 =	vor.u32 v3, v37;
	v60 =	vadd.s32 v16, v32;
	v47 =	vld.idx.msk [tilespmem:v47+s18+$0x0], $0xffff;
	[tilespmem:v63+s19+$0x0] =	vst.idx.msk $0xffff, v53  }
.Ltmp3:
0x42d: {  	v43 =	vadd.s32 v22, v41;
	v30 =	vmov v32;
	v32 =	vmov v40;
	[tilespmem:v56+s19+$0x0] =	vst.idx.msk $0xffff, v52;
	v53 =	vld.idx.msk [tilespmem:v44+s2+$0x0], $0xffff;
	(pc) =	sbr.rel @p0 .LBB2_8-.Ltmp3, $4  }
0x42e: {  	v56 =	vor.u32 v14, v28;
	[tilespmem:v48+s19+$0x0] =	vst.idx.msk $0xffff, v54;
	v54 =	vld.idx.msk [tilespmem:v44+s15+$0x0], $0xffff;
	v48 =	vor.u32 v21, v26  }
0x42f: {  	v57 =	vor.u32 v15, v28;
	v52 =	vor.u32 v20, v26;
	[tilespmem:v50+s19+$0x0] =	vst.idx.msk $0xffff, v61;
	v42 =	vld.idx.msk [tilespmem:v55+s18+$0x0], $0xffff  }
0x430: {  	v45 =	vadd.s32 v13, v32;
	v55 =	vadd.s32 v16, v29;
	[tilespmem:v39+s19+$0x0] =	vst.idx.msk $0xffff, v58;
	v39 =	vld.idx.msk [tilespmem:v51+s18+$0x0], $0xffff  }
0x431: {  	v50 =	vor.u32 v12, v31;
	v51 =	vor.u32 v11, v31;
	[tilespmem:v59+s19+$0x0] =	vst.idx.msk $0xffff, v62;
	v44 =	vld.idx.msk [tilespmem:v60+s18+$0x0], $0xffff  }
0x432: {  	v40 =	vadd.s32 v4, v38;
	_ =	sdelay $0x4  }
0x433: {  	v40 =	vld.idx.msk [tilespmem:v40+s18+$0x0], $0xffff;
	_ =	sdelay $0x7  }
0x434: {  	v41 =	vld.idx.msk [tilespmem:v40+s2+$0x0], $0xffff;
	_ =	sdelay $0x4  }
0x435: {  	[tilespmem:$0x1FF80] =	vst v41  }
0x436: {  	v40 =	vld.idx.msk [tilespmem:v40+s15+$0x0], $0xffff  }
0x437: {  	v58 =	vor.u32 v5, v37;
	v41 =	vld [tilespmem:$0x1FF80];
	_ =	sdelay $0x3  }
0x438: {  	[tilespmem:$0x1FF90] =	vst v40  }
0x439: {  	[tilespmem:v58+s19+$0x0] =	vst.idx.msk $0xffff, v41  }
0x43a: {  	v59 =	vor.u32 v6, v37;
	v41 =	vld [tilespmem:$0x1FF90]  }
0x43b: {  	v60 =	vor.u32 v5, v35;
	v62 =	vadd.s32 v7, v38;
	v61 =	vld.idx.msk [tilespmem:v47+s2+$0x0], $0xffff  }
0x43c: {  	v63 =	vor.u32 v6, v35;
	v47 =	vld.idx.msk [tilespmem:v47+s15+$0x0], $0xffff  }
0x43d: {  	v40 =	vadd.s32 v7, v36;
	_ =	sdelay $0x1  }
0x43e: {  	[tilespmem:v59+s19+$0x0] =	vst.idx.msk $0xffff, v41  }
0x43f: {  	[tilespmem:v60+s19+$0x0] =	vst.idx.msk $0xffff, v61;
	v58 =	vld.idx.msk [tilespmem:v62+s18+$0x0], $0xffff  }
0x440: {  	v41 =	vld.idx.msk [tilespmem:v46+s2+$0x0], $0xffff;
	[tilespmem:v63+s19+$0x0] =	vst.idx.msk $0xffff, v47  }
0x441: {  	v40 =	vld.idx.msk [tilespmem:v40+s18+$0x0], $0xffff  }
0x442: {  	v61 =	vld.idx.msk [tilespmem:v46+s15+$0x0], $0xffff;
	_ =	sdelay $0x1  }
0x443: {  	v47 =	vld.idx.msk [tilespmem:v49+s2+$0x0], $0xffff  }
0x444: {  	v49 =	vld.idx.msk [tilespmem:v49+s15+$0x0], $0xffff  }
0x445: {  	[tilespmem:v52+s19+$0x0] =	vst.idx.msk $0xffff, v41;
	v41 =	vld.idx.msk [tilespmem:v42+s2+$0x0], $0xffff  }
0x446: {  	[tilespmem:v48+s19+$0x0] =	vst.idx.msk $0xffff, v61;
	v48 =	vor.u32 v8, v37;
	v46 =	vld.idx.msk [tilespmem:v58+s2+$0x0], $0xffff  }
0x447: {  	[tilespmem:v56+s19+$0x0] =	vst.idx.msk $0xffff, v53;
	v62 =	vor.u32 v9, v37;
	v52 =	vld.idx.msk [tilespmem:v58+s15+$0x0], $0xffff  }
0x448: {  	[tilespmem:v57+s19+$0x0] =	vst.idx.msk $0xffff, v54;
	v63 =	vadd.s32 v10, v38;
	v61 =	vor.u32 v8, v35;
	v60 =	vld.idx.msk [tilespmem:v40+s2+$0x0], $0xffff  }
0x449: {  	[tilespmem:v51+s19+$0x0] =	vst.idx.msk $0xffff, v47;
	v40 =	vld.idx.msk [tilespmem:v40+s15+$0x0], $0xffff;
	v58 =	vor.u32 v9, v35  }
0x44a: {  	v59 =	vadd.s32 v10, v36;
	[tilespmem:v50+s19+$0x0] =	vst.idx.msk $0xffff, v49;
	v43 =	vld.idx.msk [tilespmem:v43+s18+$0x0], $0xffff  }
0x44b: {  	v42 =	vld.idx.msk [tilespmem:v42+s15+$0x0], $0xffff;
	[tilespmem:v48+s19+$0x0] =	vst.idx.msk $0xffff, v46  }
0x44c: {  	v51 =	vor.u32 v11, v33;
	v49 =	vld.idx.msk [tilespmem:v44+s2+$0x0], $0xffff;
	[tilespmem:v62+s19+$0x0] =	vst.idx.msk $0xffff, v52  }
0x44d: {  	v46 =	vor.u32 v12, v33;
	[tilespmem:v61+s19+$0x0] =	vst.idx.msk $0xffff, v60;
	v54 =	vld.idx.msk [tilespmem:v63+s18+$0x0], $0xffff  }
0x44e: {  	v48 =	vor.u32 v17, v27;
	[tilespmem:v58+s19+$0x0] =	vst.idx.msk $0xffff, v40;
	v63 =	vld.idx.msk [tilespmem:v44+s15+$0x0], $0xffff  }
0x44f: {  	v60 =	vor.u32 v18, v27;
	v62 =	vadd.s32 v13, v34;
	v50 =	vld.idx.msk [tilespmem:v59+s18+$0x0], $0xffff  }
0x450: {  	v53 =	vld.idx.msk [tilespmem:v55+s18+$0x0], $0xffff;
	v61 =	vadd.s32 v19, v30  }
0x451: {  	v45 =	vld.idx.msk [tilespmem:v45+s18+$0x0], $0xffff;
	[tilespmem:v51+s19+$0x0] =	vst.idx.msk $0xffff, v41  }
0x452: {  	v41 =	vld.idx.msk [tilespmem:v43+s2+$0x0], $0xffff;
	[tilespmem:v46+s19+$0x0] =	vst.idx.msk $0xffff, v42  }
0x453: {  	v40 =	vld.idx.msk [tilespmem:v43+s15+$0x0], $0xffff;
	[tilespmem:v48+s19+$0x0] =	vst.idx.msk $0xffff, v49  }
0x454: {  	v42 =	vld.idx.msk [tilespmem:v62+s18+$0x0], $0xffff;
	[tilespmem:v60+s19+$0x0] =	vst.idx.msk $0xffff, v63  }
0x455: {  	v43 =	vld.idx.msk [tilespmem:v61+s18+$0x0], $0xffff  }
0x456: {  	v62 =	vor.u32 v11, v37;
	v44 =	vld.idx.msk [tilespmem:v54+s2+$0x0], $0xffff  }
0x457: {  	v49 =	vor.u32 v11, v35;
	v51 =	vld.idx.msk [tilespmem:v50+s2+$0x0], $0xffff  }
0x458: {  	v63 =	vor.u32 v12, v37;
	v47 =	vld.idx.msk [tilespmem:v54+s15+$0x0], $0xffff  }
0x459: {  	v60 =	vadd.s32 v13, v38;
	v61 =	vor.u32 v12, v35;
	v50 =	vld.idx.msk [tilespmem:v50+s15+$0x0], $0xffff  }
0x45a: {  	v57 =	vadd.s32 v13, v36;
	v55 =	vld.idx.msk [tilespmem:v45+s2+$0x0], $0xffff  }
0x45b: {  	v45 =	vld.idx.msk [tilespmem:v45+s15+$0x0], $0xffff;
	[tilespmem:v62+s19+$0x0] =	vst.idx.msk $0xffff, v44  }
0x45c: {  	v46 =	vor.u32 v14, v31;
	v58 =	vld.idx.msk [tilespmem:v42+s2+$0x0], $0xffff;
	[tilespmem:v49+s19+$0x0] =	vst.idx.msk $0xffff, v51  }
0x45d: {  	v59 =	vor.u32 v14, v33;
	v42 =	vld.idx.msk [tilespmem:v42+s15+$0x0], $0xffff;
	[tilespmem:v63+s19+$0x0] =	vst.idx.msk $0xffff, v47  }
0x45e: {  	v62 =	vor.u32 v15, v33;
	[tilespmem:v61+s19+$0x0] =	vst.idx.msk $0xffff, v50;
	v48 =	vld.idx.msk [tilespmem:v60+s18+$0x0], $0xffff  }
0x45f: {  	v63 =	vadd.s32 v16, v34;
	v60 =	vor.u32 v15, v31;
	v51 =	vld.idx.msk [tilespmem:v57+s18+$0x0], $0xffff  }
0x460: {  	v61 =	vadd.s32 v16, v32  }
0x461: {  	[tilespmem:v46+s19+$0x0] =	vst.idx.msk $0xffff, v55  }
0x462: {  	v56 =	vld.idx.msk [tilespmem:v53+s2+$0x0], $0xffff;
	[tilespmem:v59+s19+$0x0] =	vst.idx.msk $0xffff, v58  }
0x463: {  	v46 =	vld.idx.msk [tilespmem:v53+s15+$0x0], $0xffff;
	[tilespmem:v62+s19+$0x0] =	vst.idx.msk $0xffff, v42;
	v62 =	vor.u32 v17, v28  }
0x464: {  	v47 =	vor.u32 v18, v28;
	v44 =	vld.idx.msk [tilespmem:v63+s18+$0x0], $0xffff;
	[tilespmem:v60+s19+$0x0] =	vst.idx.msk $0xffff, v45  }
0x465: {  	v63 =	vadd.s32 v19, v29;
	v49 =	vld.idx.msk [tilespmem:v61+s18+$0x0], $0xffff  }
0x466: {  	v60 =	vor.u32 v14, v37;
	v50 =	vld.idx.msk [tilespmem:v48+s2+$0x0], $0xffff  }
0x467: {  	v55 =	vor.u32 v14, v35;
	v42 =	vld.idx.msk [tilespmem:v51+s2+$0x0], $0xffff  }
0x468: {  	v61 =	vor.u32 v15, v37;
	v48 =	vld.idx.msk [tilespmem:v48+s15+$0x0], $0xffff;
	[tilespmem:v62+s19+$0x0] =	vst.idx.msk $0xffff, v56  }
0x469: {  	v62 =	vadd.s32 v16, v38;
	[tilespmem:v47+s19+$0x0] =	vst.idx.msk $0xffff, v46;
	v46 =	vld.idx.msk [tilespmem:v51+s15+$0x0], $0xffff;
	v47 =	vor.u32 v15, v35  }
0x46a: {  	v45 =	vld.idx.msk [tilespmem:v63+s18+$0x0], $0xffff;
	v63 =	vadd.s32 v16, v36  }
0x46b: {  	[tilespmem:v60+s19+$0x0] =	vst.idx.msk $0xffff, v50  }
0x46c: {  	v57 =	vld.idx.msk [tilespmem:v44+s2+$0x0], $0xffff;
	[tilespmem:v55+s19+$0x0] =	vst.idx.msk $0xffff, v42  }
0x46d: {  	v44 =	vld.idx.msk [tilespmem:v44+s15+$0x0], $0xffff;
	v60 =	vor.u32 v17, v33;
	[tilespmem:v61+s19+$0x0] =	vst.idx.msk $0xffff, v48  }
0x46e: {  	v61 =	vor.u32 v18, v33;
	[tilespmem:v47+s19+$0x0] =	vst.idx.msk $0xffff, v46;
	v42 =	vld.idx.msk [tilespmem:v62+s18+$0x0], $0xffff  }
0x46f: {  	v62 =	vadd.s32 v19, v34;
	v46 =	vld.idx.msk [tilespmem:v63+s18+$0x0], $0xffff  }
0x470: {  	v53 =	vld.idx.msk [tilespmem:v43+s2+$0x0], $0xffff  }
0x471: {  	v43 =	vld.idx.msk [tilespmem:v43+s15+$0x0], $0xffff  }
0x472: {  	v50 =	vor.u32 v17, v31;
	v51 =	vld.idx.msk [tilespmem:v49+s2+$0x0], $0xffff;
	[tilespmem:v60+s19+$0x0] =	vst.idx.msk $0xffff, v57  }
0x473: {  	v49 =	vld.idx.msk [tilespmem:v49+s15+$0x0], $0xffff;
	v63 =	vor.u32 v20, v27;
	[tilespmem:v61+s19+$0x0] =	vst.idx.msk $0xffff, v44  }
0x474: {  	v44 =	vor.u32 v18, v31;
	v48 =	vld.idx.msk [tilespmem:v62+s18+$0x0], $0xffff  }
0x475: {  	v54 =	vor.u32 v21, v27;
	v55 =	vld.idx.msk [tilespmem:v45+s2+$0x0], $0xffff  }
0x476: {  	v60 =	vadd.s32 v19, v32;
	v62 =	vor.u32 v17, v37;
	v61 =	vld.idx.msk [tilespmem:v42+s2+$0x0], $0xffff  }
0x477: {  	[tilespmem:v50+s19+$0x0] =	vst.idx.msk $0xffff, v51;
	v51 =	vor.u32 v17, v35;
	v50 =	vld.idx.msk [tilespmem:v46+s2+$0x0], $0xffff  }
0x478: {  	[tilespmem:v63+s19+$0x0] =	vst.idx.msk $0xffff, v53;
	v63 =	vor.u32 v18, v37;
	v42 =	vld.idx.msk [tilespmem:v42+s15+$0x0], $0xffff  }
0x479: {  	v53 =	vadd.s32 v19, v38;
	[tilespmem:v44+s19+$0x0] =	vst.idx.msk $0xffff, v49;
	v44 =	vld.idx.msk [tilespmem:v46+s15+$0x0], $0xffff;
	v46 =	vor.u32 v18, v35  }
0x47a: {  	v45 =	vld.idx.msk [tilespmem:v45+s15+$0x0], $0xffff;
	[tilespmem:v54+s19+$0x0] =	vst.idx.msk $0xffff, v43;
	v43 =	vor.u32 v20, v28;
	v54 =	vadd.s32 v19, v36  }
0x47b: {  	v49 =	vld.idx.msk [tilespmem:v60+s18+$0x0], $0xffff;
	[tilespmem:v62+s19+$0x0] =	vst.idx.msk $0xffff, v61  }
0x47c: {  	v30 =	vadd.s32 v22, v30;
	v60 =	vor.u32 v21, v28;
	v62 =	vld.idx.msk [tilespmem:v48+s2+$0x0], $0xffff;
	[tilespmem:v51+s19+$0x0] =	vst.idx.msk $0xffff, v50  }
0x47d: {  	v61 =	vadd.s32 v22, v29;
	v48 =	vld.idx.msk [tilespmem:v48+s15+$0x0], $0xffff;
	[tilespmem:v63+s19+$0x0] =	vst.idx.msk $0xffff, v42  }
0x47e: {  	v63 =	vor.u32 v20, v33;
	[tilespmem:v46+s19+$0x0] =	vst.idx.msk $0xffff, v44;
	v47 =	vld.idx.msk [tilespmem:v53+s18+$0x0], $0xffff  }
0x47f: {  	v58 =	vor.u32 v21, v33;
	[tilespmem:v43+s19+$0x0] =	vst.idx.msk $0xffff, v55;
	v43 =	vld.idx.msk [tilespmem:v54+s18+$0x0], $0xffff  }
0x480: {  	v52 =	vld.idx.msk [tilespmem:v39+s2+$0x0], $0xffff;
	v59 =	vadd.s32 v22, v34  }
0x481: {  	v30 =	vld.idx.msk [tilespmem:v30+s18+$0x0], $0xffff;
	[tilespmem:v60+s19+$0x0] =	vst.idx.msk $0xffff, v45  }
0x482: {  	v60 =	vor.u32 v23, v26;
	v29 =	vld.idx.msk [tilespmem:v61+s18+$0x0], $0xffff  }
0x483: {  	v26 =	vor.u32 v24, v26;
	v61 =	vld.idx.msk [tilespmem:v49+s2+$0x0], $0xffff;
	[tilespmem:v63+s19+$0x0] =	vst.idx.msk $0xffff, v62  }
0x484: {  	v46 =	vld.idx.msk [tilespmem:v49+s15+$0x0], $0xffff;
	v62 =	vor.u32 v20, v31;
	[tilespmem:v58+s19+$0x0] =	vst.idx.msk $0xffff, v48  }
0x485: {  	v63 =	vor.u32 v21, v31;
	v34 =	vld.idx.msk [tilespmem:v59+s18+$0x0], $0xffff  }
0x486: {  	v54 =	vor.u32 v20, v37;
	v55 =	vld.idx.msk [tilespmem:v47+s2+$0x0], $0xffff  }
0x487: {  	v32 =	vadd.s32 v22, v32;
	[tilespmem:v60+s19+$0x0] =	vst.idx.msk $0xffff, v41;
	v58 =	vor.u32 v20, v35;
	v57 =	vld.idx.msk [tilespmem:v43+s2+$0x0], $0xffff  }
0x488: {  	v56 =	vor.u32 v21, v37;
	[tilespmem:v26+s19+$0x0] =	vst.idx.msk $0xffff, v40;
	v47 =	vld.idx.msk [tilespmem:v47+s15+$0x0], $0xffff  }
0x489: {  	v59 =	vadd.s32 v22, v38;
	v60 =	vld.idx.msk [tilespmem:v43+s15+$0x0], $0xffff;
	[tilespmem:v62+s19+$0x0] =	vst.idx.msk $0xffff, v61;
	v61 =	vor.u32 v21, v35  }
0x48a: {  	v39 =	vld.idx.msk [tilespmem:v39+s15+$0x0], $0xffff;
	[tilespmem:v63+s19+$0x0] =	vst.idx.msk $0xffff, v46;
	v63 =	vadd.s32 v22, v36  }
0x48b: {  	v51 =	vld.idx.msk [tilespmem:v30+s2+$0x0], $0xffff;
	[tilespmem:v54+s19+$0x0] =	vst.idx.msk $0xffff, v55  }
0x48c: {  	v48 =	vor.u32 v23, v25;
	v32 =	vld.idx.msk [tilespmem:v32+s18+$0x0], $0xffff;
	[tilespmem:v58+s19+$0x0] =	vst.idx.msk $0xffff, v57  }
0x48d: {  	v30 =	vld.idx.msk [tilespmem:v30+s15+$0x0], $0xffff;
	v25 =	vor.u32 v24, v25;
	[tilespmem:v56+s19+$0x0] =	vst.idx.msk $0xffff, v47  }
0x48e: {  	v26 =	vor.u32 v23, v27;
	[tilespmem:v61+s19+$0x0] =	vst.idx.msk $0xffff, v60;
	v38 =	vld.idx.msk [tilespmem:v59+s18+$0x0], $0xffff  }
0x48f: {  	v27 =	vor.u32 v24, v27;
	v36 =	vld.idx.msk [tilespmem:v63+s18+$0x0], $0xffff  }
0x490: {  	v49 =	vor.u32 v23, v28;
	v62 =	vld.idx.msk [tilespmem:v29+s2+$0x0], $0xffff  }
0x491: {  	v50 =	vor.u32 v24, v28;
	[tilespmem:v48+s19+$0x0] =	vst.idx.msk $0xffff, v52;
	v29 =	vld.idx.msk [tilespmem:v29+s15+$0x0], $0xffff  }
0x492: {  	v53 =	vor.u32 v23, v33;
	[tilespmem:v25+s19+$0x0] =	vst.idx.msk $0xffff, v39;
	v25 =	vld.idx.msk [tilespmem:v34+s2+$0x0], $0xffff  }
0x493: {  	[tilespmem:v26+s19+$0x0] =	vst.idx.msk $0xffff, v51;
	v54 =	vor.u32 v24, v33;
	v34 =	vld.idx.msk [tilespmem:v34+s15+$0x0], $0xffff  }
0x494: {  	[tilespmem:v27+s19+$0x0] =	vst.idx.msk $0xffff, v30;
	v56 =	vor.u32 v23, v31;
	v55 =	vld.idx.msk [tilespmem:v32+s2+$0x0], $0xffff  }
0x495: {  	v57 =	vor.u32 v24, v31;
	[tilespmem:v49+s19+$0x0] =	vst.idx.msk $0xffff, v62;
	v26 =	vld.idx.msk [tilespmem:v32+s15+$0x0], $0xffff  }
0x496: {  	v58 =	vor.u32 v23, v37;
	[tilespmem:v50+s19+$0x0] =	vst.idx.msk $0xffff, v29;
	v27 =	vld.idx.msk [tilespmem:v38+s2+$0x0], $0xffff  }
0x497: {  	v61 =	vor.u32 v23, v35;
	[tilespmem:v53+s19+$0x0] =	vst.idx.msk $0xffff, v25;
	v60 =	vld.idx.msk [tilespmem:v36+s2+$0x0], $0xffff  }
0x498: {  	v59 =	vor.u32 v24, v37;
	[tilespmem:v54+s19+$0x0] =	vst.idx.msk $0xffff, v34;
	v25 =	vld.idx.msk [tilespmem:v38+s15+$0x0], $0xffff  }
0x499: {  	v63 =	vor.u32 v24, v35;
	v62 =	vld.idx.msk [tilespmem:v36+s15+$0x0], $0xffff;
	[tilespmem:v56+s19+$0x0] =	vst.idx.msk $0xffff, v55  }
0x49a: {  	[tilespmem:v57+s19+$0x0] =	vst.idx.msk $0xffff, v26  }
0x49b: {  	[tilespmem:v58+s19+$0x0] =	vst.idx.msk $0xffff, v27  }
0x49c: {  	s23 =	sadd.s32 $0x1, s23;
	[tilespmem:v61+s19+$0x0] =	vst.idx.msk $0xffff, v60  }
0x49d: {  	p0 =	sne.s32 s23, s13;
	[tilespmem:v59+s19+$0x0] =	vst.idx.msk $0xffff, v25  }
.Ltmp4:
0x49e: {  	[tilespmem:v63+s19+$0x0] =	vst.idx.msk $0xffff, v62;
	(pc) =	sbr.rel @p0 .LBB2_1-.Ltmp4, $4  }
0x49f: {  	[hbm4b:s12+s20] =	stream.strided.scatter [tilespmem:s19], [sflag:$0x2], $0xC800, s21, s20, $0x38;
	[tilespmem:$0x1D000] =	vst v63  }
0x4a0: {  	_ =	swait.ge [sflag:s22], $0xC800  }
0x4a1: {  	[sflag:s22] =	ssyncset.done $0x0  }
0x4a2: {  	[sflag:s22] =	ssyncadd.s32 $0xFFFF3800  }
0x4a3: {  	_ =	sfence.sel $0x180000  }
0x4a4: {  	[bflag:$0x0] =	sbarrier.arrive $0xFFFF  }
0x4a5: {  	p0 =	sne.s32 s1, $0x0;
	_ =	strace $0x90000047  }
0x4a6: {  	s0 =	sadd.s32 @!p0 $0x100000, s0;
	[bflag:$0x2] =	sbarrier.arrive $0xFFFF  }
0x4a7: {  	[sflag:s0] =	ssyncadd.tile.s32 @!p0 $0x1;
	_ =	shalt  }
.Lfunc_end2:
_tile_overlayer_lowered:
.L_overlay_start_2:
0x4a8: {  	(tag) =	ssettag $0x2  }
0x4a9: {  	s0 =	rddreg [dreg:$0x0];
	s2 =	stileid.u32  }
0x4aa: {  	s1 =	rddreg [dreg:$0x1];
	p0 =	sne.s32 s2, $0x0  }
0x4ab: {  	s3 =	rddreg [dreg:$0x2];
	[bflag:$0x3] =	sbarrier.arrive $0xFFFF;
	s2 =	simm.s32 @!p0 $0x1C03  }
0x4ac: {  	[timem:s3], [sflag:s2] =	dma.local @!p0 [hbm:s0], s1  }
0x4ad: {  	s0 =	simm.s32 @!p0 $0x3  }
0x4ae: {  	_ =	swait.ge @!p0 [sflag:s0], s1  }
0x4af: {  	s1 =	ssub.s32 @!p0 $0x0, s1;
	[sflag:s0] =	ssyncset.done @!p0 $0x0  }
0x4b0: {  	[sflag:s0] =	ssyncadd.s32 @!p0 s1  }
0x4b1: {  	[bflag:$0x3] =	sbarrier.arrive $0xFFFF  }
0x4b2: {  	_ =	shalt  }

</sc_bundles>
